<compile_context>
chip_gen: v7x
topology: tpu7x:2x2x1
jax: 0.10.2.dev20260603
libtpu: 0.0.44.dev20260713+nightly
codegen_flags: <defaults>
</compile_context>

<pallas_src>
import math

import jax
import jax.numpy as jnp
import numpy as np
from jax import lax
from jax.experimental import pallas as pl
from jax.experimental.pallas import tpu as pltpu
from jax.experimental.pallas import tpu_sc as plsc

N = 10000
E = 320000
D_IN = 128
FREQ_NUM = 16
MIN_R = 1e-06
MAX_R = 360.0
FFN_HID = 512
EMB_HID = 256
DEC_HID = 64
EMB_DIM = 64
FH = 128

NC = 2
NS = 16
K = 128
E_PAD = 327680
NCHUNK = E_PAD // K
CPT = NCHUNK // NS
GRP = 40
NGRP = CPT // GRP
DEG_CPT = NCHUNK // (NC * NS)
ROWS_PT = N // NS
DUMP = N
ACC_ROWS = N + 8

def _mesh():
    return plsc.VectorSubcoreMesh(
        core_axis_name="c", subcore_axis_name="s",
        num_cores=NC, num_subcores=NS)

_f32 = jnp.float32


def _deg_body(dstr_hbm, ones_hbm, z128_hbm, deg0_hbm, deg1_hbm,
              dst_v, ones_v, degS):
    c = lax.axis_index("c")
    s = lax.axis_index("s")
    wid = c * NS + s
    pltpu.sync_copy(z128_hbm, degS.at[pl.ds(s * ROWS_PT, ROWS_PT)])
    pltpu.sync_copy(ones_hbm, ones_v)
    pltpu.sync_copy(dstr_hbm.at[pl.ds(wid * DEG_CPT, DEG_CPT)], dst_v)
    plsc.subcore_barrier()

    @pl.loop(0, DEG_CPT)
    def _(j):
        pltpu.sync_copy(ones_v, degS.at[dst_v.at[j]], add=True)

    plsc.subcore_barrier()

    @pl.when(c == 0)
    def _():
        pltpu.sync_copy(degS.at[pl.ds(s * ROWS_PT, ROWS_PT)], deg0_hbm.at[s])

    @pl.when(c == 1)
    def _():
        pltpu.sync_copy(degS.at[pl.ds(s * ROWS_PT, ROWS_PT)], deg1_hbm.at[s])


def _deg_call(dst_r, ones, z128):
    f = pl.kernel(
        _deg_body,
        out_type=(jax.ShapeDtypeStruct((NS, ROWS_PT, FH), _f32),
                  jax.ShapeDtypeStruct((NS, ROWS_PT, FH), _f32)),
        mesh=_mesh(),
        scratch_types=[
            pltpu.VMEM((DEG_CPT, K), jnp.int32),
            pltpu.VMEM((K, FH), _f32),
            pltpu.VMEM_SHARED((ACC_ROWS, FH), _f32),
        ],
    )
    d0, d1 = f(dst_r, ones, z128)
    return d0.reshape(N, FH), d1.reshape(N, FH)


def _conv_body(gslo_hbm, gshi_hbm, srcr_hbm, dstr_hbm, z128_hbm,
               acclo_hbm, acchi_hbm,
               src_v, dst_v, rows0_v, rows1_v, gsem0, gsem1, ssem0, ssem1, accS):
    c = lax.axis_index("c")
    s = lax.axis_index("s")
    pltpu.sync_copy(z128_hbm, accS.at[pl.ds(s * ROWS_PT, ROWS_PT)])
    plsc.subcore_barrier()

    def sweep(gs_hbm):
        @pl.loop(0, NGRP)
        def _(g):
            pltpu.sync_copy(
                srcr_hbm.at[pl.ds(s * CPT + g * GRP, GRP)], src_v)
            pltpu.sync_copy(
                dstr_hbm.at[pl.ds(s * CPT + g * GRP, GRP)], dst_v)
            pltpu.async_copy(gs_hbm.at[src_v.at[0]], rows0_v, gsem0)

            @pl.loop(0, GRP - 2, step=2)
            def _(j):
                pltpu.make_async_copy(
                    gs_hbm.at[src_v.at[j]], rows0_v, gsem0).wait()
                pltpu.async_copy(gs_hbm.at[src_v.at[j + 1]], rows1_v, gsem1)
                pltpu.sync_copy(rows0_v, accS.at[dst_v.at[j]], add=True)
                pltpu.make_async_copy(
                    gs_hbm.at[src_v.at[j + 1]], rows1_v, gsem1).wait()
                pltpu.async_copy(gs_hbm.at[src_v.at[j + 2]], rows0_v, gsem0)
                pltpu.sync_copy(rows1_v, accS.at[dst_v.at[j + 1]], add=True)

            jl = GRP - 2
            pltpu.make_async_copy(
                gs_hbm.at[src_v.at[jl]], rows0_v, gsem0).wait()
            pltpu.async_copy(gs_hbm.at[src_v.at[jl + 1]], rows1_v, gsem1)
            pltpu.sync_copy(rows0_v, accS.at[dst_v.at[jl]], add=True)
            pltpu.make_async_copy(
                gs_hbm.at[src_v.at[jl + 1]], rows1_v, gsem1).wait()
            pltpu.sync_copy(rows1_v, accS.at[dst_v.at[jl + 1]], add=True)

    @pl.when(c == 0)
    def _():
        sweep(gslo_hbm)

    @pl.when(c == 1)
    def _():
        sweep(gshi_hbm)

    plsc.subcore_barrier()

    @pl.when(c == 0)
    def _():
        pltpu.sync_copy(accS.at[pl.ds(s * ROWS_PT, ROWS_PT)], acclo_hbm.at[s])

    @pl.when(c == 1)
    def _():
        pltpu.sync_copy(accS.at[pl.ds(s * ROWS_PT, ROWS_PT)], acchi_hbm.at[s])


def _conv_call(gs_lo, gs_hi, src_r, dst_r, z128):
    f = pl.kernel(
        _conv_body,
        out_type=(jax.ShapeDtypeStruct((NS, ROWS_PT, FH), _f32),
                  jax.ShapeDtypeStruct((NS, ROWS_PT, FH), _f32)),
        mesh=_mesh(),
        scratch_types=[
            pltpu.VMEM((GRP, K), jnp.int32),
            pltpu.VMEM((GRP, K), jnp.int32),
            pltpu.VMEM((K, FH), _f32),
            pltpu.VMEM((K, FH), _f32),
            pltpu.SemaphoreType.DMA,
            pltpu.SemaphoreType.DMA,
            pltpu.SemaphoreType.DMA,
            pltpu.SemaphoreType.DMA,
            pltpu.VMEM_SHARED((ACC_ROWS, FH), _f32),
        ],
    )
    a_lo, a_hi = f(gs_lo, gs_hi, src_r, dst_r, z128)
    return a_lo.reshape(N, FH), a_hi.reshape(N, FH)


def _enc_body(coords_ref, x_ref, const_ref, w1_ref, b1_ref, g1n_ref, be1_ref,
              w2_ref, b2_ref, dw1_ref, db1_ref, dw2_ref, db2_ref,
              cwa_ref, cwb_ref, deg0_ref, deg1_ref,
              g1o_ref, gslo_ref, gshi_ref):
    c0 = coords_ref[:, 0:1]
    c1 = coords_ref[:, 1:2]
    fv0 = const_ref[0:1, :]
    fv1 = const_ref[1:2, :]
    sel = const_ref[2:3, :]
    a = c0 * fv0 + c1 * fv1
    spr = sel * jnp.cos(a) + (1.0 - sel) * jnp.sin(a)
    h = jnp.maximum(
        jnp.dot(spr, w1_ref[...], preferred_element_type=_f32) + b1_ref[...],
        0.0)
    m = jnp.mean(h, axis=-1, keepdims=True)
    v = jnp.mean((h - m) ** 2, axis=-1, keepdims=True)
    h = (h - m) * lax.rsqrt(v + 1e-05) * g1n_ref[...] + be1_ref[...]
    emb = jnp.maximum(
        jnp.dot(h, w2_ref[...], preferred_element_type=_f32) + b2_ref[...],
        0.0)
    emb = jnp.tanh(
        jnp.dot(emb, dw1_ref[...], preferred_element_type=_f32) + db1_ref[...])
    emb = jnp.tanh(
        jnp.dot(emb, dw2_ref[...], preferred_element_type=_f32) + db2_ref[...])
    g1 = (jnp.dot(x_ref[...], cwa_ref[...], preferred_element_type=_f32)
          + jnp.dot(emb, cwb_ref[...], preferred_element_type=_f32))
    deg = deg0_ref[:, 0:1] + deg1_ref[:, 0:1] + 1.0
    dinv = lax.rsqrt(jnp.clip(deg, 1.0, None))
    g1o_ref[...] = g1
    gs = g1 * dinv
    gslo_ref[...] = gs[:, :FH]
    gshi_ref[...] = gs[:, FH:]


def _enc_call(coords, x, const, ffn_w1, ffn_b1, ffn_g1, ffn_be1, ffn_w2,
              ffn_b2, dec_w1, dec_b1, dec_w2, dec_b2, cwa, cwb, deg0, deg1):
    B = 2000
    G = N // B
    full = lambda shape: pl.BlockSpec(shape, lambda i: (0, 0))
    row = lambda d: pl.BlockSpec((B, d), lambda i: (i, 0))
    out_shape = (jax.ShapeDtypeStruct((N, EMB_HID), _f32),
                 jax.ShapeDtypeStruct((N, FH), _f32),
                 jax.ShapeDtypeStruct((N, FH), _f32))
    return pl.pallas_call(
        _enc_body,
        grid=(G,),
        in_specs=[
            row(2), row(D_IN), full((8, 64)),
            full((64, FFN_HID)), full((1, FFN_HID)), full((1, FFN_HID)),
            full((1, FFN_HID)),
            full((FFN_HID, EMB_HID)), full((1, EMB_HID)),
            full((EMB_HID, DEC_HID)), full((1, DEC_HID)),
            full((DEC_HID, EMB_DIM)), full((1, EMB_DIM)),
            full((D_IN, EMB_HID)), full((EMB_DIM, EMB_HID)),
            row(FH), row(FH),
        ],
        out_specs=(row(EMB_HID), row(FH), row(FH)),
        out_shape=out_shape,
    )(coords, x, const, ffn_w1, ffn_b1.reshape(1, -1), ffn_g1.reshape(1, -1),
      ffn_be1.reshape(1, -1), ffn_w2, ffn_b2.reshape(1, -1), dec_w1,
      dec_b1.reshape(1, -1), dec_w2, dec_b2.reshape(1, -1), cwa, cwb,
      deg0, deg1)


def _mid_body(acclo_ref, acchi_ref, g1_ref, deg0_ref, deg1_ref, b1_ref,
              w2a_ref, w2b_ref, g2o_ref, gslo_ref, gshi_ref):
    deg = deg0_ref[:, 0:1] + deg1_ref[:, 0:1] + 1.0
    dinv = lax.rsqrt(jnp.clip(deg, 1.0, None))
    d2 = dinv * dinv
    h_lo = jnp.maximum(
        dinv * acclo_ref[...] + d2 * g1_ref[:, :FH] + b1_ref[:, :FH], 0.0)
    h_hi = jnp.maximum(
        dinv * acchi_ref[...] + d2 * g1_ref[:, FH:] + b1_ref[:, FH:], 0.0)
    g2 = (jnp.dot(h_lo, w2a_ref[...], preferred_element_type=_f32)
          + jnp.dot(h_hi, w2b_ref[...], preferred_element_type=_f32))
    g2o_ref[...] = g2
    gs = g2 * dinv
    gslo_ref[...] = gs[:, :FH]
    gshi_ref[...] = gs[:, FH:]


def _mid_call(acc_lo, acc_hi, g1, deg0, deg1, conv1_b, w2a, w2b):
    B = 2000
    G = N // B
    full = lambda shape: pl.BlockSpec(shape, lambda i: (0, 0))
    row = lambda d: pl.BlockSpec((B, d), lambda i: (i, 0))
    out_shape = (jax.ShapeDtypeStruct((N, EMB_HID), _f32),
                 jax.ShapeDtypeStruct((N, FH), _f32),
                 jax.ShapeDtypeStruct((N, FH), _f32))
    return pl.pallas_call(
        _mid_body,
        grid=(G,),
        in_specs=[
            row(FH), row(FH), row(EMB_HID), row(FH), row(FH),
            full((1, EMB_HID)),
            full((FH, EMB_HID)), full((FH, EMB_HID)),
        ],
        out_specs=(row(EMB_HID), row(FH), row(FH)),
        out_shape=out_shape,
    )(acc_lo, acc_hi, g1, deg0, deg1, conv1_b.reshape(1, -1), w2a, w2b)


def _fin_body(acclo_ref, acchi_ref, g2_ref, deg0_ref, deg1_ref, b2_ref,
              fwa_ref, fwb_ref, fb_ref, out_ref):
    deg = deg0_ref[:, 0:1] + deg1_ref[:, 0:1] + 1.0
    dinv = lax.rsqrt(jnp.clip(deg, 1.0, None))
    d2 = dinv * dinv
    h_lo = jnp.maximum(
        dinv * acclo_ref[...] + d2 * g2_ref[:, :FH] + b2_ref[:, :FH], 0.0)
    h_hi = jnp.maximum(
        dinv * acchi_ref[...] + d2 * g2_ref[:, FH:] + b2_ref[:, FH:], 0.0)
    out = (jnp.dot(h_lo, fwa_ref[...], preferred_element_type=_f32)
           + jnp.dot(h_hi, fwb_ref[...], preferred_element_type=_f32)
           + fb_ref[...])
    out_ref[...] = out


def _fin_call(acc_lo, acc_hi, g2, deg0, deg1, conv2_b, fwa, fwb, fc_b):
    B = 2000
    G = N // B
    full = lambda shape: pl.BlockSpec(shape, lambda i: (0, 0))
    row = lambda d: pl.BlockSpec((B, d), lambda i: (i, 0))
    return pl.pallas_call(
        _fin_body,
        grid=(G,),
        in_specs=[
            row(FH), row(FH), row(EMB_HID), row(FH), row(FH),
            full((1, EMB_HID)),
            full((FH, 1)), full((FH, 1)), full((1, 1)),
        ],
        out_specs=row(1),
        out_shape=jax.ShapeDtypeStruct((N, 1), _f32),
    )(acc_lo, acc_hi, g2, deg0, deg1, conv2_b.reshape(1, -1), fwa, fwb,
      fc_b.reshape(1, 1))


def _pe_consts():
    log_inc = math.log(MAX_R / MIN_R) / (FREQ_NUM - 1.0)
    ts = MIN_R * jnp.exp(jnp.arange(FREQ_NUM, dtype=_f32) * log_inc)
    freq = 1.0 / ts
    k = np.arange(64)
    f_idx = (k // 2) % FREQ_NUM
    c_idx = k // 32
    is_cos = (k % 2).astype(np.float32)
    fv = freq[f_idx]
    fv0 = jnp.where(jnp.asarray(c_idx == 0), fv, 0.0)
    fv1 = jnp.where(jnp.asarray(c_idx == 1), fv, 0.0)
    sel = jnp.asarray(is_cos)
    const = jnp.zeros((8, 64), _f32)
    const = const.at[0].set(fv0).at[1].set(fv1).at[2].set(sel)
    return const


def kernel(x, coords, edge_index, ffn_w1, ffn_b1, ffn_g1, ffn_be1, ffn_w2,
           ffn_b2, dec_w1, dec_b1, dec_w2, dec_b2, conv1_w, conv1_b,
           conv2_w, conv2_b, fc_w, fc_b):
    src = edge_index[0]
    dst = edge_index[1]
    pad = E_PAD - E
    src_r = jnp.concatenate(
        [src, jnp.zeros((pad,), jnp.int32)]).reshape(NCHUNK, K)
    dst_r = jnp.concatenate(
        [dst, jnp.full((pad,), DUMP, jnp.int32)]).reshape(NCHUNK, K)

    ones = jnp.ones((K, FH), _f32)
    z128 = jnp.zeros((ROWS_PT, FH), _f32)
    const = _pe_consts()

    deg0, deg1 = _deg_call(dst_r, ones, z128)

    g1, gs_lo, gs_hi = _enc_call(
        coords, x, const, ffn_w1, ffn_b1, ffn_g1, ffn_be1, ffn_w2, ffn_b2,
        dec_w1, dec_b1, dec_w2, dec_b2, conv1_w[:D_IN], conv1_w[D_IN:],
        deg0, deg1)

    acc1_lo, acc1_hi = _conv_call(gs_lo, gs_hi, src_r, dst_r, z128)

    g2, gs2_lo, gs2_hi = _mid_call(
        acc1_lo, acc1_hi, g1, deg0, deg1, conv1_b, conv2_w[:FH],
        conv2_w[FH:])

    acc2_lo, acc2_hi = _conv_call(gs2_lo, gs2_hi, src_r, dst_r, z128)

    return _fin_call(acc2_lo, acc2_hi, g2, deg0, deg1, conv2_b,
                     fc_w[:FH], fc_w[FH:], fc_b)

# --- scband reference (transcript-rebuilt; emitter-appended) ---
"""Pipeline reference for scband-pegcn-53300544143544 (READ-ONLY COPY).

The authoritative reference and input builder live on the scoring server;
editing this copy changes nothing except your own understanding.
"""

import jax, jax.numpy as jnp
import numpy as np
import math

N_NODES = 10000
N_EDGES = 320000
D_IN = 128
EMB_HID = 256
EMB_DIM = 64
FREQ_NUM = 16
MIN_R = 1e-06
MAX_R = 360.0
IN_EMBED = 2 * FREQ_NUM * 2
FFN_HID = 512
DEC_HID = 64


def _freq_mat():
    log_inc = math.log(MAX_R / MIN_R) / (FREQ_NUM - 1.0)
    timescales = MIN_R * jnp.exp(jnp.arange(FREQ_NUM, dtype=jnp.float32) * log_inc)
    freq_list = 1.0 / timescales
    return jnp.repeat(freq_list[:, None], 2, axis=1)


def _ln(h, g, b, eps=1e-05):
    m = h.mean(-1, keepdims=True)
    v = ((h - m) ** 2).mean(-1, keepdims=True)
    return (h - m) / jnp.sqrt(v + eps) * g + b


def _gcn_prop(h, src, dst, n):
    loop = jnp.arange(n, dtype=src.dtype)
    s = jnp.concatenate([src, loop])
    d = jnp.concatenate([dst, loop])
    deg = jnp.zeros((n,), h.dtype).at[d].add(1.0)
    dinv = jax.lax.rsqrt(jnp.clip(deg, 1.0))
    msg = h[s] * (dinv[s] * dinv[d])[:, None]
    return jnp.zeros_like(h).at[d].add(msg)


def setup_inputs(seed: int = 0) -> dict:
    key = jax.random.key(seed)
    ks = jax.random.split(key, 20)
    x = jax.random.normal(ks[0], (N_NODES, D_IN), jnp.float32)
    coords = jax.random.uniform(ks[1], (N_NODES, 2), jnp.float32)
    edge_index = jax.random.randint(ks[2], (2, N_EDGES), 0, N_NODES, dtype=jnp.int32)
    s = 0.05
    return {
        'x': x,
        'coords': coords,
        'edge_index': edge_index,
        'ffn_w1': jax.random.normal(ks[3], (IN_EMBED, FFN_HID), jnp.float32) * s,
        'ffn_b1': jnp.zeros((FFN_HID,), jnp.float32),
        'ffn_g1': jnp.ones((FFN_HID,), jnp.float32),
        'ffn_be1': jnp.zeros((FFN_HID,), jnp.float32),
        'ffn_w2': jax.random.normal(ks[4], (FFN_HID, EMB_HID), jnp.float32) * s,
        'ffn_b2': jnp.zeros((EMB_HID,), jnp.float32),
        'dec_w1': jax.random.normal(ks[5], (EMB_HID, DEC_HID), jnp.float32) * s,
        'dec_b1': jnp.zeros((DEC_HID,), jnp.float32),
        'dec_w2': jax.random.normal(ks[6], (DEC_HID, EMB_DIM), jnp.float32) * s,
        'dec_b2': jnp.zeros((EMB_DIM,), jnp.float32),
        'conv1_w': jax.random.normal(ks[7], (D_IN + EMB_DIM, EMB_HID), jnp.float32) * s,
        'conv1_b': jnp.zeros((EMB_HID,), jnp.float32),
        'conv2_w': jax.random.normal(ks[8], (EMB_HID, EMB_HID), jnp.float32) * s,
        'conv2_b': jnp.zeros((EMB_HID,), jnp.float32),
        'fc_w': jax.random.normal(ks[9], (EMB_HID, 1), jnp.float32) * s,
        'fc_b': jnp.zeros((1,), jnp.float32),
    }


def reference(x, coords, edge_index, ffn_w1, ffn_b1, ffn_g1, ffn_be1, ffn_w2, ffn_b2, dec_w1, dec_b1, dec_w2, dec_b2, conv1_w, conv1_b, conv2_w, conv2_b, fc_w, fc_b):
    n = x.shape[0]
    src = edge_index[0]
    dst = edge_index[1]
    fm = _freq_mat()
    cm = coords[:, :, None, None] * fm
    spr = jnp.stack([jnp.sin(cm[..., 0]), jnp.cos(cm[..., 1])], axis=-1).reshape(n, -1)
    h = jax.nn.relu(spr @ ffn_w1 + ffn_b1)
    h = _ln(h, ffn_g1, ffn_be1)
    emb = jax.nn.relu(h @ ffn_w2 + ffn_b2)
    emb = jnp.tanh(emb @ dec_w1 + dec_b1)
    emb = jnp.tanh(emb @ dec_w2 + dec_b2)
    xin = jnp.concatenate([x, emb], axis=-1)
    h = jax.nn.relu(_gcn_prop(xin @ conv1_w, src, dst, n) + conv1_b)
    h = jax.nn.relu(_gcn_prop(h @ conv2_w, src, dst, n) + conv2_b)
    return h @ fc_w + fc_b

if __name__ == "__main__":
    import jax
    _d = setup_inputs()
    print(jax.jit(kernel)(*tuple(_d.values())))

</pallas_src>

<mosaic_0001>
#map = affine_map<(d0, d1) -> (0, 0)>
#map1 = affine_map<(d0, d1) -> (0, 0, 0)>
module attributes {stable_mosaic.version = 14 : i64} {
  func.func @_conv_body(%arg0: i32, %arg1: i32, %arg2: memref<10000x128xf32, #tpu.memory_space<hbm>>, %arg3: memref<10000x128xf32, #tpu.memory_space<hbm>>, %arg4: memref<2560x128xi32, #tpu.memory_space<hbm>>, %arg5: memref<2560x128xi32, #tpu.memory_space<hbm>>, %arg6: memref<625x128xf32, #tpu.memory_space<hbm>>, %arg7: memref<16x625x128xf32, #tpu.memory_space<hbm>>, %arg8: memref<16x625x128xf32, #tpu.memory_space<hbm>>, %arg9: memref<40x128xi32, #tpu.memory_space<vmem>>, %arg10: memref<40x128xi32, #tpu.memory_space<vmem>>, %arg11: memref<128x128xf32, #tpu.memory_space<vmem>>, %arg12: memref<128x128xf32, #tpu.memory_space<vmem>>, %arg13: memref<!tpu.dma_semaphore, #tpu.memory_space<semaphore_mem>>, %arg14: memref<!tpu.dma_semaphore, #tpu.memory_space<semaphore_mem>>, %arg15: memref<!tpu.dma_semaphore, #tpu.memory_space<semaphore_mem>>, %arg16: memref<!tpu.dma_semaphore, #tpu.memory_space<semaphore_mem>>, %arg17: memref<10008x128xf32, #tpu.memory_space<vmem_shared>>) attributes {dimension_semantics = [#tpu.dimension_semantics<core_parallel>, #tpu.dimension_semantics<subcore_parallel>], iteration_bounds = array<i64: 2, 16>, scalar_prefetch = 0 : i64, scratch_operands = 9 : i64, tpu.core_type = #tpu.core_type<sc_vector_subcore>, window_params = [{transform_indices = #map}, {transform_indices = #map}, {transform_indices = #map}, {transform_indices = #map}, {transform_indices = #map}, {transform_indices = #map1}, {transform_indices = #map1}]} {
    %mul3A = arith.constant 625 : i32
    %mul3A_0 = arith.muli %arg1, %mul3A : i32
    "tpu.region"() ({
      %run_scoped3A = tpu.sem_alloc : memref<!tpu.dma_semaphore, #tpu.memory_space<semaphore_mem>>
      %dma_start3A = arith.constant 0 : i32
      %dma_start3A_19 = tpu.memref_slice %arg17[%mul3A_0, %dma_start3A] : memref<10008x128xf32, #tpu.memory_space<vmem_shared>> -> memref<625x128xf32, #tpu.memory_space<vmem_shared>>
      tpu.enqueue_dma source(%arg6 : memref<625x128xf32, #tpu.memory_space<hbm>>) target(%dma_start3A_19 : memref<625x128xf32, #tpu.memory_space<vmem_shared>>) target_semaphore(%run_scoped3A : memref<!tpu.dma_semaphore, #tpu.memory_space<semaphore_mem>>)
      %dma_wait3A = arith.constant 0 : i32
      %dma_wait3A_20 = tpu.memref_slice %arg17[%mul3A_0, %dma_wait3A] : memref<10008x128xf32, #tpu.memory_space<vmem_shared>> -> memref<625x128xf32, #tpu.memory_space<vmem_shared>>
      tpu.wait_dma2 semaphore(%run_scoped3A : memref<!tpu.dma_semaphore, #tpu.memory_space<semaphore_mem>>) src(%arg6 : memref<625x128xf32, #tpu.memory_space<hbm>>) dst(%dma_wait3A_20 : memref<625x128xf32, #tpu.memory_space<vmem_shared>>)
      tpu.yield
    }) : () -> ()
    %barrier3A = arith.constant 0 : index
    tpu.barrier barrier_id(%barrier3A)
    %eq3A = arith.constant 0 : i32
    %eq3A_1 = arith.cmpi eq, %arg0, %eq3A : i32
    %convert_element_type3A = arith.extui %eq3A_1 : i1 to i32
    %cond3A = arith.constant 0 : i32
    %cond3A_2 = arith.cmpi ne, %convert_element_type3A, %cond3A : i32
    scf.if %cond3A_2 {
      %scan3A = arith.constant 0 : i32
      %scan3A_19 = arith.constant 4 : i32
      %scan3A_20 = arith.addi %scan3A, %scan3A_19 : i32
      %scan3A_21 = arith.constant 1 : i32
      scf.for %scan3A_23 = %scan3A to %scan3A_20 step %scan3A_21  : i32 {
        %mul3A_24 = arith.constant 1 : i32
        %mul3A_25 = arith.muli %scan3A_23, %mul3A_24 : i32
        %add3A = arith.constant 0 : i32
        %add3A_26 = arith.addi %add3A, %mul3A_25 : i32
        %mul3A_27 = arith.constant 160 : i32
        %mul3A_28 = arith.muli %arg1, %mul3A_27 : i32
        %mul3A_29 = arith.constant 40 : i32
        %mul3A_30 = arith.muli %add3A_26, %mul3A_29 : i32
        %add3A_31 = arith.addi %mul3A_28, %mul3A_30 : i32
        "tpu.region"() ({
          %run_scoped3A_69 = tpu.sem_alloc : memref<!tpu.dma_semaphore, #tpu.memory_space<semaphore_mem>>
          %dma_start3A_70 = arith.constant 0 : i32
          %dma_start3A_71 = tpu.memref_slice %arg4[%add3A_31, %dma_start3A_70] : memref<2560x128xi32, #tpu.memory_space<hbm>> -> memref<40x128xi32, #tpu.memory_space<hbm>>
          %dma_start3A_72 = arith.constant 0 : i32
          %dma_start3A_73 = tpu.memref_slice %arg4[%add3A_31, %dma_start3A_72] : memref<2560x128xi32, #tpu.memory_space<hbm>> -> memref<40x128xi32, #tpu.memory_space<hbm>>
          tpu.enqueue_dma source(%dma_start3A_73 : memref<40x128xi32, #tpu.memory_space<hbm>>) target(%arg9 : memref<40x128xi32, #tpu.memory_space<vmem>>) target_semaphore(%run_scoped3A_69 : memref<!tpu.dma_semaphore, #tpu.memory_space<semaphore_mem>>)
          %dma_wait3A_74 = arith.constant 0 : i32
          %dma_wait3A_75 = tpu.memref_slice %arg4[%add3A_31, %dma_wait3A_74] : memref<2560x128xi32, #tpu.memory_space<hbm>> -> memref<40x128xi32, #tpu.memory_space<hbm>>
          %dma_wait3A_76 = arith.constant 0 : i32
          %dma_wait3A_77 = tpu.memref_slice %arg4[%add3A_31, %dma_wait3A_76] : memref<2560x128xi32, #tpu.memory_space<hbm>> -> memref<40x128xi32, #tpu.memory_space<hbm>>
          tpu.wait_dma2 semaphore(%run_scoped3A_69 : memref<!tpu.dma_semaphore, #tpu.memory_space<semaphore_mem>>) src(%dma_wait3A_77 : memref<40x128xi32, #tpu.memory_space<hbm>>) dst(%arg9 : memref<40x128xi32, #tpu.memory_space<vmem>>)
          tpu.yield
        }) : () -> ()
        %mul3A_32 = arith.constant 160 : i32
        %mul3A_33 = arith.muli %arg1, %mul3A_32 : i32
        %mul3A_34 = arith.constant 40 : i32
        %mul3A_35 = arith.muli %add3A_26, %mul3A_34 : i32
        %add3A_36 = arith.addi %mul3A_33, %mul3A_35 : i32
        "tpu.region"() ({
          %run_scoped3A_69 = tpu.sem_alloc : memref<!tpu.dma_semaphore, #tpu.memory_space<semaphore_mem>>
          %dma_start3A_70 = arith.constant 0 : i32
          %dma_start3A_71 = tpu.memref_slice %arg5[%add3A_36, %dma_start3A_70] : memref<2560x128xi32, #tpu.memory_space<hbm>> -> memref<40x128xi32, #tpu.memory_space<hbm>>
          %dma_start3A_72 = arith.constant 0 : i32
          %dma_start3A_73 = tpu.memref_slice %arg5[%add3A_36, %dma_start3A_72] : memref<2560x128xi32, #tpu.memory_space<hbm>> -> memref<40x128xi32, #tpu.memory_space<hbm>>
          tpu.enqueue_dma source(%dma_start3A_73 : memref<40x128xi32, #tpu.memory_space<hbm>>) target(%arg10 : memref<40x128xi32, #tpu.memory_space<vmem>>) target_semaphore(%run_scoped3A_69 : memref<!tpu.dma_semaphore, #tpu.memory_space<semaphore_mem>>)
          %dma_wait3A_74 = arith.constant 0 : i32
          %dma_wait3A_75 = tpu.memref_slice %arg5[%add3A_36, %dma_wait3A_74] : memref<2560x128xi32, #tpu.memory_space<hbm>> -> memref<40x128xi32, #tpu.memory_space<hbm>>
          %dma_wait3A_76 = arith.constant 0 : i32
          %dma_wait3A_77 = tpu.memref_slice %arg5[%add3A_36, %dma_wait3A_76] : memref<2560x128xi32, #tpu.memory_space<hbm>> -> memref<40x128xi32, #tpu.memory_space<hbm>>
          tpu.wait_dma2 semaphore(%run_scoped3A_69 : memref<!tpu.dma_semaphore, #tpu.memory_space<semaphore_mem>>) src(%dma_wait3A_77 : memref<40x128xi32, #tpu.memory_space<hbm>>) dst(%arg10 : memref<40x128xi32, #tpu.memory_space<vmem>>)
          tpu.yield
        }) : () -> ()
        %dma_start3A = arith.constant 0 : i32
        %dma_start3A_37 = arith.constant 0 : i32
        %dma_start3A_38 = tpu.memref_slice %arg9[%dma_start3A, %dma_start3A_37] : memref<40x128xi32, #tpu.memory_space<vmem>> -> memref<1x128xi32, #tpu.memory_space<vmem>>
        %dma_start3A_39 = tpu.memref_squeeze %dma_start3A_38 : memref<1x128xi32, #tpu.memory_space<vmem>> -> memref<128xi32, #tpu.memory_space<vmem>>
        %dma_start3A_40 = arith.constant 0 : i32
        %dma_start3A_41 = arith.constant 0 : i32
        %dma_start3A_42 = tpu.memref_slice %arg2[%dma_start3A_40, %dma_start3A_41] : memref<10000x128xf32, #tpu.memory_space<hbm>> -> memref<10000x128xf32, #tpu.memory_space<hbm>>
        tpu.enqueue_indirect_dma source(%dma_start3A_42 : memref<10000x128xf32, #tpu.memory_space<hbm>>) target(%arg11 : memref<128x128xf32, #tpu.memory_space<vmem>>) offsets(%dma_start3A_39 : memref<128xi32, #tpu.memory_space<vmem>>) semaphore(%arg13 : memref<!tpu.dma_semaphore, #tpu.memory_space<semaphore_mem>>)
        %scan3A_43 = arith.constant 0 : i32
        %scan3A_44 = arith.constant 19 : i32
        %scan3A_45 = arith.addi %scan3A_43, %scan3A_44 : i32
        %scan3A_46 = arith.constant 1 : i32
        scf.for %scan3A_69 = %scan3A_43 to %scan3A_45 step %scan3A_46  : i32 {
          %mul3A_70 = arith.constant 2 : i32
          %mul3A_71 = arith.muli %scan3A_69, %mul3A_70 : i32
          %add3A_72 = arith.constant 0 : i32
          %add3A_73 = arith.addi %add3A_72, %mul3A_71 : i32
          %dma_wait3A_74 = arith.constant 0 : i32
          %dma_wait3A_75 = tpu.memref_slice %arg9[%add3A_73, %dma_wait3A_74] : memref<40x128xi32, #tpu.memory_space<vmem>> -> memref<1x128xi32, #tpu.memory_space<vmem>>
          %dma_wait3A_76 = tpu.memref_squeeze %dma_wait3A_75 : memref<1x128xi32, #tpu.memory_space<vmem>> -> memref<128xi32, #tpu.memory_space<vmem>>
          %dma_wait3A_77 = arith.constant 0 : i32
          %dma_wait3A_78 = arith.constant 0 : i32
          %dma_wait3A_79 = tpu.memref_slice %arg2[%dma_wait3A_77, %dma_wait3A_78] : memref<10000x128xf32, #tpu.memory_space<hbm>> -> memref<10000x128xf32, #tpu.memory_space<hbm>>
          tpu.wait_indirect_dma semaphore(%arg13 : memref<!tpu.dma_semaphore, #tpu.memory_space<semaphore_mem>>) src(%dma_wait3A_79 : memref<10000x128xf32, #tpu.memory_space<hbm>>) dst(%arg11 : memref<128x128xf32, #tpu.memory_space<vmem>>)
          %add3A_80 = arith.constant 1 : i32
          %add3A_81 = arith.addi %add3A_73, %add3A_80 : i32
          %dma_start3A_82 = arith.constant 0 : i32
          %dma_start3A_83 = tpu.memref_slice %arg9[%add3A_81, %dma_start3A_82] : memref<40x128xi32, #tpu.memory_space<vmem>> -> memref<1x128xi32, #tpu.memory_space<vmem>>
          %dma_start3A_84 = tpu.memref_squeeze %dma_start3A_83 : memref<1x128xi32, #tpu.memory_space<vmem>> -> memref<128xi32, #tpu.memory_space<vmem>>
          %dma_start3A_85 = arith.constant 0 : i32
          %dma_start3A_86 = arith.constant 0 : i32
          %dma_start3A_87 = tpu.memref_slice %arg2[%dma_start3A_85, %dma_start3A_86] : memref<10000x128xf32, #tpu.memory_space<hbm>> -> memref<10000x128xf32, #tpu.memory_space<hbm>>
          tpu.enqueue_indirect_dma source(%dma_start3A_87 : memref<10000x128xf32, #tpu.memory_space<hbm>>) target(%arg12 : memref<128x128xf32, #tpu.memory_space<vmem>>) offsets(%dma_start3A_84 : memref<128xi32, #tpu.memory_space<vmem>>) semaphore(%arg14 : memref<!tpu.dma_semaphore, #tpu.memory_space<semaphore_mem>>)
          "tpu.region"() ({
            %run_scoped3A_106 = tpu.sem_alloc : memref<!tpu.dma_semaphore, #tpu.memory_space<semaphore_mem>>
            %dma_start3A_107 = arith.constant 0 : i32
            %dma_start3A_108 = tpu.memref_slice %arg10[%add3A_73, %dma_start3A_107] : memref<40x128xi32, #tpu.memory_space<vmem>> -> memref<1x128xi32, #tpu.memory_space<vmem>>
            %dma_start3A_109 = tpu.memref_squeeze %dma_start3A_108 : memref<1x128xi32, #tpu.memory_space<vmem>> -> memref<128xi32, #tpu.memory_space<vmem>>
            %dma_start3A_110 = arith.constant 0 : i32
            %dma_start3A_111 = arith.constant 0 : i32
            %dma_start3A_112 = tpu.memref_slice %arg17[%dma_start3A_110, %dma_start3A_111] : memref<10008x128xf32, #tpu.memory_space<vmem_shared>> -> memref<10008x128xf32, #tpu.memory_space<vmem_shared>>
            tpu.enqueue_indirect_dma source(%arg11 : memref<128x128xf32, #tpu.memory_space<vmem>>) target(%dma_start3A_112 : memref<10008x128xf32, #tpu.memory_space<vmem_shared>>) offsets(%dma_start3A_109 : memref<128xi32, #tpu.memory_space<vmem>>) semaphore(%run_scoped3A_106 : memref<!tpu.dma_semaphore, #tpu.memory_space<semaphore_mem>>) {add = true}
            %dma_wait3A_113 = arith.constant 0 : i32
            %dma_wait3A_114 = tpu.memref_slice %arg10[%add3A_73, %dma_wait3A_113] : memref<40x128xi32, #tpu.memory_space<vmem>> -> memref<1x128xi32, #tpu.memory_space<vmem>>
            %dma_wait3A_115 = tpu.memref_squeeze %dma_wait3A_114 : memref<1x128xi32, #tpu.memory_space<vmem>> -> memref<128xi32, #tpu.memory_space<vmem>>
            %dma_wait3A_116 = arith.constant 0 : i32
            %dma_wait3A_117 = arith.constant 0 : i32
            %dma_wait3A_118 = tpu.memref_slice %arg17[%dma_wait3A_116, %dma_wait3A_117] : memref<10008x128xf32, #tpu.memory_space<vmem_shared>> -> memref<10008x128xf32, #tpu.memory_space<vmem_shared>>
            tpu.wait_indirect_dma semaphore(%run_scoped3A_106 : memref<!tpu.dma_semaphore, #tpu.memory_space<semaphore_mem>>) src(%arg11 : memref<128x128xf32, #tpu.memory_space<vmem>>) dst(%dma_wait3A_118 : memref<10008x128xf32, #tpu.memory_space<vmem_shared>>)
            tpu.yield
          }) : () -> ()
          %add3A_88 = arith.constant 1 : i32
          %add3A_89 = arith.addi %add3A_73, %add3A_88 : i32
          %dma_wait3A_90 = arith.constant 0 : i32
          %dma_wait3A_91 = tpu.memref_slice %arg9[%add3A_89, %dma_wait3A_90] : memref<40x128xi32, #tpu.memory_space<vmem>> -> memref<1x128xi32, #tpu.memory_space<vmem>>
          %dma_wait3A_92 = tpu.memref_squeeze %dma_wait3A_91 : memref<1x128xi32, #tpu.memory_space<vmem>> -> memref<128xi32, #tpu.memory_space<vmem>>
          %dma_wait3A_93 = arith.constant 0 : i32
          %dma_wait3A_94 = arith.constant 0 : i32
          %dma_wait3A_95 = tpu.memref_slice %arg2[%dma_wait3A_93, %dma_wait3A_94] : memref<10000x128xf32, #tpu.memory_space<hbm>> -> memref<10000x128xf32, #tpu.memory_space<hbm>>
          tpu.wait_indirect_dma semaphore(%arg14 : memref<!tpu.dma_semaphore, #tpu.memory_space<semaphore_mem>>) src(%dma_wait3A_95 : memref<10000x128xf32, #tpu.memory_space<hbm>>) dst(%arg12 : memref<128x128xf32, #tpu.memory_space<vmem>>)
          %add3A_96 = arith.constant 2 : i32
          %add3A_97 = arith.addi %add3A_73, %add3A_96 : i32
          %dma_start3A_98 = arith.constant 0 : i32
          %dma_start3A_99 = tpu.memref_slice %arg9[%add3A_97, %dma_start3A_98] : memref<40x128xi32, #tpu.memory_space<vmem>> -> memref<1x128xi32, #tpu.memory_space<vmem>>
          %dma_start3A_100 = tpu.memref_squeeze %dma_start3A_99 : memref<1x128xi32, #tpu.memory_space<vmem>> -> memref<128xi32, #tpu.memory_space<vmem>>
          %dma_start3A_101 = arith.constant 0 : i32
          %dma_start3A_102 = arith.constant 0 : i32
          %dma_start3A_103 = tpu.memref_slice %arg2[%dma_start3A_101, %dma_start3A_102] : memref<10000x128xf32, #tpu.memory_space<hbm>> -> memref<10000x128xf32, #tpu.memory_space<hbm>>
          tpu.enqueue_indirect_dma source(%dma_start3A_103 : memref<10000x128xf32, #tpu.memory_space<hbm>>) target(%arg11 : memref<128x128xf32, #tpu.memory_space<vmem>>) offsets(%dma_start3A_100 : memref<128xi32, #tpu.memory_space<vmem>>) semaphore(%arg13 : memref<!tpu.dma_semaphore, #tpu.memory_space<semaphore_mem>>)
          %add3A_104 = arith.constant 1 : i32
          %add3A_105 = arith.addi %add3A_73, %add3A_104 : i32
          "tpu.region"() ({
            %run_scoped3A_106 = tpu.sem_alloc : memref<!tpu.dma_semaphore, #tpu.memory_space<semaphore_mem>>
            %dma_start3A_107 = arith.constant 0 : i32
            %dma_start3A_108 = tpu.memref_slice %arg10[%add3A_105, %dma_start3A_107] : memref<40x128xi32, #tpu.memory_space<vmem>> -> memref<1x128xi32, #tpu.memory_space<vmem>>
            %dma_start3A_109 = tpu.memref_squeeze %dma_start3A_108 : memref<1x128xi32, #tpu.memory_space<vmem>> -> memref<128xi32, #tpu.memory_space<vmem>>
            %dma_start3A_110 = arith.constant 0 : i32
            %dma_start3A_111 = arith.constant 0 : i32
            %dma_start3A_112 = tpu.memref_slice %arg17[%dma_start3A_110, %dma_start3A_111] : memref<10008x128xf32, #tpu.memory_space<vmem_shared>> -> memref<10008x128xf32, #tpu.memory_space<vmem_shared>>
            tpu.enqueue_indirect_dma source(%arg12 : memref<128x128xf32, #tpu.memory_space<vmem>>) target(%dma_start3A_112 : memref<10008x128xf32, #tpu.memory_space<vmem_shared>>) offsets(%dma_start3A_109 : memref<128xi32, #tpu.memory_space<vmem>>) semaphore(%run_scoped3A_106 : memref<!tpu.dma_semaphore, #tpu.memory_space<semaphore_mem>>) {add = true}
            %dma_wait3A_113 = arith.constant 0 : i32
            %dma_wait3A_114 = tpu.memref_slice %arg10[%add3A_105, %dma_wait3A_113] : memref<40x128xi32, #tpu.memory_space<vmem>> -> memref<1x128xi32, #tpu.memory_space<vmem>>
            %dma_wait3A_115 = tpu.memref_squeeze %dma_wait3A_114 : memref<1x128xi32, #tpu.memory_space<vmem>> -> memref<128xi32, #tpu.memory_space<vmem>>
            %dma_wait3A_116 = arith.constant 0 : i32
            %dma_wait3A_117 = arith.constant 0 : i32
            %dma_wait3A_118 = tpu.memref_slice %arg17[%dma_wait3A_116, %dma_wait3A_117] : memref<10008x128xf32, #tpu.memory_space<vmem_shared>> -> memref<10008x128xf32, #tpu.memory_space<vmem_shared>>
            tpu.wait_indirect_dma semaphore(%run_scoped3A_106 : memref<!tpu.dma_semaphore, #tpu.memory_space<semaphore_mem>>) src(%arg12 : memref<128x128xf32, #tpu.memory_space<vmem>>) dst(%dma_wait3A_118 : memref<10008x128xf32, #tpu.memory_space<vmem_shared>>)
            tpu.yield
          }) : () -> ()
        }
        %scan3A_47 = arith.constant 19 : i32
        %dma_wait3A = arith.constant 38 : i32
        %dma_wait3A_48 = arith.constant 0 : i32
        %dma_wait3A_49 = tpu.memref_slice %arg9[%dma_wait3A, %dma_wait3A_48] : memref<40x128xi32, #tpu.memory_space<vmem>> -> memref<1x128xi32, #tpu.memory_space<vmem>>
        %dma_wait3A_50 = tpu.memref_squeeze %dma_wait3A_49 : memref<1x128xi32, #tpu.memory_space<vmem>> -> memref<128xi32, #tpu.memory_space<vmem>>
        %dma_wait3A_51 = arith.constant 0 : i32
        %dma_wait3A_52 = arith.constant 0 : i32
        %dma_wait3A_53 = tpu.memref_slice %arg2[%dma_wait3A_51, %dma_wait3A_52] : memref<10000x128xf32, #tpu.memory_space<hbm>> -> memref<10000x128xf32, #tpu.memory_space<hbm>>
        tpu.wait_indirect_dma semaphore(%arg13 : memref<!tpu.dma_semaphore, #tpu.memory_space<semaphore_mem>>) src(%dma_wait3A_53 : memref<10000x128xf32, #tpu.memory_space<hbm>>) dst(%arg11 : memref<128x128xf32, #tpu.memory_space<vmem>>)
        %dma_start3A_54 = arith.constant 39 : i32
        %dma_start3A_55 = arith.constant 0 : i32
        %dma_start3A_56 = tpu.memref_slice %arg9[%dma_start3A_54, %dma_start3A_55] : memref<40x128xi32, #tpu.memory_space<vmem>> -> memref<1x128xi32, #tpu.memory_space<vmem>>
        %dma_start3A_57 = tpu.memref_squeeze %dma_start3A_56 : memref<1x128xi32, #tpu.memory_space<vmem>> -> memref<128xi32, #tpu.memory_space<vmem>>
        %dma_start3A_58 = arith.constant 0 : i32
        %dma_start3A_59 = arith.constant 0 : i32
        %dma_start3A_60 = tpu.memref_slice %arg2[%dma_start3A_58, %dma_start3A_59] : memref<10000x128xf32, #tpu.memory_space<hbm>> -> memref<10000x128xf32, #tpu.memory_space<hbm>>
        tpu.enqueue_indirect_dma source(%dma_start3A_60 : memref<10000x128xf32, #tpu.memory_space<hbm>>) target(%arg12 : memref<128x128xf32, #tpu.memory_space<vmem>>) offsets(%dma_start3A_57 : memref<128xi32, #tpu.memory_space<vmem>>) semaphore(%arg14 : memref<!tpu.dma_semaphore, #tpu.memory_space<semaphore_mem>>)
        %run_scoped3A = arith.constant 38 : i32
        "tpu.region"() ({
          %run_scoped3A_69 = tpu.sem_alloc : memref<!tpu.dma_semaphore, #tpu.memory_space<semaphore_mem>>
          %dma_start3A_70 = arith.constant 0 : i32
          %dma_start3A_71 = tpu.memref_slice %arg10[%run_scoped3A, %dma_start3A_70] : memref<40x128xi32, #tpu.memory_space<vmem>> -> memref<1x128xi32, #tpu.memory_space<vmem>>
          %dma_start3A_72 = tpu.memref_squeeze %dma_start3A_71 : memref<1x128xi32, #tpu.memory_space<vmem>> -> memref<128xi32, #tpu.memory_space<vmem>>
          %dma_start3A_73 = arith.constant 0 : i32
          %dma_start3A_74 = arith.constant 0 : i32
          %dma_start3A_75 = tpu.memref_slice %arg17[%dma_start3A_73, %dma_start3A_74] : memref<10008x128xf32, #tpu.memory_space<vmem_shared>> -> memref<10008x128xf32, #tpu.memory_space<vmem_shared>>
          tpu.enqueue_indirect_dma source(%arg11 : memref<128x128xf32, #tpu.memory_space<vmem>>) target(%dma_start3A_75 : memref<10008x128xf32, #tpu.memory_space<vmem_shared>>) offsets(%dma_start3A_72 : memref<128xi32, #tpu.memory_space<vmem>>) semaphore(%run_scoped3A_69 : memref<!tpu.dma_semaphore, #tpu.memory_space<semaphore_mem>>) {add = true}
          %dma_wait3A_76 = arith.constant 0 : i32
          %dma_wait3A_77 = tpu.memref_slice %arg10[%run_scoped3A, %dma_wait3A_76] : memref<40x128xi32, #tpu.memory_space<vmem>> -> memref<1x128xi32, #tpu.memory_space<vmem>>
          %dma_wait3A_78 = tpu.memref_squeeze %dma_wait3A_77 : memref<1x128xi32, #tpu.memory_space<vmem>> -> memref<128xi32, #tpu.memory_space<vmem>>
          %dma_wait3A_79 = arith.constant 0 : i32
          %dma_wait3A_80 = arith.constant 0 : i32
          %dma_wait3A_81 = tpu.memref_slice %arg17[%dma_wait3A_79, %dma_wait3A_80] : memref<10008x128xf32, #tpu.memory_space<vmem_shared>> -> memref<10008x128xf32, #tpu.memory_space<vmem_shared>>
          tpu.wait_indirect_dma semaphore(%run_scoped3A_69 : memref<!tpu.dma_semaphore, #tpu.memory_space<semaphore_mem>>) src(%arg11 : memref<128x128xf32, #tpu.memory_space<vmem>>) dst(%dma_wait3A_81 : memref<10008x128xf32, #tpu.memory_space<vmem_shared>>)
          tpu.yield
        }) : () -> ()
        %dma_wait3A_61 = arith.constant 39 : i32
        %dma_wait3A_62 = arith.constant 0 : i32
        %dma_wait3A_63 = tpu.memref_slice %arg9[%dma_wait3A_61, %dma_wait3A_62] : memref<40x128xi32, #tpu.memory_space<vmem>> -> memref<1x128xi32, #tpu.memory_space<vmem>>
        %dma_wait3A_64 = tpu.memref_squeeze %dma_wait3A_63 : memref<1x128xi32, #tpu.memory_space<vmem>> -> memref<128xi32, #tpu.memory_space<vmem>>
        %dma_wait3A_65 = arith.constant 0 : i32
        %dma_wait3A_66 = arith.constant 0 : i32
        %dma_wait3A_67 = tpu.memref_slice %arg2[%dma_wait3A_65, %dma_wait3A_66] : memref<10000x128xf32, #tpu.memory_space<hbm>> -> memref<10000x128xf32, #tpu.memory_space<hbm>>
        tpu.wait_indirect_dma semaphore(%arg14 : memref<!tpu.dma_semaphore, #tpu.memory_space<semaphore_mem>>) src(%dma_wait3A_67 : memref<10000x128xf32, #tpu.memory_space<hbm>>) dst(%arg12 : memref<128x128xf32, #tpu.memory_space<vmem>>)
        %run_scoped3A_68 = arith.constant 39 : i32
        "tpu.region"() ({
          %run_scoped3A_69 = tpu.sem_alloc : memref<!tpu.dma_semaphore, #tpu.memory_space<semaphore_mem>>
          %dma_start3A_70 = arith.constant 0 : i32
          %dma_start3A_71 = tpu.memref_slice %arg10[%run_scoped3A_68, %dma_start3A_70] : memref<40x128xi32, #tpu.memory_space<vmem>> -> memref<1x128xi32, #tpu.memory_space<vmem>>
          %dma_start3A_72 = tpu.memref_squeeze %dma_start3A_71 : memref<1x128xi32, #tpu.memory_space<vmem>> -> memref<128xi32, #tpu.memory_space<vmem>>
          %dma_start3A_73 = arith.constant 0 : i32
          %dma_start3A_74 = arith.constant 0 : i32
          %dma_start3A_75 = tpu.memref_slice %arg17[%dma_start3A_73, %dma_start3A_74] : memref<10008x128xf32, #tpu.memory_space<vmem_shared>> -> memref<10008x128xf32, #tpu.memory_space<vmem_shared>>
          tpu.enqueue_indirect_dma source(%arg12 : memref<128x128xf32, #tpu.memory_space<vmem>>) target(%dma_start3A_75 : memref<10008x128xf32, #tpu.memory_space<vmem_shared>>) offsets(%dma_start3A_72 : memref<128xi32, #tpu.memory_space<vmem>>) semaphore(%run_scoped3A_69 : memref<!tpu.dma_semaphore, #tpu.memory_space<semaphore_mem>>) {add = true}
          %dma_wait3A_76 = arith.constant 0 : i32
          %dma_wait3A_77 = tpu.memref_slice %arg10[%run_scoped3A_68, %dma_wait3A_76] : memref<40x128xi32, #tpu.memory_space<vmem>> -> memref<1x128xi32, #tpu.memory_space<vmem>>
          %dma_wait3A_78 = tpu.memref_squeeze %dma_wait3A_77 : memref<1x128xi32, #tpu.memory_space<vmem>> -> memref<128xi32, #tpu.memory_space<vmem>>
          %dma_wait3A_79 = arith.constant 0 : i32
          %dma_wait3A_80 = arith.constant 0 : i32
          %dma_wait3A_81 = tpu.memref_slice %arg17[%dma_wait3A_79, %dma_wait3A_80] : memref<10008x128xf32, #tpu.memory_space<vmem_shared>> -> memref<10008x128xf32, #tpu.memory_space<vmem_shared>>
          tpu.wait_indirect_dma semaphore(%run_scoped3A_69 : memref<!tpu.dma_semaphore, #tpu.memory_space<semaphore_mem>>) src(%arg12 : memref<128x128xf32, #tpu.memory_space<vmem>>) dst(%dma_wait3A_81 : memref<10008x128xf32, #tpu.memory_space<vmem_shared>>)
          tpu.yield
        }) : () -> ()
      }
      %scan3A_22 = arith.constant 4 : i32
    } else {
    }
    %eq3A_3 = arith.constant 1 : i32
    %eq3A_4 = arith.cmpi eq, %arg0, %eq3A_3 : i32
    %convert_element_type3A_5 = arith.extui %eq3A_4 : i1 to i32
    %cond3A_6 = arith.constant 0 : i32
    %cond3A_7 = arith.cmpi ne, %convert_element_type3A_5, %cond3A_6 : i32
    scf.if %cond3A_7 {
      %scan3A = arith.constant 0 : i32
      %scan3A_19 = arith.constant 4 : i32
      %scan3A_20 = arith.addi %scan3A, %scan3A_19 : i32
      %scan3A_21 = arith.constant 1 : i32
      scf.for %scan3A_23 = %scan3A to %scan3A_20 step %scan3A_21  : i32 {
        %mul3A_24 = arith.constant 1 : i32
        %mul3A_25 = arith.muli %scan3A_23, %mul3A_24 : i32
        %add3A = arith.constant 0 : i32
        %add3A_26 = arith.addi %add3A, %mul3A_25 : i32
        %mul3A_27 = arith.constant 160 : i32
        %mul3A_28 = arith.muli %arg1, %mul3A_27 : i32
        %mul3A_29 = arith.constant 40 : i32
        %mul3A_30 = arith.muli %add3A_26, %mul3A_29 : i32
        %add3A_31 = arith.addi %mul3A_28, %mul3A_30 : i32
        "tpu.region"() ({
          %run_scoped3A_69 = tpu.sem_alloc : memref<!tpu.dma_semaphore, #tpu.memory_space<semaphore_mem>>
          %dma_start3A_70 = arith.constant 0 : i32
          %dma_start3A_71 = tpu.memref_slice %arg4[%add3A_31, %dma_start3A_70] : memref<2560x128xi32, #tpu.memory_space<hbm>> -> memref<40x128xi32, #tpu.memory_space<hbm>>
          %dma_start3A_72 = arith.constant 0 : i32
          %dma_start3A_73 = tpu.memref_slice %arg4[%add3A_31, %dma_start3A_72] : memref<2560x128xi32, #tpu.memory_space<hbm>> -> memref<40x128xi32, #tpu.memory_space<hbm>>
          tpu.enqueue_dma source(%dma_start3A_73 : memref<40x128xi32, #tpu.memory_space<hbm>>) target(%arg9 : memref<40x128xi32, #tpu.memory_space<vmem>>) target_semaphore(%run_scoped3A_69 : memref<!tpu.dma_semaphore, #tpu.memory_space<semaphore_mem>>)
          %dma_wait3A_74 = arith.constant 0 : i32
          %dma_wait3A_75 = tpu.memref_slice %arg4[%add3A_31, %dma_wait3A_74] : memref<2560x128xi32, #tpu.memory_space<hbm>> -> memref<40x128xi32, #tpu.memory_space<hbm>>
          %dma_wait3A_76 = arith.constant 0 : i32
          %dma_wait3A_77 = tpu.memref_slice %arg4[%add3A_31, %dma_wait3A_76] : memref<2560x128xi32, #tpu.memory_space<hbm>> -> memref<40x128xi32, #tpu.memory_space<hbm>>
          tpu.wait_dma2 semaphore(%run_scoped3A_69 : memref<!tpu.dma_semaphore, #tpu.memory_space<semaphore_mem>>) src(%dma_wait3A_77 : memref<40x128xi32, #tpu.memory_space<hbm>>) dst(%arg9 : memref<40x128xi32, #tpu.memory_space<vmem>>)
          tpu.yield
        }) : () -> ()
        %mul3A_32 = arith.constant 160 : i32
        %mul3A_33 = arith.muli %arg1, %mul3A_32 : i32
        %mul3A_34 = arith.constant 40 : i32
        %mul3A_35 = arith.muli %add3A_26, %mul3A_34 : i32
        %add3A_36 = arith.addi %mul3A_33, %mul3A_35 : i32
        "tpu.region"() ({
          %run_scoped3A_69 = tpu.sem_alloc : memref<!tpu.dma_semaphore, #tpu.memory_space<semaphore_mem>>
          %dma_start3A_70 = arith.constant 0 : i32
          %dma_start3A_71 = tpu.memref_slice %arg5[%add3A_36, %dma_start3A_70] : memref<2560x128xi32, #tpu.memory_space<hbm>> -> memref<40x128xi32, #tpu.memory_space<hbm>>
          %dma_start3A_72 = arith.constant 0 : i32
          %dma_start3A_73 = tpu.memref_slice %arg5[%add3A_36, %dma_start3A_72] : memref<2560x128xi32, #tpu.memory_space<hbm>> -> memref<40x128xi32, #tpu.memory_space<hbm>>
          tpu.enqueue_dma source(%dma_start3A_73 : memref<40x128xi32, #tpu.memory_space<hbm>>) target(%arg10 : memref<40x128xi32, #tpu.memory_space<vmem>>) target_semaphore(%run_scoped3A_69 : memref<!tpu.dma_semaphore, #tpu.memory_space<semaphore_mem>>)
          %dma_wait3A_74 = arith.constant 0 : i32
          %dma_wait3A_75 = tpu.memref_slice %arg5[%add3A_36, %dma_wait3A_74] : memref<2560x128xi32, #tpu.memory_space<hbm>> -> memref<40x128xi32, #tpu.memory_space<hbm>>
          %dma_wait3A_76 = arith.constant 0 : i32
          %dma_wait3A_77 = tpu.memref_slice %arg5[%add3A_36, %dma_wait3A_76] : memref<2560x128xi32, #tpu.memory_space<hbm>> -> memref<40x128xi32, #tpu.memory_space<hbm>>
          tpu.wait_dma2 semaphore(%run_scoped3A_69 : memref<!tpu.dma_semaphore, #tpu.memory_space<semaphore_mem>>) src(%dma_wait3A_77 : memref<40x128xi32, #tpu.memory_space<hbm>>) dst(%arg10 : memref<40x128xi32, #tpu.memory_space<vmem>>)
          tpu.yield
        }) : () -> ()
        %dma_start3A = arith.constant 0 : i32
        %dma_start3A_37 = arith.constant 0 : i32
        %dma_start3A_38 = tpu.memref_slice %arg9[%dma_start3A, %dma_start3A_37] : memref<40x128xi32, #tpu.memory_space<vmem>> -> memref<1x128xi32, #tpu.memory_space<vmem>>
        %dma_start3A_39 = tpu.memref_squeeze %dma_start3A_38 : memref<1x128xi32, #tpu.memory_space<vmem>> -> memref<128xi32, #tpu.memory_space<vmem>>
        %dma_start3A_40 = arith.constant 0 : i32
        %dma_start3A_41 = arith.constant 0 : i32
        %dma_start3A_42 = tpu.memref_slice %arg3[%dma_start3A_40, %dma_start3A_41] : memref<10000x128xf32, #tpu.memory_space<hbm>> -> memref<10000x128xf32, #tpu.memory_space<hbm>>
        tpu.enqueue_indirect_dma source(%dma_start3A_42 : memref<10000x128xf32, #tpu.memory_space<hbm>>) target(%arg11 : memref<128x128xf32, #tpu.memory_space<vmem>>) offsets(%dma_start3A_39 : memref<128xi32, #tpu.memory_space<vmem>>) semaphore(%arg13 : memref<!tpu.dma_semaphore, #tpu.memory_space<semaphore_mem>>)
        %scan3A_43 = arith.constant 0 : i32
        %scan3A_44 = arith.constant 19 : i32
        %scan3A_45 = arith.addi %scan3A_43, %scan3A_44 : i32
        %scan3A_46 = arith.constant 1 : i32
        scf.for %scan3A_69 = %scan3A_43 to %scan3A_45 step %scan3A_46  : i32 {
          %mul3A_70 = arith.constant 2 : i32
          %mul3A_71 = arith.muli %scan3A_69, %mul3A_70 : i32
          %add3A_72 = arith.constant 0 : i32
          %add3A_73 = arith.addi %add3A_72, %mul3A_71 : i32
          %dma_wait3A_74 = arith.constant 0 : i32
          %dma_wait3A_75 = tpu.memref_slice %arg9[%add3A_73, %dma_wait3A_74] : memref<40x128xi32, #tpu.memory_space<vmem>> -> memref<1x128xi32, #tpu.memory_space<vmem>>
          %dma_wait3A_76 = tpu.memref_squeeze %dma_wait3A_75 : memref<1x128xi32, #tpu.memory_space<vmem>> -> memref<128xi32, #tpu.memory_space<vmem>>
          %dma_wait3A_77 = arith.constant 0 : i32
          %dma_wait3A_78 = arith.constant 0 : i32
          %dma_wait3A_79 = tpu.memref_slice %arg3[%dma_wait3A_77, %dma_wait3A_78] : memref<10000x128xf32, #tpu.memory_space<hbm>> -> memref<10000x128xf32, #tpu.memory_space<hbm>>
          tpu.wait_indirect_dma semaphore(%arg13 : memref<!tpu.dma_semaphore, #tpu.memory_space<semaphore_mem>>) src(%dma_wait3A_79 : memref<10000x128xf32, #tpu.memory_space<hbm>>) dst(%arg11 : memref<128x128xf32, #tpu.memory_space<vmem>>)
          %add3A_80 = arith.constant 1 : i32
          %add3A_81 = arith.addi %add3A_73, %add3A_80 : i32
          %dma_start3A_82 = arith.constant 0 : i32
          %dma_start3A_83 = tpu.memref_slice %arg9[%add3A_81, %dma_start3A_82] : memref<40x128xi32, #tpu.memory_space<vmem>> -> memref<1x128xi32, #tpu.memory_space<vmem>>
          %dma_start3A_84 = tpu.memref_squeeze %dma_start3A_83 : memref<1x128xi32, #tpu.memory_space<vmem>> -> memref<128xi32, #tpu.memory_space<vmem>>
          %dma_start3A_85 = arith.constant 0 : i32
          %dma_start3A_86 = arith.constant 0 : i32
          %dma_start3A_87 = tpu.memref_slice %arg3[%dma_start3A_85, %dma_start3A_86] : memref<10000x128xf32, #tpu.memory_space<hbm>> -> memref<10000x128xf32, #tpu.memory_space<hbm>>
          tpu.enqueue_indirect_dma source(%dma_start3A_87 : memref<10000x128xf32, #tpu.memory_space<hbm>>) target(%arg12 : memref<128x128xf32, #tpu.memory_space<vmem>>) offsets(%dma_start3A_84 : memref<128xi32, #tpu.memory_space<vmem>>) semaphore(%arg14 : memref<!tpu.dma_semaphore, #tpu.memory_space<semaphore_mem>>)
          "tpu.region"() ({
            %run_scoped3A_106 = tpu.sem_alloc : memref<!tpu.dma_semaphore, #tpu.memory_space<semaphore_mem>>
            %dma_start3A_107 = arith.constant 0 : i32
            %dma_start3A_108 = tpu.memref_slice %arg10[%add3A_73, %dma_start3A_107] : memref<40x128xi32, #tpu.memory_space<vmem>> -> memref<1x128xi32, #tpu.memory_space<vmem>>
            %dma_start3A_109 = tpu.memref_squeeze %dma_start3A_108 : memref<1x128xi32, #tpu.memory_space<vmem>> -> memref<128xi32, #tpu.memory_space<vmem>>
            %dma_start3A_110 = arith.constant 0 : i32
            %dma_start3A_111 = arith.constant 0 : i32
            %dma_start3A_112 = tpu.memref_slice %arg17[%dma_start3A_110, %dma_start3A_111] : memref<10008x128xf32, #tpu.memory_space<vmem_shared>> -> memref<10008x128xf32, #tpu.memory_space<vmem_shared>>
            tpu.enqueue_indirect_dma source(%arg11 : memref<128x128xf32, #tpu.memory_space<vmem>>) target(%dma_start3A_112 : memref<10008x128xf32, #tpu.memory_space<vmem_shared>>) offsets(%dma_start3A_109 : memref<128xi32, #tpu.memory_space<vmem>>) semaphore(%run_scoped3A_106 : memref<!tpu.dma_semaphore, #tpu.memory_space<semaphore_mem>>) {add = true}
            %dma_wait3A_113 = arith.constant 0 : i32
            %dma_wait3A_114 = tpu.memref_slice %arg10[%add3A_73, %dma_wait3A_113] : memref<40x128xi32, #tpu.memory_space<vmem>> -> memref<1x128xi32, #tpu.memory_space<vmem>>
            %dma_wait3A_115 = tpu.memref_squeeze %dma_wait3A_114 : memref<1x128xi32, #tpu.memory_space<vmem>> -> memref<128xi32, #tpu.memory_space<vmem>>
            %dma_wait3A_116 = arith.constant 0 : i32
            %dma_wait3A_117 = arith.constant 0 : i32
            %dma_wait3A_118 = tpu.memref_slice %arg17[%dma_wait3A_116, %dma_wait3A_117] : memref<10008x128xf32, #tpu.memory_space<vmem_shared>> -> memref<10008x128xf32, #tpu.memory_space<vmem_shared>>
            tpu.wait_indirect_dma semaphore(%run_scoped3A_106 : memref<!tpu.dma_semaphore, #tpu.memory_space<semaphore_mem>>) src(%arg11 : memref<128x128xf32, #tpu.memory_space<vmem>>) dst(%dma_wait3A_118 : memref<10008x128xf32, #tpu.memory_space<vmem_shared>>)
            tpu.yield
          }) : () -> ()
          %add3A_88 = arith.constant 1 : i32
          %add3A_89 = arith.addi %add3A_73, %add3A_88 : i32
          %dma_wait3A_90 = arith.constant 0 : i32
          %dma_wait3A_91 = tpu.memref_slice %arg9[%add3A_89, %dma_wait3A_90] : memref<40x128xi32, #tpu.memory_space<vmem>> -> memref<1x128xi32, #tpu.memory_space<vmem>>
          %dma_wait3A_92 = tpu.memref_squeeze %dma_wait3A_91 : memref<1x128xi32, #tpu.memory_space<vmem>> -> memref<128xi32, #tpu.memory_space<vmem>>
          %dma_wait3A_93 = arith.constant 0 : i32
          %dma_wait3A_94 = arith.constant 0 : i32
          %dma_wait3A_95 = tpu.memref_slice %arg3[%dma_wait3A_93, %dma_wait3A_94] : memref<10000x128xf32, #tpu.memory_space<hbm>> -> memref<10000x128xf32, #tpu.memory_space<hbm>>
          tpu.wait_indirect_dma semaphore(%arg14 : memref<!tpu.dma_semaphore, #tpu.memory_space<semaphore_mem>>) src(%dma_wait3A_95 : memref<10000x128xf32, #tpu.memory_space<hbm>>) dst(%arg12 : memref<128x128xf32, #tpu.memory_space<vmem>>)
          %add3A_96 = arith.constant 2 : i32
          %add3A_97 = arith.addi %add3A_73, %add3A_96 : i32
          %dma_start3A_98 = arith.constant 0 : i32
          %dma_start3A_99 = tpu.memref_slice %arg9[%add3A_97, %dma_start3A_98] : memref<40x128xi32, #tpu.memory_space<vmem>> -> memref<1x128xi32, #tpu.memory_space<vmem>>
          %dma_start3A_100 = tpu.memref_squeeze %dma_start3A_99 : memref<1x128xi32, #tpu.memory_space<vmem>> -> memref<128xi32, #tpu.memory_space<vmem>>
          %dma_start3A_101 = arith.constant 0 : i32
          %dma_start3A_102 = arith.constant 0 : i32
          %dma_start3A_103 = tpu.memref_slice %arg3[%dma_start3A_101, %dma_start3A_102] : memref<10000x128xf32, #tpu.memory_space<hbm>> -> memref<10000x128xf32, #tpu.memory_space<hbm>>
          tpu.enqueue_indirect_dma source(%dma_start3A_103 : memref<10000x128xf32, #tpu.memory_space<hbm>>) target(%arg11 : memref<128x128xf32, #tpu.memory_space<vmem>>) offsets(%dma_start3A_100 : memref<128xi32, #tpu.memory_space<vmem>>) semaphore(%arg13 : memref<!tpu.dma_semaphore, #tpu.memory_space<semaphore_mem>>)
          %add3A_104 = arith.constant 1 : i32
          %add3A_105 = arith.addi %add3A_73, %add3A_104 : i32
          "tpu.region"() ({
            %run_scoped3A_106 = tpu.sem_alloc : memref<!tpu.dma_semaphore, #tpu.memory_space<semaphore_mem>>
            %dma_start3A_107 = arith.constant 0 : i32
            %dma_start3A_108 = tpu.memref_slice %arg10[%add3A_105, %dma_start3A_107] : memref<40x128xi32, #tpu.memory_space<vmem>> -> memref<1x128xi32, #tpu.memory_space<vmem>>
            %dma_start3A_109 = tpu.memref_squeeze %dma_start3A_108 : memref<1x128xi32, #tpu.memory_space<vmem>> -> memref<128xi32, #tpu.memory_space<vmem>>
            %dma_start3A_110 = arith.constant 0 : i32
            %dma_start3A_111 = arith.constant 0 : i32
            %dma_start3A_112 = tpu.memref_slice %arg17[%dma_start3A_110, %dma_start3A_111] : memref<10008x128xf32, #tpu.memory_space<vmem_shared>> -> memref<10008x128xf32, #tpu.memory_space<vmem_shared>>
            tpu.enqueue_indirect_dma source(%arg12 : memref<128x128xf32, #tpu.memory_space<vmem>>) target(%dma_start3A_112 : memref<10008x128xf32, #tpu.memory_space<vmem_shared>>) offsets(%dma_start3A_109 : memref<128xi32, #tpu.memory_space<vmem>>) semaphore(%run_scoped3A_106 : memref<!tpu.dma_semaphore, #tpu.memory_space<semaphore_mem>>) {add = true}
            %dma_wait3A_113 = arith.constant 0 : i32
            %dma_wait3A_114 = tpu.memref_slice %arg10[%add3A_105, %dma_wait3A_113] : memref<40x128xi32, #tpu.memory_space<vmem>> -> memref<1x128xi32, #tpu.memory_space<vmem>>
            %dma_wait3A_115 = tpu.memref_squeeze %dma_wait3A_114 : memref<1x128xi32, #tpu.memory_space<vmem>> -> memref<128xi32, #tpu.memory_space<vmem>>
            %dma_wait3A_116 = arith.constant 0 : i32
            %dma_wait3A_117 = arith.constant 0 : i32
            %dma_wait3A_118 = tpu.memref_slice %arg17[%dma_wait3A_116, %dma_wait3A_117] : memref<10008x128xf32, #tpu.memory_space<vmem_shared>> -> memref<10008x128xf32, #tpu.memory_space<vmem_shared>>
            tpu.wait_indirect_dma semaphore(%run_scoped3A_106 : memref<!tpu.dma_semaphore, #tpu.memory_space<semaphore_mem>>) src(%arg12 : memref<128x128xf32, #tpu.memory_space<vmem>>) dst(%dma_wait3A_118 : memref<10008x128xf32, #tpu.memory_space<vmem_shared>>)
            tpu.yield
          }) : () -> ()
        }
        %scan3A_47 = arith.constant 19 : i32
        %dma_wait3A = arith.constant 38 : i32
        %dma_wait3A_48 = arith.constant 0 : i32
        %dma_wait3A_49 = tpu.memref_slice %arg9[%dma_wait3A, %dma_wait3A_48] : memref<40x128xi32, #tpu.memory_space<vmem>> -> memref<1x128xi32, #tpu.memory_space<vmem>>
        %dma_wait3A_50 = tpu.memref_squeeze %dma_wait3A_49 : memref<1x128xi32, #tpu.memory_space<vmem>> -> memref<128xi32, #tpu.memory_space<vmem>>
        %dma_wait3A_51 = arith.constant 0 : i32
        %dma_wait3A_52 = arith.constant 0 : i32
        %dma_wait3A_53 = tpu.memref_slice %arg3[%dma_wait3A_51, %dma_wait3A_52] : memref<10000x128xf32, #tpu.memory_space<hbm>> -> memref<10000x128xf32, #tpu.memory_space<hbm>>
        tpu.wait_indirect_dma semaphore(%arg13 : memref<!tpu.dma_semaphore, #tpu.memory_space<semaphore_mem>>) src(%dma_wait3A_53 : memref<10000x128xf32, #tpu.memory_space<hbm>>) dst(%arg11 : memref<128x128xf32, #tpu.memory_space<vmem>>)
        %dma_start3A_54 = arith.constant 39 : i32
        %dma_start3A_55 = arith.constant 0 : i32
        %dma_start3A_56 = tpu.memref_slice %arg9[%dma_start3A_54, %dma_start3A_55] : memref<40x128xi32, #tpu.memory_space<vmem>> -> memref<1x128xi32, #tpu.memory_space<vmem>>
        %dma_start3A_57 = tpu.memref_squeeze %dma_start3A_56 : memref<1x128xi32, #tpu.memory_space<vmem>> -> memref<128xi32, #tpu.memory_space<vmem>>
        %dma_start3A_58 = arith.constant 0 : i32
        %dma_start3A_59 = arith.constant 0 : i32
        %dma_start3A_60 = tpu.memref_slice %arg3[%dma_start3A_58, %dma_start3A_59] : memref<10000x128xf32, #tpu.memory_space<hbm>> -> memref<10000x128xf32, #tpu.memory_space<hbm>>
        tpu.enqueue_indirect_dma source(%dma_start3A_60 : memref<10000x128xf32, #tpu.memory_space<hbm>>) target(%arg12 : memref<128x128xf32, #tpu.memory_space<vmem>>) offsets(%dma_start3A_57 : memref<128xi32, #tpu.memory_space<vmem>>) semaphore(%arg14 : memref<!tpu.dma_semaphore, #tpu.memory_space<semaphore_mem>>)
        %run_scoped3A = arith.constant 38 : i32
        "tpu.region"() ({
          %run_scoped3A_69 = tpu.sem_alloc : memref<!tpu.dma_semaphore, #tpu.memory_space<semaphore_mem>>
          %dma_start3A_70 = arith.constant 0 : i32
          %dma_start3A_71 = tpu.memref_slice %arg10[%run_scoped3A, %dma_start3A_70] : memref<40x128xi32, #tpu.memory_space<vmem>> -> memref<1x128xi32, #tpu.memory_space<vmem>>
          %dma_start3A_72 = tpu.memref_squeeze %dma_start3A_71 : memref<1x128xi32, #tpu.memory_space<vmem>> -> memref<128xi32, #tpu.memory_space<vmem>>
          %dma_start3A_73 = arith.constant 0 : i32
          %dma_start3A_74 = arith.constant 0 : i32
          %dma_start3A_75 = tpu.memref_slice %arg17[%dma_start3A_73, %dma_start3A_74] : memref<10008x128xf32, #tpu.memory_space<vmem_shared>> -> memref<10008x128xf32, #tpu.memory_space<vmem_shared>>
          tpu.enqueue_indirect_dma source(%arg11 : memref<128x128xf32, #tpu.memory_space<vmem>>) target(%dma_start3A_75 : memref<10008x128xf32, #tpu.memory_space<vmem_shared>>) offsets(%dma_start3A_72 : memref<128xi32, #tpu.memory_space<vmem>>) semaphore(%run_scoped3A_69 : memref<!tpu.dma_semaphore, #tpu.memory_space<semaphore_mem>>) {add = true}
          %dma_wait3A_76 = arith.constant 0 : i32
          %dma_wait3A_77 = tpu.memref_slice %arg10[%run_scoped3A, %dma_wait3A_76] : memref<40x128xi32, #tpu.memory_space<vmem>> -> memref<1x128xi32, #tpu.memory_space<vmem>>
          %dma_wait3A_78 = tpu.memref_squeeze %dma_wait3A_77 : memref<1x128xi32, #tpu.memory_space<vmem>> -> memref<128xi32, #tpu.memory_space<vmem>>
          %dma_wait3A_79 = arith.constant 0 : i32
          %dma_wait3A_80 = arith.constant 0 : i32
          %dma_wait3A_81 = tpu.memref_slice %arg17[%dma_wait3A_79, %dma_wait3A_80] : memref<10008x128xf32, #tpu.memory_space<vmem_shared>> -> memref<10008x128xf32, #tpu.memory_space<vmem_shared>>
          tpu.wait_indirect_dma semaphore(%run_scoped3A_69 : memref<!tpu.dma_semaphore, #tpu.memory_space<semaphore_mem>>) src(%arg11 : memref<128x128xf32, #tpu.memory_space<vmem>>) dst(%dma_wait3A_81 : memref<10008x128xf32, #tpu.memory_space<vmem_shared>>)
          tpu.yield
        }) : () -> ()
        %dma_wait3A_61 = arith.constant 39 : i32
        %dma_wait3A_62 = arith.constant 0 : i32
        %dma_wait3A_63 = tpu.memref_slice %arg9[%dma_wait3A_61, %dma_wait3A_62] : memref<40x128xi32, #tpu.memory_space<vmem>> -> memref<1x128xi32, #tpu.memory_space<vmem>>
        %dma_wait3A_64 = tpu.memref_squeeze %dma_wait3A_63 : memref<1x128xi32, #tpu.memory_space<vmem>> -> memref<128xi32, #tpu.memory_space<vmem>>
        %dma_wait3A_65 = arith.constant 0 : i32
        %dma_wait3A_66 = arith.constant 0 : i32
        %dma_wait3A_67 = tpu.memref_slice %arg3[%dma_wait3A_65, %dma_wait3A_66] : memref<10000x128xf32, #tpu.memory_space<hbm>> -> memref<10000x128xf32, #tpu.memory_space<hbm>>
        tpu.wait_indirect_dma semaphore(%arg14 : memref<!tpu.dma_semaphore, #tpu.memory_space<semaphore_mem>>) src(%dma_wait3A_67 : memref<10000x128xf32, #tpu.memory_space<hbm>>) dst(%arg12 : memref<128x128xf32, #tpu.memory_space<vmem>>)
        %run_scoped3A_68 = arith.constant 39 : i32
        "tpu.region"() ({
          %run_scoped3A_69 = tpu.sem_alloc : memref<!tpu.dma_semaphore, #tpu.memory_space<semaphore_mem>>
          %dma_start3A_70 = arith.constant 0 : i32
          %dma_start3A_71 = tpu.memref_slice %arg10[%run_scoped3A_68, %dma_start3A_70] : memref<40x128xi32, #tpu.memory_space<vmem>> -> memref<1x128xi32, #tpu.memory_space<vmem>>
          %dma_start3A_72 = tpu.memref_squeeze %dma_start3A_71 : memref<1x128xi32, #tpu.memory_space<vmem>> -> memref<128xi32, #tpu.memory_space<vmem>>
          %dma_start3A_73 = arith.constant 0 : i32
          %dma_start3A_74 = arith.constant 0 : i32
          %dma_start3A_75 = tpu.memref_slice %arg17[%dma_start3A_73, %dma_start3A_74] : memref<10008x128xf32, #tpu.memory_space<vmem_shared>> -> memref<10008x128xf32, #tpu.memory_space<vmem_shared>>
          tpu.enqueue_indirect_dma source(%arg12 : memref<128x128xf32, #tpu.memory_space<vmem>>) target(%dma_start3A_75 : memref<10008x128xf32, #tpu.memory_space<vmem_shared>>) offsets(%dma_start3A_72 : memref<128xi32, #tpu.memory_space<vmem>>) semaphore(%run_scoped3A_69 : memref<!tpu.dma_semaphore, #tpu.memory_space<semaphore_mem>>) {add = true}
          %dma_wait3A_76 = arith.constant 0 : i32
          %dma_wait3A_77 = tpu.memref_slice %arg10[%run_scoped3A_68, %dma_wait3A_76] : memref<40x128xi32, #tpu.memory_space<vmem>> -> memref<1x128xi32, #tpu.memory_space<vmem>>
          %dma_wait3A_78 = tpu.memref_squeeze %dma_wait3A_77 : memref<1x128xi32, #tpu.memory_space<vmem>> -> memref<128xi32, #tpu.memory_space<vmem>>
          %dma_wait3A_79 = arith.constant 0 : i32
          %dma_wait3A_80 = arith.constant 0 : i32
          %dma_wait3A_81 = tpu.memref_slice %arg17[%dma_wait3A_79, %dma_wait3A_80] : memref<10008x128xf32, #tpu.memory_space<vmem_shared>> -> memref<10008x128xf32, #tpu.memory_space<vmem_shared>>
          tpu.wait_indirect_dma semaphore(%run_scoped3A_69 : memref<!tpu.dma_semaphore, #tpu.memory_space<semaphore_mem>>) src(%arg12 : memref<128x128xf32, #tpu.memory_space<vmem>>) dst(%dma_wait3A_81 : memref<10008x128xf32, #tpu.memory_space<vmem_shared>>)
          tpu.yield
        }) : () -> ()
      }
      %scan3A_22 = arith.constant 4 : i32
    } else {
    }
    %barrier3A_8 = arith.constant 0 : index
    tpu.barrier barrier_id(%barrier3A_8)
    %eq3A_9 = arith.constant 0 : i32
    %eq3A_10 = arith.cmpi eq, %arg0, %eq3A_9 : i32
    %convert_element_type3A_11 = arith.extui %eq3A_10 : i1 to i32
    %cond3A_12 = arith.constant 0 : i32
    %cond3A_13 = arith.cmpi ne, %convert_element_type3A_11, %cond3A_12 : i32
    scf.if %cond3A_13 {
      %mul3A_19 = arith.constant 625 : i32
      %mul3A_20 = arith.muli %arg1, %mul3A_19 : i32
      "tpu.region"() ({
        %run_scoped3A = tpu.sem_alloc : memref<!tpu.dma_semaphore, #tpu.memory_space<semaphore_mem>>
        %dma_start3A = arith.constant 0 : i32
        %dma_start3A_21 = arith.constant 0 : i32
        %dma_start3A_22 = tpu.memref_slice %arg7[%arg1, %dma_start3A, %dma_start3A_21] : memref<16x625x128xf32, #tpu.memory_space<hbm>> -> memref<1x625x128xf32, #tpu.memory_space<hbm>>
        %dma_start3A_23 = tpu.memref_squeeze %dma_start3A_22 : memref<1x625x128xf32, #tpu.memory_space<hbm>> -> memref<625x128xf32, #tpu.memory_space<hbm>>
        %dma_start3A_24 = arith.constant 0 : i32
        %dma_start3A_25 = tpu.memref_slice %arg17[%mul3A_20, %dma_start3A_24] : memref<10008x128xf32, #tpu.memory_space<vmem_shared>> -> memref<625x128xf32, #tpu.memory_space<vmem_shared>>
        tpu.enqueue_dma source(%dma_start3A_25 : memref<625x128xf32, #tpu.memory_space<vmem_shared>>) target(%dma_start3A_23 : memref<625x128xf32, #tpu.memory_space<hbm>>) target_semaphore(%run_scoped3A : memref<!tpu.dma_semaphore, #tpu.memory_space<semaphore_mem>>)
        %dma_wait3A = arith.constant 0 : i32
        %dma_wait3A_26 = arith.constant 0 : i32
        %dma_wait3A_27 = tpu.memref_slice %arg7[%arg1, %dma_wait3A, %dma_wait3A_26] : memref<16x625x128xf32, #tpu.memory_space<hbm>> -> memref<1x625x128xf32, #tpu.memory_space<hbm>>
        %dma_wait3A_28 = tpu.memref_squeeze %dma_wait3A_27 : memref<1x625x128xf32, #tpu.memory_space<hbm>> -> memref<625x128xf32, #tpu.memory_space<hbm>>
        %dma_wait3A_29 = arith.constant 0 : i32
        %dma_wait3A_30 = tpu.memref_slice %arg17[%mul3A_20, %dma_wait3A_29] : memref<10008x128xf32, #tpu.memory_space<vmem_shared>> -> memref<625x128xf32, #tpu.memory_space<vmem_shared>>
        tpu.wait_dma2 semaphore(%run_scoped3A : memref<!tpu.dma_semaphore, #tpu.memory_space<semaphore_mem>>) src(%dma_wait3A_30 : memref<625x128xf32, #tpu.memory_space<vmem_shared>>) dst(%dma_wait3A_28 : memref<625x128xf32, #tpu.memory_space<hbm>>)
        tpu.yield
      }) : () -> ()
    } else {
    }
    %eq3A_14 = arith.constant 1 : i32
    %eq3A_15 = arith.cmpi eq, %arg0, %eq3A_14 : i32
    %convert_element_type3A_16 = arith.extui %eq3A_15 : i1 to i32
    %cond3A_17 = arith.constant 0 : i32
    %cond3A_18 = arith.cmpi ne, %convert_element_type3A_16, %cond3A_17 : i32
    scf.if %cond3A_18 {
      %mul3A_19 = arith.constant 625 : i32
      %mul3A_20 = arith.muli %arg1, %mul3A_19 : i32
      "tpu.region"() ({
        %run_scoped3A = tpu.sem_alloc : memref<!tpu.dma_semaphore, #tpu.memory_space<semaphore_mem>>
        %dma_start3A = arith.constant 0 : i32
        %dma_start3A_21 = arith.constant 0 : i32
        %dma_start3A_22 = tpu.memref_slice %arg8[%arg1, %dma_start3A, %dma_start3A_21] : memref<16x625x128xf32, #tpu.memory_space<hbm>> -> memref<1x625x128xf32, #tpu.memory_space<hbm>>
        %dma_start3A_23 = tpu.memref_squeeze %dma_start3A_22 : memref<1x625x128xf32, #tpu.memory_space<hbm>> -> memref<625x128xf32, #tpu.memory_space<hbm>>
        %dma_start3A_24 = arith.constant 0 : i32
        %dma_start3A_25 = tpu.memref_slice %arg17[%mul3A_20, %dma_start3A_24] : memref<10008x128xf32, #tpu.memory_space<vmem_shared>> -> memref<625x128xf32, #tpu.memory_space<vmem_shared>>
        tpu.enqueue_dma source(%dma_start3A_25 : memref<625x128xf32, #tpu.memory_space<vmem_shared>>) target(%dma_start3A_23 : memref<625x128xf32, #tpu.memory_space<hbm>>) target_semaphore(%run_scoped3A : memref<!tpu.dma_semaphore, #tpu.memory_space<semaphore_mem>>)
        %dma_wait3A = arith.constant 0 : i32
        %dma_wait3A_26 = arith.constant 0 : i32
        %dma_wait3A_27 = tpu.memref_slice %arg8[%arg1, %dma_wait3A, %dma_wait3A_26] : memref<16x625x128xf32, #tpu.memory_space<hbm>> -> memref<1x625x128xf32, #tpu.memory_space<hbm>>
        %dma_wait3A_28 = tpu.memref_squeeze %dma_wait3A_27 : memref<1x625x128xf32, #tpu.memory_space<hbm>> -> memref<625x128xf32, #tpu.memory_space<hbm>>
        %dma_wait3A_29 = arith.constant 0 : i32
        %dma_wait3A_30 = tpu.memref_slice %arg17[%mul3A_20, %dma_wait3A_29] : memref<10008x128xf32, #tpu.memory_space<vmem_shared>> -> memref<625x128xf32, #tpu.memory_space<vmem_shared>>
        tpu.wait_dma2 semaphore(%run_scoped3A : memref<!tpu.dma_semaphore, #tpu.memory_space<semaphore_mem>>) src(%dma_wait3A_30 : memref<625x128xf32, #tpu.memory_space<vmem_shared>>) dst(%dma_wait3A_28 : memref<625x128xf32, #tpu.memory_space<hbm>>)
        tpu.yield
      }) : () -> ()
    } else {
    }
    return
  }
}

#map = affine_map<(d0, d1) -> (0, 0)>
#map1 = affine_map<(d0, d1) -> (0, 0, 0)>
module attributes {stable_mosaic.version = 14 : i64} {
  func.func @_deg_body(%arg0: i32, %arg1: i32, %arg2: memref<2560x128xi32, #tpu.memory_space<hbm>>, %arg3: memref<128x128xf32, #tpu.memory_space<hbm>>, %arg4: memref<625x128xf32, #tpu.memory_space<hbm>>, %arg5: memref<16x625x128xf32, #tpu.memory_space<hbm>>, %arg6: memref<16x625x128xf32, #tpu.memory_space<hbm>>, %arg7: memref<80x128xi32, #tpu.memory_space<vmem>>, %arg8: memref<128x128xf32, #tpu.memory_space<vmem>>, %arg9: memref<10008x128xf32, #tpu.memory_space<vmem_shared>>) attributes {dimension_semantics = [#tpu.dimension_semantics<core_parallel>, #tpu.dimension_semantics<subcore_parallel>], iteration_bounds = array<i64: 2, 16>, scalar_prefetch = 0 : i64, scratch_operands = 3 : i64, tpu.core_type = #tpu.core_type<sc_vector_subcore>, window_params = [{transform_indices = #map}, {transform_indices = #map}, {transform_indices = #map}, {transform_indices = #map1}, {transform_indices = #map1}]} {
    %mul3A = arith.constant 16 : i32
    %mul3A_0 = arith.muli %arg0, %mul3A : i32
    %add3A = arith.addi %mul3A_0, %arg1 : i32
    %mul3A_1 = arith.constant 625 : i32
    %mul3A_2 = arith.muli %arg1, %mul3A_1 : i32
    "tpu.region"() ({
      %run_scoped3A = tpu.sem_alloc : memref<!tpu.dma_semaphore, #tpu.memory_space<semaphore_mem>>
      %dma_start3A = arith.constant 0 : i32
      %dma_start3A_17 = tpu.memref_slice %arg9[%mul3A_2, %dma_start3A] : memref<10008x128xf32, #tpu.memory_space<vmem_shared>> -> memref<625x128xf32, #tpu.memory_space<vmem_shared>>
      tpu.enqueue_dma source(%arg4 : memref<625x128xf32, #tpu.memory_space<hbm>>) target(%dma_start3A_17 : memref<625x128xf32, #tpu.memory_space<vmem_shared>>) target_semaphore(%run_scoped3A : memref<!tpu.dma_semaphore, #tpu.memory_space<semaphore_mem>>)
      %dma_wait3A = arith.constant 0 : i32
      %dma_wait3A_18 = tpu.memref_slice %arg9[%mul3A_2, %dma_wait3A] : memref<10008x128xf32, #tpu.memory_space<vmem_shared>> -> memref<625x128xf32, #tpu.memory_space<vmem_shared>>
      tpu.wait_dma2 semaphore(%run_scoped3A : memref<!tpu.dma_semaphore, #tpu.memory_space<semaphore_mem>>) src(%arg4 : memref<625x128xf32, #tpu.memory_space<hbm>>) dst(%dma_wait3A_18 : memref<625x128xf32, #tpu.memory_space<vmem_shared>>)
      tpu.yield
    }) : () -> ()
    "tpu.region"() ({
      %run_scoped3A = tpu.sem_alloc : memref<!tpu.dma_semaphore, #tpu.memory_space<semaphore_mem>>
      tpu.enqueue_dma source(%arg3 : memref<128x128xf32, #tpu.memory_space<hbm>>) target(%arg8 : memref<128x128xf32, #tpu.memory_space<vmem>>) target_semaphore(%run_scoped3A : memref<!tpu.dma_semaphore, #tpu.memory_space<semaphore_mem>>)
      tpu.wait_dma2 semaphore(%run_scoped3A : memref<!tpu.dma_semaphore, #tpu.memory_space<semaphore_mem>>) src(%arg3 : memref<128x128xf32, #tpu.memory_space<hbm>>) dst(%arg8 : memref<128x128xf32, #tpu.memory_space<vmem>>)
      tpu.yield
    }) : () -> ()
    %mul3A_3 = arith.constant 80 : i32
    %mul3A_4 = arith.muli %add3A, %mul3A_3 : i32
    "tpu.region"() ({
      %run_scoped3A = tpu.sem_alloc : memref<!tpu.dma_semaphore, #tpu.memory_space<semaphore_mem>>
      %dma_start3A = arith.constant 0 : i32
      %dma_start3A_17 = tpu.memref_slice %arg2[%mul3A_4, %dma_start3A] : memref<2560x128xi32, #tpu.memory_space<hbm>> -> memref<80x128xi32, #tpu.memory_space<hbm>>
      %dma_start3A_18 = arith.constant 0 : i32
      %dma_start3A_19 = tpu.memref_slice %arg2[%mul3A_4, %dma_start3A_18] : memref<2560x128xi32, #tpu.memory_space<hbm>> -> memref<80x128xi32, #tpu.memory_space<hbm>>
      tpu.enqueue_dma source(%dma_start3A_19 : memref<80x128xi32, #tpu.memory_space<hbm>>) target(%arg7 : memref<80x128xi32, #tpu.memory_space<vmem>>) target_semaphore(%run_scoped3A : memref<!tpu.dma_semaphore, #tpu.memory_space<semaphore_mem>>)
      %dma_wait3A = arith.constant 0 : i32
      %dma_wait3A_20 = tpu.memref_slice %arg2[%mul3A_4, %dma_wait3A] : memref<2560x128xi32, #tpu.memory_space<hbm>> -> memref<80x128xi32, #tpu.memory_space<hbm>>
      %dma_wait3A_21 = arith.constant 0 : i32
      %dma_wait3A_22 = tpu.memref_slice %arg2[%mul3A_4, %dma_wait3A_21] : memref<2560x128xi32, #tpu.memory_space<hbm>> -> memref<80x128xi32, #tpu.memory_space<hbm>>
      tpu.wait_dma2 semaphore(%run_scoped3A : memref<!tpu.dma_semaphore, #tpu.memory_space<semaphore_mem>>) src(%dma_wait3A_22 : memref<80x128xi32, #tpu.memory_space<hbm>>) dst(%arg7 : memref<80x128xi32, #tpu.memory_space<vmem>>)
      tpu.yield
    }) : () -> ()
    %barrier3A = arith.constant 0 : index
    tpu.barrier barrier_id(%barrier3A)
    %scan3A = arith.constant 0 : i32
    %scan3A_5 = arith.constant 80 : i32
    %scan3A_6 = arith.addi %scan3A, %scan3A_5 : i32
    %scan3A_7 = arith.constant 1 : i32
    scf.for %scan3A_17 = %scan3A to %scan3A_6 step %scan3A_7  : i32 {
      %mul3A_18 = arith.constant 1 : i32
      %mul3A_19 = arith.muli %scan3A_17, %mul3A_18 : i32
      %add3A_20 = arith.constant 0 : i32
      %add3A_21 = arith.addi %add3A_20, %mul3A_19 : i32
      "tpu.region"() ({
        %run_scoped3A = tpu.sem_alloc : memref<!tpu.dma_semaphore, #tpu.memory_space<semaphore_mem>>
        %dma_start3A = arith.constant 0 : i32
        %dma_start3A_22 = tpu.memref_slice %arg7[%add3A_21, %dma_start3A] : memref<80x128xi32, #tpu.memory_space<vmem>> -> memref<1x128xi32, #tpu.memory_space<vmem>>
        %dma_start3A_23 = tpu.memref_squeeze %dma_start3A_22 : memref<1x128xi32, #tpu.memory_space<vmem>> -> memref<128xi32, #tpu.memory_space<vmem>>
        %dma_start3A_24 = arith.constant 0 : i32
        %dma_start3A_25 = arith.constant 0 : i32
        %dma_start3A_26 = tpu.memref_slice %arg9[%dma_start3A_24, %dma_start3A_25] : memref<10008x128xf32, #tpu.memory_space<vmem_shared>> -> memref<10008x128xf32, #tpu.memory_space<vmem_shared>>
        tpu.enqueue_indirect_dma source(%arg8 : memref<128x128xf32, #tpu.memory_space<vmem>>) target(%dma_start3A_26 : memref<10008x128xf32, #tpu.memory_space<vmem_shared>>) offsets(%dma_start3A_23 : memref<128xi32, #tpu.memory_space<vmem>>) semaphore(%run_scoped3A : memref<!tpu.dma_semaphore, #tpu.memory_space<semaphore_mem>>) {add = true}
        %dma_wait3A = arith.constant 0 : i32
        %dma_wait3A_27 = tpu.memref_slice %arg7[%add3A_21, %dma_wait3A] : memref<80x128xi32, #tpu.memory_space<vmem>> -> memref<1x128xi32, #tpu.memory_space<vmem>>
        %dma_wait3A_28 = tpu.memref_squeeze %dma_wait3A_27 : memref<1x128xi32, #tpu.memory_space<vmem>> -> memref<128xi32, #tpu.memory_space<vmem>>
        %dma_wait3A_29 = arith.constant 0 : i32
        %dma_wait3A_30 = arith.constant 0 : i32
        %dma_wait3A_31 = tpu.memref_slice %arg9[%dma_wait3A_29, %dma_wait3A_30] : memref<10008x128xf32, #tpu.memory_space<vmem_shared>> -> memref<10008x128xf32, #tpu.memory_space<vmem_shared>>
        tpu.wait_indirect_dma semaphore(%run_scoped3A : memref<!tpu.dma_semaphore, #tpu.memory_space<semaphore_mem>>) src(%arg8 : memref<128x128xf32, #tpu.memory_space<vmem>>) dst(%dma_wait3A_31 : memref<10008x128xf32, #tpu.memory_space<vmem_shared>>)
        tpu.yield
      }) : () -> ()
    }
    %scan3A_8 = arith.constant 80 : i32
    %barrier3A_9 = arith.constant 0 : index
    tpu.barrier barrier_id(%barrier3A_9)
    %eq3A = arith.constant 0 : i32
    %eq3A_10 = arith.cmpi eq, %arg0, %eq3A : i32
    %convert_element_type3A = arith.extui %eq3A_10 : i1 to i32
    %cond3A = arith.constant 0 : i32
    %cond3A_11 = arith.cmpi ne, %convert_element_type3A, %cond3A : i32
    scf.if %cond3A_11 {
      %mul3A_17 = arith.constant 625 : i32
      %mul3A_18 = arith.muli %arg1, %mul3A_17 : i32
      "tpu.region"() ({
        %run_scoped3A = tpu.sem_alloc : memref<!tpu.dma_semaphore, #tpu.memory_space<semaphore_mem>>
        %dma_start3A = arith.constant 0 : i32
        %dma_start3A_19 = arith.constant 0 : i32
        %dma_start3A_20 = tpu.memref_slice %arg5[%arg1, %dma_start3A, %dma_start3A_19] : memref<16x625x128xf32, #tpu.memory_space<hbm>> -> memref<1x625x128xf32, #tpu.memory_space<hbm>>
        %dma_start3A_21 = tpu.memref_squeeze %dma_start3A_20 : memref<1x625x128xf32, #tpu.memory_space<hbm>> -> memref<625x128xf32, #tpu.memory_space<hbm>>
        %dma_start3A_22 = arith.constant 0 : i32
        %dma_start3A_23 = tpu.memref_slice %arg9[%mul3A_18, %dma_start3A_22] : memref<10008x128xf32, #tpu.memory_space<vmem_shared>> -> memref<625x128xf32, #tpu.memory_space<vmem_shared>>
        tpu.enqueue_dma source(%dma_start3A_23 : memref<625x128xf32, #tpu.memory_space<vmem_shared>>) target(%dma_start3A_21 : memref<625x128xf32, #tpu.memory_space<hbm>>) target_semaphore(%run_scoped3A : memref<!tpu.dma_semaphore, #tpu.memory_space<semaphore_mem>>)
        %dma_wait3A = arith.constant 0 : i32
        %dma_wait3A_24 = arith.constant 0 : i32
        %dma_wait3A_25 = tpu.memref_slice %arg5[%arg1, %dma_wait3A, %dma_wait3A_24] : memref<16x625x128xf32, #tpu.memory_space<hbm>> -> memref<1x625x128xf32, #tpu.memory_space<hbm>>
        %dma_wait3A_26 = tpu.memref_squeeze %dma_wait3A_25 : memref<1x625x128xf32, #tpu.memory_space<hbm>> -> memref<625x128xf32, #tpu.memory_space<hbm>>
        %dma_wait3A_27 = arith.constant 0 : i32
        %dma_wait3A_28 = tpu.memref_slice %arg9[%mul3A_18, %dma_wait3A_27] : memref<10008x128xf32, #tpu.memory_space<vmem_shared>> -> memref<625x128xf32, #tpu.memory_space<vmem_shared>>
        tpu.wait_dma2 semaphore(%run_scoped3A : memref<!tpu.dma_semaphore, #tpu.memory_space<semaphore_mem>>) src(%dma_wait3A_28 : memref<625x128xf32, #tpu.memory_space<vmem_shared>>) dst(%dma_wait3A_26 : memref<625x128xf32, #tpu.memory_space<hbm>>)
        tpu.yield
      }) : () -> ()
    } else {
    }
    %eq3A_12 = arith.constant 1 : i32
    %eq3A_13 = arith.cmpi eq, %arg0, %eq3A_12 : i32
    %convert_element_type3A_14 = arith.extui %eq3A_13 : i1 to i32
    %cond3A_15 = arith.constant 0 : i32
    %cond3A_16 = arith.cmpi ne, %convert_element_type3A_14, %cond3A_15 : i32
    scf.if %cond3A_16 {
      %mul3A_17 = arith.constant 625 : i32
      %mul3A_18 = arith.muli %arg1, %mul3A_17 : i32
      "tpu.region"() ({
        %run_scoped3A = tpu.sem_alloc : memref<!tpu.dma_semaphore, #tpu.memory_space<semaphore_mem>>
        %dma_start3A = arith.constant 0 : i32
        %dma_start3A_19 = arith.constant 0 : i32
        %dma_start3A_20 = tpu.memref_slice %arg6[%arg1, %dma_start3A, %dma_start3A_19] : memref<16x625x128xf32, #tpu.memory_space<hbm>> -> memref<1x625x128xf32, #tpu.memory_space<hbm>>
        %dma_start3A_21 = tpu.memref_squeeze %dma_start3A_20 : memref<1x625x128xf32, #tpu.memory_space<hbm>> -> memref<625x128xf32, #tpu.memory_space<hbm>>
        %dma_start3A_22 = arith.constant 0 : i32
        %dma_start3A_23 = tpu.memref_slice %arg9[%mul3A_18, %dma_start3A_22] : memref<10008x128xf32, #tpu.memory_space<vmem_shared>> -> memref<625x128xf32, #tpu.memory_space<vmem_shared>>
        tpu.enqueue_dma source(%dma_start3A_23 : memref<625x128xf32, #tpu.memory_space<vmem_shared>>) target(%dma_start3A_21 : memref<625x128xf32, #tpu.memory_space<hbm>>) target_semaphore(%run_scoped3A : memref<!tpu.dma_semaphore, #tpu.memory_space<semaphore_mem>>)
        %dma_wait3A = arith.constant 0 : i32
        %dma_wait3A_24 = arith.constant 0 : i32
        %dma_wait3A_25 = tpu.memref_slice %arg6[%arg1, %dma_wait3A, %dma_wait3A_24] : memref<16x625x128xf32, #tpu.memory_space<hbm>> -> memref<1x625x128xf32, #tpu.memory_space<hbm>>
        %dma_wait3A_26 = tpu.memref_squeeze %dma_wait3A_25 : memref<1x625x128xf32, #tpu.memory_space<hbm>> -> memref<625x128xf32, #tpu.memory_space<hbm>>
        %dma_wait3A_27 = arith.constant 0 : i32
        %dma_wait3A_28 = tpu.memref_slice %arg9[%mul3A_18, %dma_wait3A_27] : memref<10008x128xf32, #tpu.memory_space<vmem_shared>> -> memref<625x128xf32, #tpu.memory_space<vmem_shared>>
        tpu.wait_dma2 semaphore(%run_scoped3A : memref<!tpu.dma_semaphore, #tpu.memory_space<semaphore_mem>>) src(%dma_wait3A_28 : memref<625x128xf32, #tpu.memory_space<vmem_shared>>) dst(%dma_wait3A_26 : memref<625x128xf32, #tpu.memory_space<hbm>>)
        tpu.yield
      }) : () -> ()
    } else {
    }
    return
  }
}

#map = affine_map<(d0, d1) -> (0, 0)>
#map1 = affine_map<(d0, d1) -> (0, 0, 0)>
module attributes {stable_mosaic.version = 14 : i64} {
  func.func @_conv_body(%arg0: i32, %arg1: i32, %arg2: memref<10000x128xf32, #tpu.memory_space<hbm>>, %arg3: memref<10000x128xf32, #tpu.memory_space<hbm>>, %arg4: memref<2560x128xi32, #tpu.memory_space<hbm>>, %arg5: memref<2560x128xi32, #tpu.memory_space<hbm>>, %arg6: memref<625x128xf32, #tpu.memory_space<hbm>>, %arg7: memref<16x625x128xf32, #tpu.memory_space<hbm>>, %arg8: memref<16x625x128xf32, #tpu.memory_space<hbm>>, %arg9: memref<40x128xi32, #tpu.memory_space<vmem>>, %arg10: memref<40x128xi32, #tpu.memory_space<vmem>>, %arg11: memref<128x128xf32, #tpu.memory_space<vmem>>, %arg12: memref<128x128xf32, #tpu.memory_space<vmem>>, %arg13: memref<!tpu.dma_semaphore, #tpu.memory_space<semaphore_mem>>, %arg14: memref<!tpu.dma_semaphore, #tpu.memory_space<semaphore_mem>>, %arg15: memref<!tpu.dma_semaphore, #tpu.memory_space<semaphore_mem>>, %arg16: memref<!tpu.dma_semaphore, #tpu.memory_space<semaphore_mem>>, %arg17: memref<10008x128xf32, #tpu.memory_space<vmem_shared>>) attributes {dimension_semantics = [#tpu.dimension_semantics<core_parallel>, #tpu.dimension_semantics<subcore_parallel>], iteration_bounds = array<i64: 2, 16>, scalar_prefetch = 0 : i64, scratch_operands = 9 : i64, tpu.core_type = #tpu.core_type<sc_vector_subcore>, window_params = [{transform_indices = #map}, {transform_indices = #map}, {transform_indices = #map}, {transform_indices = #map}, {transform_indices = #map}, {transform_indices = #map1}, {transform_indices = #map1}]} {
    %mul3A = arith.constant 625 : i32
    %mul3A_0 = arith.muli %arg1, %mul3A : i32
    "tpu.region"() ({
      %run_scoped3A = tpu.sem_alloc : memref<!tpu.dma_semaphore, #tpu.memory_space<semaphore_mem>>
      %dma_start3A = arith.constant 0 : i32
      %dma_start3A_19 = tpu.memref_slice %arg17[%mul3A_0, %dma_start3A] : memref<10008x128xf32, #tpu.memory_space<vmem_shared>> -> memref<625x128xf32, #tpu.memory_space<vmem_shared>>
      tpu.enqueue_dma source(%arg6 : memref<625x128xf32, #tpu.memory_space<hbm>>) target(%dma_start3A_19 : memref<625x128xf32, #tpu.memory_space<vmem_shared>>) target_semaphore(%run_scoped3A : memref<!tpu.dma_semaphore, #tpu.memory_space<semaphore_mem>>)
      %dma_wait3A = arith.constant 0 : i32
      %dma_wait3A_20 = tpu.memref_slice %arg17[%mul3A_0, %dma_wait3A] : memref<10008x128xf32, #tpu.memory_space<vmem_shared>> -> memref<625x128xf32, #tpu.memory_space<vmem_shared>>
      tpu.wait_dma2 semaphore(%run_scoped3A : memref<!tpu.dma_semaphore, #tpu.memory_space<semaphore_mem>>) src(%arg6 : memref<625x128xf32, #tpu.memory_space<hbm>>) dst(%dma_wait3A_20 : memref<625x128xf32, #tpu.memory_space<vmem_shared>>)
      tpu.yield
    }) : () -> ()
    %barrier3A = arith.constant 0 : index
    tpu.barrier barrier_id(%barrier3A)
    %eq3A = arith.constant 0 : i32
    %eq3A_1 = arith.cmpi eq, %arg0, %eq3A : i32
    %convert_element_type3A = arith.extui %eq3A_1 : i1 to i32
    %cond3A = arith.constant 0 : i32
    %cond3A_2 = arith.cmpi ne, %convert_element_type3A, %cond3A : i32
    scf.if %cond3A_2 {
      %scan3A = arith.constant 0 : i32
      %scan3A_19 = arith.constant 4 : i32
      %scan3A_20 = arith.addi %scan3A, %scan3A_19 : i32
      %scan3A_21 = arith.constant 1 : i32
      scf.for %scan3A_23 = %scan3A to %scan3A_20 step %scan3A_21  : i32 {
        %mul3A_24 = arith.constant 1 : i32
        %mul3A_25 = arith.muli %scan3A_23, %mul3A_24 : i32
        %add3A = arith.constant 0 : i32
        %add3A_26 = arith.addi %add3A, %mul3A_25 : i32
        %mul3A_27 = arith.constant 160 : i32
        %mul3A_28 = arith.muli %arg1, %mul3A_27 : i32
        %mul3A_29 = arith.constant 40 : i32
        %mul3A_30 = arith.muli %add3A_26, %mul3A_29 : i32
        %add3A_31 = arith.addi %mul3A_28, %mul3A_30 : i32
        "tpu.region"() ({
          %run_scoped3A_69 = tpu.sem_alloc : memref<!tpu.dma_semaphore, #tpu.memory_space<semaphore_mem>>
          %dma_start3A_70 = arith.constant 0 : i32
          %dma_start3A_71 = tpu.memref_slice %arg4[%add3A_31, %dma_start3A_70] : memref<2560x128xi32, #tpu.memory_space<hbm>> -> memref<40x128xi32, #tpu.memory_space<hbm>>
          %dma_start3A_72 = arith.constant 0 : i32
          %dma_start3A_73 = tpu.memref_slice %arg4[%add3A_31, %dma_start3A_72] : memref<2560x128xi32, #tpu.memory_space<hbm>> -> memref<40x128xi32, #tpu.memory_space<hbm>>
          tpu.enqueue_dma source(%dma_start3A_73 : memref<40x128xi32, #tpu.memory_space<hbm>>) target(%arg9 : memref<40x128xi32, #tpu.memory_space<vmem>>) target_semaphore(%run_scoped3A_69 : memref<!tpu.dma_semaphore, #tpu.memory_space<semaphore_mem>>)
          %dma_wait3A_74 = arith.constant 0 : i32
          %dma_wait3A_75 = tpu.memref_slice %arg4[%add3A_31, %dma_wait3A_74] : memref<2560x128xi32, #tpu.memory_space<hbm>> -> memref<40x128xi32, #tpu.memory_space<hbm>>
          %dma_wait3A_76 = arith.constant 0 : i32
          %dma_wait3A_77 = tpu.memref_slice %arg4[%add3A_31, %dma_wait3A_76] : memref<2560x128xi32, #tpu.memory_space<hbm>> -> memref<40x128xi32, #tpu.memory_space<hbm>>
          tpu.wait_dma2 semaphore(%run_scoped3A_69 : memref<!tpu.dma_semaphore, #tpu.memory_space<semaphore_mem>>) src(%dma_wait3A_77 : memref<40x128xi32, #tpu.memory_space<hbm>>) dst(%arg9 : memref<40x128xi32, #tpu.memory_space<vmem>>)
          tpu.yield
        }) : () -> ()
        %mul3A_32 = arith.constant 160 : i32
        %mul3A_33 = arith.muli %arg1, %mul3A_32 : i32
        %mul3A_34 = arith.constant 40 : i32
        %mul3A_35 = arith.muli %add3A_26, %mul3A_34 : i32
        %add3A_36 = arith.addi %mul3A_33, %mul3A_35 : i32
        "tpu.region"() ({
          %run_scoped3A_69 = tpu.sem_alloc : memref<!tpu.dma_semaphore, #tpu.memory_space<semaphore_mem>>
          %dma_start3A_70 = arith.constant 0 : i32
          %dma_start3A_71 = tpu.memref_slice %arg5[%add3A_36, %dma_start3A_70] : memref<2560x128xi32, #tpu.memory_space<hbm>> -> memref<40x128xi32, #tpu.memory_space<hbm>>
          %dma_start3A_72 = arith.constant 0 : i32
          %dma_start3A_73 = tpu.memref_slice %arg5[%add3A_36, %dma_start3A_72] : memref<2560x128xi32, #tpu.memory_space<hbm>> -> memref<40x128xi32, #tpu.memory_space<hbm>>
          tpu.enqueue_dma source(%dma_start3A_73 : memref<40x128xi32, #tpu.memory_space<hbm>>) target(%arg10 : memref<40x128xi32, #tpu.memory_space<vmem>>) target_semaphore(%run_scoped3A_69 : memref<!tpu.dma_semaphore, #tpu.memory_space<semaphore_mem>>)
          %dma_wait3A_74 = arith.constant 0 : i32
          %dma_wait3A_75 = tpu.memref_slice %arg5[%add3A_36, %dma_wait3A_74] : memref<2560x128xi32, #tpu.memory_space<hbm>> -> memref<40x128xi32, #tpu.memory_space<hbm>>
          %dma_wait3A_76 = arith.constant 0 : i32
          %dma_wait3A_77 = tpu.memref_slice %arg5[%add3A_36, %dma_wait3A_76] : memref<2560x128xi32, #tpu.memory_space<hbm>> -> memref<40x128xi32, #tpu.memory_space<hbm>>
          tpu.wait_dma2 semaphore(%run_scoped3A_69 : memref<!tpu.dma_semaphore, #tpu.memory_space<semaphore_mem>>) src(%dma_wait3A_77 : memref<40x128xi32, #tpu.memory_space<hbm>>) dst(%arg10 : memref<40x128xi32, #tpu.memory_space<vmem>>)
          tpu.yield
        }) : () -> ()
        %dma_start3A = arith.constant 0 : i32
        %dma_start3A_37 = arith.constant 0 : i32
        %dma_start3A_38 = tpu.memref_slice %arg9[%dma_start3A, %dma_start3A_37] : memref<40x128xi32, #tpu.memory_space<vmem>> -> memref<1x128xi32, #tpu.memory_space<vmem>>
        %dma_start3A_39 = tpu.memref_squeeze %dma_start3A_38 : memref<1x128xi32, #tpu.memory_space<vmem>> -> memref<128xi32, #tpu.memory_space<vmem>>
        %dma_start3A_40 = arith.constant 0 : i32
        %dma_start3A_41 = arith.constant 0 : i32
        %dma_start3A_42 = tpu.memref_slice %arg2[%dma_start3A_40, %dma_start3A_41] : memref<10000x128xf32, #tpu.memory_space<hbm>> -> memref<10000x128xf32, #tpu.memory_space<hbm>>
        tpu.enqueue_indirect_dma source(%dma_start3A_42 : memref<10000x128xf32, #tpu.memory_space<hbm>>) target(%arg11 : memref<128x128xf32, #tpu.memory_space<vmem>>) offsets(%dma_start3A_39 : memref<128xi32, #tpu.memory_space<vmem>>) semaphore(%arg13 : memref<!tpu.dma_semaphore, #tpu.memory_space<semaphore_mem>>)
        %scan3A_43 = arith.constant 0 : i32
        %scan3A_44 = arith.constant 19 : i32
        %scan3A_45 = arith.addi %scan3A_43, %scan3A_44 : i32
        %scan3A_46 = arith.constant 1 : i32
        scf.for %scan3A_69 = %scan3A_43 to %scan3A_45 step %scan3A_46  : i32 {
          %mul3A_70 = arith.constant 2 : i32
          %mul3A_71 = arith.muli %scan3A_69, %mul3A_70 : i32
          %add3A_72 = arith.constant 0 : i32
          %add3A_73 = arith.addi %add3A_72, %mul3A_71 : i32
          %dma_wait3A_74 = arith.constant 0 : i32
          %dma_wait3A_75 = tpu.memref_slice %arg9[%add3A_73, %dma_wait3A_74] : memref<40x128xi32, #tpu.memory_space<vmem>> -> memref<1x128xi32, #tpu.memory_space<vmem>>
          %dma_wait3A_76 = tpu.memref_squeeze %dma_wait3A_75 : memref<1x128xi32, #tpu.memory_space<vmem>> -> memref<128xi32, #tpu.memory_space<vmem>>
          %dma_wait3A_77 = arith.constant 0 : i32
          %dma_wait3A_78 = arith.constant 0 : i32
          %dma_wait3A_79 = tpu.memref_slice %arg2[%dma_wait3A_77, %dma_wait3A_78] : memref<10000x128xf32, #tpu.memory_space<hbm>> -> memref<10000x128xf32, #tpu.memory_space<hbm>>
          tpu.wait_indirect_dma semaphore(%arg13 : memref<!tpu.dma_semaphore, #tpu.memory_space<semaphore_mem>>) src(%dma_wait3A_79 : memref<10000x128xf32, #tpu.memory_space<hbm>>) dst(%arg11 : memref<128x128xf32, #tpu.memory_space<vmem>>)
          %add3A_80 = arith.constant 1 : i32
          %add3A_81 = arith.addi %add3A_73, %add3A_80 : i32
          %dma_start3A_82 = arith.constant 0 : i32
          %dma_start3A_83 = tpu.memref_slice %arg9[%add3A_81, %dma_start3A_82] : memref<40x128xi32, #tpu.memory_space<vmem>> -> memref<1x128xi32, #tpu.memory_space<vmem>>
          %dma_start3A_84 = tpu.memref_squeeze %dma_start3A_83 : memref<1x128xi32, #tpu.memory_space<vmem>> -> memref<128xi32, #tpu.memory_space<vmem>>
          %dma_start3A_85 = arith.constant 0 : i32
          %dma_start3A_86 = arith.constant 0 : i32
          %dma_start3A_87 = tpu.memref_slice %arg2[%dma_start3A_85, %dma_start3A_86] : memref<10000x128xf32, #tpu.memory_space<hbm>> -> memref<10000x128xf32, #tpu.memory_space<hbm>>
          tpu.enqueue_indirect_dma source(%dma_start3A_87 : memref<10000x128xf32, #tpu.memory_space<hbm>>) target(%arg12 : memref<128x128xf32, #tpu.memory_space<vmem>>) offsets(%dma_start3A_84 : memref<128xi32, #tpu.memory_space<vmem>>) semaphore(%arg14 : memref<!tpu.dma_semaphore, #tpu.memory_space<semaphore_mem>>)
          "tpu.region"() ({
            %run_scoped3A_106 = tpu.sem_alloc : memref<!tpu.dma_semaphore, #tpu.memory_space<semaphore_mem>>
            %dma_start3A_107 = arith.constant 0 : i32
            %dma_start3A_108 = tpu.memref_slice %arg10[%add3A_73, %dma_start3A_107] : memref<40x128xi32, #tpu.memory_space<vmem>> -> memref<1x128xi32, #tpu.memory_space<vmem>>
            %dma_start3A_109 = tpu.memref_squeeze %dma_start3A_108 : memref<1x128xi32, #tpu.memory_space<vmem>> -> memref<128xi32, #tpu.memory_space<vmem>>
            %dma_start3A_110 = arith.constant 0 : i32
            %dma_start3A_111 = arith.constant 0 : i32
            %dma_start3A_112 = tpu.memref_slice %arg17[%dma_start3A_110, %dma_start3A_111] : memref<10008x128xf32, #tpu.memory_space<vmem_shared>> -> memref<10008x128xf32, #tpu.memory_space<vmem_shared>>
            tpu.enqueue_indirect_dma source(%arg11 : memref<128x128xf32, #tpu.memory_space<vmem>>) target(%dma_start3A_112 : memref<10008x128xf32, #tpu.memory_space<vmem_shared>>) offsets(%dma_start3A_109 : memref<128xi32, #tpu.memory_space<vmem>>) semaphore(%run_scoped3A_106 : memref<!tpu.dma_semaphore, #tpu.memory_space<semaphore_mem>>) {add = true}
            %dma_wait3A_113 = arith.constant 0 : i32
            %dma_wait3A_114 = tpu.memref_slice %arg10[%add3A_73, %dma_wait3A_113] : memref<40x128xi32, #tpu.memory_space<vmem>> -> memref<1x128xi32, #tpu.memory_space<vmem>>
            %dma_wait3A_115 = tpu.memref_squeeze %dma_wait3A_114 : memref<1x128xi32, #tpu.memory_space<vmem>> -> memref<128xi32, #tpu.memory_space<vmem>>
            %dma_wait3A_116 = arith.constant 0 : i32
            %dma_wait3A_117 = arith.constant 0 : i32
            %dma_wait3A_118 = tpu.memref_slice %arg17[%dma_wait3A_116, %dma_wait3A_117] : memref<10008x128xf32, #tpu.memory_space<vmem_shared>> -> memref<10008x128xf32, #tpu.memory_space<vmem_shared>>
            tpu.wait_indirect_dma semaphore(%run_scoped3A_106 : memref<!tpu.dma_semaphore, #tpu.memory_space<semaphore_mem>>) src(%arg11 : memref<128x128xf32, #tpu.memory_space<vmem>>) dst(%dma_wait3A_118 : memref<10008x128xf32, #tpu.memory_space<vmem_shared>>)
            tpu.yield
          }) : () -> ()
          %add3A_88 = arith.constant 1 : i32
          %add3A_89 = arith.addi %add3A_73, %add3A_88 : i32
          %dma_wait3A_90 = arith.constant 0 : i32
          %dma_wait3A_91 = tpu.memref_slice %arg9[%add3A_89, %dma_wait3A_90] : memref<40x128xi32, #tpu.memory_space<vmem>> -> memref<1x128xi32, #tpu.memory_space<vmem>>
          %dma_wait3A_92 = tpu.memref_squeeze %dma_wait3A_91 : memref<1x128xi32, #tpu.memory_space<vmem>> -> memref<128xi32, #tpu.memory_space<vmem>>
          %dma_wait3A_93 = arith.constant 0 : i32
          %dma_wait3A_94 = arith.constant 0 : i32
          %dma_wait3A_95 = tpu.memref_slice %arg2[%dma_wait3A_93, %dma_wait3A_94] : memref<10000x128xf32, #tpu.memory_space<hbm>> -> memref<10000x128xf32, #tpu.memory_space<hbm>>
          tpu.wait_indirect_dma semaphore(%arg14 : memref<!tpu.dma_semaphore, #tpu.memory_space<semaphore_mem>>) src(%dma_wait3A_95 : memref<10000x128xf32, #tpu.memory_space<hbm>>) dst(%arg12 : memref<128x128xf32, #tpu.memory_space<vmem>>)
          %add3A_96 = arith.constant 2 : i32
          %add3A_97 = arith.addi %add3A_73, %add3A_96 : i32
          %dma_start3A_98 = arith.constant 0 : i32
          %dma_start3A_99 = tpu.memref_slice %arg9[%add3A_97, %dma_start3A_98] : memref<40x128xi32, #tpu.memory_space<vmem>> -> memref<1x128xi32, #tpu.memory_space<vmem>>
          %dma_start3A_100 = tpu.memref_squeeze %dma_start3A_99 : memref<1x128xi32, #tpu.memory_space<vmem>> -> memref<128xi32, #tpu.memory_space<vmem>>
          %dma_start3A_101 = arith.constant 0 : i32
          %dma_start3A_102 = arith.constant 0 : i32
          %dma_start3A_103 = tpu.memref_slice %arg2[%dma_start3A_101, %dma_start3A_102] : memref<10000x128xf32, #tpu.memory_space<hbm>> -> memref<10000x128xf32, #tpu.memory_space<hbm>>
          tpu.enqueue_indirect_dma source(%dma_start3A_103 : memref<10000x128xf32, #tpu.memory_space<hbm>>) target(%arg11 : memref<128x128xf32, #tpu.memory_space<vmem>>) offsets(%dma_start3A_100 : memref<128xi32, #tpu.memory_space<vmem>>) semaphore(%arg13 : memref<!tpu.dma_semaphore, #tpu.memory_space<semaphore_mem>>)
          %add3A_104 = arith.constant 1 : i32
          %add3A_105 = arith.addi %add3A_73, %add3A_104 : i32
          "tpu.region"() ({
            %run_scoped3A_106 = tpu.sem_alloc : memref<!tpu.dma_semaphore, #tpu.memory_space<semaphore_mem>>
            %dma_start3A_107 = arith.constant 0 : i32
            %dma_start3A_108 = tpu.memref_slice %arg10[%add3A_105, %dma_start3A_107] : memref<40x128xi32, #tpu.memory_space<vmem>> -> memref<1x128xi32, #tpu.memory_space<vmem>>
            %dma_start3A_109 = tpu.memref_squeeze %dma_start3A_108 : memref<1x128xi32, #tpu.memory_space<vmem>> -> memref<128xi32, #tpu.memory_space<vmem>>
            %dma_start3A_110 = arith.constant 0 : i32
            %dma_start3A_111 = arith.constant 0 : i32
            %dma_start3A_112 = tpu.memref_slice %arg17[%dma_start3A_110, %dma_start3A_111] : memref<10008x128xf32, #tpu.memory_space<vmem_shared>> -> memref<10008x128xf32, #tpu.memory_space<vmem_shared>>
            tpu.enqueue_indirect_dma source(%arg12 : memref<128x128xf32, #tpu.memory_space<vmem>>) target(%dma_start3A_112 : memref<10008x128xf32, #tpu.memory_space<vmem_shared>>) offsets(%dma_start3A_109 : memref<128xi32, #tpu.memory_space<vmem>>) semaphore(%run_scoped3A_106 : memref<!tpu.dma_semaphore, #tpu.memory_space<semaphore_mem>>) {add = true}
            %dma_wait3A_113 = arith.constant 0 : i32
            %dma_wait3A_114 = tpu.memref_slice %arg10[%add3A_105, %dma_wait3A_113] : memref<40x128xi32, #tpu.memory_space<vmem>> -> memref<1x128xi32, #tpu.memory_space<vmem>>
            %dma_wait3A_115 = tpu.memref_squeeze %dma_wait3A_114 : memref<1x128xi32, #tpu.memory_space<vmem>> -> memref<128xi32, #tpu.memory_space<vmem>>
            %dma_wait3A_116 = arith.constant 0 : i32
            %dma_wait3A_117 = arith.constant 0 : i32
            %dma_wait3A_118 = tpu.memref_slice %arg17[%dma_wait3A_116, %dma_wait3A_117] : memref<10008x128xf32, #tpu.memory_space<vmem_shared>> -> memref<10008x128xf32, #tpu.memory_space<vmem_shared>>
            tpu.wait_indirect_dma semaphore(%run_scoped3A_106 : memref<!tpu.dma_semaphore, #tpu.memory_space<semaphore_mem>>) src(%arg12 : memref<128x128xf32, #tpu.memory_space<vmem>>) dst(%dma_wait3A_118 : memref<10008x128xf32, #tpu.memory_space<vmem_shared>>)
            tpu.yield
          }) : () -> ()
        }
        %scan3A_47 = arith.constant 19 : i32
        %dma_wait3A = arith.constant 38 : i32
        %dma_wait3A_48 = arith.constant 0 : i32
        %dma_wait3A_49 = tpu.memref_slice %arg9[%dma_wait3A, %dma_wait3A_48] : memref<40x128xi32, #tpu.memory_space<vmem>> -> memref<1x128xi32, #tpu.memory_space<vmem>>
        %dma_wait3A_50 = tpu.memref_squeeze %dma_wait3A_49 : memref<1x128xi32, #tpu.memory_space<vmem>> -> memref<128xi32, #tpu.memory_space<vmem>>
        %dma_wait3A_51 = arith.constant 0 : i32
        %dma_wait3A_52 = arith.constant 0 : i32
        %dma_wait3A_53 = tpu.memref_slice %arg2[%dma_wait3A_51, %dma_wait3A_52] : memref<10000x128xf32, #tpu.memory_space<hbm>> -> memref<10000x128xf32, #tpu.memory_space<hbm>>
        tpu.wait_indirect_dma semaphore(%arg13 : memref<!tpu.dma_semaphore, #tpu.memory_space<semaphore_mem>>) src(%dma_wait3A_53 : memref<10000x128xf32, #tpu.memory_space<hbm>>) dst(%arg11 : memref<128x128xf32, #tpu.memory_space<vmem>>)
        %dma_start3A_54 = arith.constant 39 : i32
        %dma_start3A_55 = arith.constant 0 : i32
        %dma_start3A_56 = tpu.memref_slice %arg9[%dma_start3A_54, %dma_start3A_55] : memref<40x128xi32, #tpu.memory_space<vmem>> -> memref<1x128xi32, #tpu.memory_space<vmem>>
        %dma_start3A_57 = tpu.memref_squeeze %dma_start3A_56 : memref<1x128xi32, #tpu.memory_space<vmem>> -> memref<128xi32, #tpu.memory_space<vmem>>
        %dma_start3A_58 = arith.constant 0 : i32
        %dma_start3A_59 = arith.constant 0 : i32
        %dma_start3A_60 = tpu.memref_slice %arg2[%dma_start3A_58, %dma_start3A_59] : memref<10000x128xf32, #tpu.memory_space<hbm>> -> memref<10000x128xf32, #tpu.memory_space<hbm>>
        tpu.enqueue_indirect_dma source(%dma_start3A_60 : memref<10000x128xf32, #tpu.memory_space<hbm>>) target(%arg12 : memref<128x128xf32, #tpu.memory_space<vmem>>) offsets(%dma_start3A_57 : memref<128xi32, #tpu.memory_space<vmem>>) semaphore(%arg14 : memref<!tpu.dma_semaphore, #tpu.memory_space<semaphore_mem>>)
        %run_scoped3A = arith.constant 38 : i32
        "tpu.region"() ({
          %run_scoped3A_69 = tpu.sem_alloc : memref<!tpu.dma_semaphore, #tpu.memory_space<semaphore_mem>>
          %dma_start3A_70 = arith.constant 0 : i32
          %dma_start3A_71 = tpu.memref_slice %arg10[%run_scoped3A, %dma_start3A_70] : memref<40x128xi32, #tpu.memory_space<vmem>> -> memref<1x128xi32, #tpu.memory_space<vmem>>
          %dma_start3A_72 = tpu.memref_squeeze %dma_start3A_71 : memref<1x128xi32, #tpu.memory_space<vmem>> -> memref<128xi32, #tpu.memory_space<vmem>>
          %dma_start3A_73 = arith.constant 0 : i32
          %dma_start3A_74 = arith.constant 0 : i32
          %dma_start3A_75 = tpu.memref_slice %arg17[%dma_start3A_73, %dma_start3A_74] : memref<10008x128xf32, #tpu.memory_space<vmem_shared>> -> memref<10008x128xf32, #tpu.memory_space<vmem_shared>>
          tpu.enqueue_indirect_dma source(%arg11 : memref<128x128xf32, #tpu.memory_space<vmem>>) target(%dma_start3A_75 : memref<10008x128xf32, #tpu.memory_space<vmem_shared>>) offsets(%dma_start3A_72 : memref<128xi32, #tpu.memory_space<vmem>>) semaphore(%run_scoped3A_69 : memref<!tpu.dma_semaphore, #tpu.memory_space<semaphore_mem>>) {add = true}
          %dma_wait3A_76 = arith.constant 0 : i32
          %dma_wait3A_77 = tpu.memref_slice %arg10[%run_scoped3A, %dma_wait3A_76] : memref<40x128xi32, #tpu.memory_space<vmem>> -> memref<1x128xi32, #tpu.memory_space<vmem>>
          %dma_wait3A_78 = tpu.memref_squeeze %dma_wait3A_77 : memref<1x128xi32, #tpu.memory_space<vmem>> -> memref<128xi32, #tpu.memory_space<vmem>>
          %dma_wait3A_79 = arith.constant 0 : i32
          %dma_wait3A_80 = arith.constant 0 : i32
          %dma_wait3A_81 = tpu.memref_slice %arg17[%dma_wait3A_79, %dma_wait3A_80] : memref<10008x128xf32, #tpu.memory_space<vmem_shared>> -> memref<10008x128xf32, #tpu.memory_space<vmem_shared>>
          tpu.wait_indirect_dma semaphore(%run_scoped3A_69 : memref<!tpu.dma_semaphore, #tpu.memory_space<semaphore_mem>>) src(%arg11 : memref<128x128xf32, #tpu.memory_space<vmem>>) dst(%dma_wait3A_81 : memref<10008x128xf32, #tpu.memory_space<vmem_shared>>)
          tpu.yield
        }) : () -> ()
        %dma_wait3A_61 = arith.constant 39 : i32
        %dma_wait3A_62 = arith.constant 0 : i32
        %dma_wait3A_63 = tpu.memref_slice %arg9[%dma_wait3A_61, %dma_wait3A_62] : memref<40x128xi32, #tpu.memory_space<vmem>> -> memref<1x128xi32, #tpu.memory_space<vmem>>
        %dma_wait3A_64 = tpu.memref_squeeze %dma_wait3A_63 : memref<1x128xi32, #tpu.memory_space<vmem>> -> memref<128xi32, #tpu.memory_space<vmem>>
        %dma_wait3A_65 = arith.constant 0 : i32
        %dma_wait3A_66 = arith.constant 0 : i32
        %dma_wait3A_67 = tpu.memref_slice %arg2[%dma_wait3A_65, %dma_wait3A_66] : memref<10000x128xf32, #tpu.memory_space<hbm>> -> memref<10000x128xf32, #tpu.memory_space<hbm>>
        tpu.wait_indirect_dma semaphore(%arg14 : memref<!tpu.dma_semaphore, #tpu.memory_space<semaphore_mem>>) src(%dma_wait3A_67 : memref<10000x128xf32, #tpu.memory_space<hbm>>) dst(%arg12 : memref<128x128xf32, #tpu.memory_space<vmem>>)
        %run_scoped3A_68 = arith.constant 39 : i32
        "tpu.region"() ({
          %run_scoped3A_69 = tpu.sem_alloc : memref<!tpu.dma_semaphore, #tpu.memory_space<semaphore_mem>>
          %dma_start3A_70 = arith.constant 0 : i32
          %dma_start3A_71 = tpu.memref_slice %arg10[%run_scoped3A_68, %dma_start3A_70] : memref<40x128xi32, #tpu.memory_space<vmem>> -> memref<1x128xi32, #tpu.memory_space<vmem>>
          %dma_start3A_72 = tpu.memref_squeeze %dma_start3A_71 : memref<1x128xi32, #tpu.memory_space<vmem>> -> memref<128xi32, #tpu.memory_space<vmem>>
          %dma_start3A_73 = arith.constant 0 : i32
          %dma_start3A_74 = arith.constant 0 : i32
          %dma_start3A_75 = tpu.memref_slice %arg17[%dma_start3A_73, %dma_start3A_74] : memref<10008x128xf32, #tpu.memory_space<vmem_shared>> -> memref<10008x128xf32, #tpu.memory_space<vmem_shared>>
          tpu.enqueue_indirect_dma source(%arg12 : memref<128x128xf32, #tpu.memory_space<vmem>>) target(%dma_start3A_75 : memref<10008x128xf32, #tpu.memory_space<vmem_shared>>) offsets(%dma_start3A_72 : memref<128xi32, #tpu.memory_space<vmem>>) semaphore(%run_scoped3A_69 : memref<!tpu.dma_semaphore, #tpu.memory_space<semaphore_mem>>) {add = true}
          %dma_wait3A_76 = arith.constant 0 : i32
          %dma_wait3A_77 = tpu.memref_slice %arg10[%run_scoped3A_68, %dma_wait3A_76] : memref<40x128xi32, #tpu.memory_space<vmem>> -> memref<1x128xi32, #tpu.memory_space<vmem>>
          %dma_wait3A_78 = tpu.memref_squeeze %dma_wait3A_77 : memref<1x128xi32, #tpu.memory_space<vmem>> -> memref<128xi32, #tpu.memory_space<vmem>>
          %dma_wait3A_79 = arith.constant 0 : i32
          %dma_wait3A_80 = arith.constant 0 : i32
          %dma_wait3A_81 = tpu.memref_slice %arg17[%dma_wait3A_79, %dma_wait3A_80] : memref<10008x128xf32, #tpu.memory_space<vmem_shared>> -> memref<10008x128xf32, #tpu.memory_space<vmem_shared>>
          tpu.wait_indirect_dma semaphore(%run_scoped3A_69 : memref<!tpu.dma_semaphore, #tpu.memory_space<semaphore_mem>>) src(%arg12 : memref<128x128xf32, #tpu.memory_space<vmem>>) dst(%dma_wait3A_81 : memref<10008x128xf32, #tpu.memory_space<vmem_shared>>)
          tpu.yield
        }) : () -> ()
      }
      %scan3A_22 = arith.constant 4 : i32
    } else {
    }
    %eq3A_3 = arith.constant 1 : i32
    %eq3A_4 = arith.cmpi eq, %arg0, %eq3A_3 : i32
    %convert_element_type3A_5 = arith.extui %eq3A_4 : i1 to i32
    %cond3A_6 = arith.constant 0 : i32
    %cond3A_7 = arith.cmpi ne, %convert_element_type3A_5, %cond3A_6 : i32
    scf.if %cond3A_7 {
      %scan3A = arith.constant 0 : i32
      %scan3A_19 = arith.constant 4 : i32
      %scan3A_20 = arith.addi %scan3A, %scan3A_19 : i32
      %scan3A_21 = arith.constant 1 : i32
      scf.for %scan3A_23 = %scan3A to %scan3A_20 step %scan3A_21  : i32 {
        %mul3A_24 = arith.constant 1 : i32
        %mul3A_25 = arith.muli %scan3A_23, %mul3A_24 : i32
        %add3A = arith.constant 0 : i32
        %add3A_26 = arith.addi %add3A, %mul3A_25 : i32
        %mul3A_27 = arith.constant 160 : i32
        %mul3A_28 = arith.muli %arg1, %mul3A_27 : i32
        %mul3A_29 = arith.constant 40 : i32
        %mul3A_30 = arith.muli %add3A_26, %mul3A_29 : i32
        %add3A_31 = arith.addi %mul3A_28, %mul3A_30 : i32
        "tpu.region"() ({
          %run_scoped3A_69 = tpu.sem_alloc : memref<!tpu.dma_semaphore, #tpu.memory_space<semaphore_mem>>
          %dma_start3A_70 = arith.constant 0 : i32
          %dma_start3A_71 = tpu.memref_slice %arg4[%add3A_31, %dma_start3A_70] : memref<2560x128xi32, #tpu.memory_space<hbm>> -> memref<40x128xi32, #tpu.memory_space<hbm>>
          %dma_start3A_72 = arith.constant 0 : i32
          %dma_start3A_73 = tpu.memref_slice %arg4[%add3A_31, %dma_start3A_72] : memref<2560x128xi32, #tpu.memory_space<hbm>> -> memref<40x128xi32, #tpu.memory_space<hbm>>
          tpu.enqueue_dma source(%dma_start3A_73 : memref<40x128xi32, #tpu.memory_space<hbm>>) target(%arg9 : memref<40x128xi32, #tpu.memory_space<vmem>>) target_semaphore(%run_scoped3A_69 : memref<!tpu.dma_semaphore, #tpu.memory_space<semaphore_mem>>)
          %dma_wait3A_74 = arith.constant 0 : i32
          %dma_wait3A_75 = tpu.memref_slice %arg4[%add3A_31, %dma_wait3A_74] : memref<2560x128xi32, #tpu.memory_space<hbm>> -> memref<40x128xi32, #tpu.memory_space<hbm>>
          %dma_wait3A_76 = arith.constant 0 : i32
          %dma_wait3A_77 = tpu.memref_slice %arg4[%add3A_31, %dma_wait3A_76] : memref<2560x128xi32, #tpu.memory_space<hbm>> -> memref<40x128xi32, #tpu.memory_space<hbm>>
          tpu.wait_dma2 semaphore(%run_scoped3A_69 : memref<!tpu.dma_semaphore, #tpu.memory_space<semaphore_mem>>) src(%dma_wait3A_77 : memref<40x128xi32, #tpu.memory_space<hbm>>) dst(%arg9 : memref<40x128xi32, #tpu.memory_space<vmem>>)
          tpu.yield
        }) : () -> ()
        %mul3A_32 = arith.constant 160 : i32
        %mul3A_33 = arith.muli %arg1, %mul3A_32 : i32
        %mul3A_34 = arith.constant 40 : i32
        %mul3A_35 = arith.muli %add3A_26, %mul3A_34 : i32
        %add3A_36 = arith.addi %mul3A_33, %mul3A_35 : i32
        "tpu.region"() ({
          %run_scoped3A_69 = tpu.sem_alloc : memref<!tpu.dma_semaphore, #tpu.memory_space<semaphore_mem>>
          %dma_start3A_70 = arith.constant 0 : i32
          %dma_start3A_71 = tpu.memref_slice %arg5[%add3A_36, %dma_start3A_70] : memref<2560x128xi32, #tpu.memory_space<hbm>> -> memref<40x128xi32, #tpu.memory_space<hbm>>
          %dma_start3A_72 = arith.constant 0 : i32
          %dma_start3A_73 = tpu.memref_slice %arg5[%add3A_36, %dma_start3A_72] : memref<2560x128xi32, #tpu.memory_space<hbm>> -> memref<40x128xi32, #tpu.memory_space<hbm>>
          tpu.enqueue_dma source(%dma_start3A_73 : memref<40x128xi32, #tpu.memory_space<hbm>>) target(%arg10 : memref<40x128xi32, #tpu.memory_space<vmem>>) target_semaphore(%run_scoped3A_69 : memref<!tpu.dma_semaphore, #tpu.memory_space<semaphore_mem>>)
          %dma_wait3A_74 = arith.constant 0 : i32
          %dma_wait3A_75 = tpu.memref_slice %arg5[%add3A_36, %dma_wait3A_74] : memref<2560x128xi32, #tpu.memory_space<hbm>> -> memref<40x128xi32, #tpu.memory_space<hbm>>
          %dma_wait3A_76 = arith.constant 0 : i32
          %dma_wait3A_77 = tpu.memref_slice %arg5[%add3A_36, %dma_wait3A_76] : memref<2560x128xi32, #tpu.memory_space<hbm>> -> memref<40x128xi32, #tpu.memory_space<hbm>>
          tpu.wait_dma2 semaphore(%run_scoped3A_69 : memref<!tpu.dma_semaphore, #tpu.memory_space<semaphore_mem>>) src(%dma_wait3A_77 : memref<40x128xi32, #tpu.memory_space<hbm>>) dst(%arg10 : memref<40x128xi32, #tpu.memory_space<vmem>>)
          tpu.yield
        }) : () -> ()
        %dma_start3A = arith.constant 0 : i32
        %dma_start3A_37 = arith.constant 0 : i32
        %dma_start3A_38 = tpu.memref_slice %arg9[%dma_start3A, %dma_start3A_37] : memref<40x128xi32, #tpu.memory_space<vmem>> -> memref<1x128xi32, #tpu.memory_space<vmem>>
        %dma_start3A_39 = tpu.memref_squeeze %dma_start3A_38 : memref<1x128xi32, #tpu.memory_space<vmem>> -> memref<128xi32, #tpu.memory_space<vmem>>
        %dma_start3A_40 = arith.constant 0 : i32
        %dma_start3A_41 = arith.constant 0 : i32
        %dma_start3A_42 = tpu.memref_slice %arg3[%dma_start3A_40, %dma_start3A_41] : memref<10000x128xf32, #tpu.memory_space<hbm>> -> memref<10000x128xf32, #tpu.memory_space<hbm>>
        tpu.enqueue_indirect_dma source(%dma_start3A_42 : memref<10000x128xf32, #tpu.memory_space<hbm>>) target(%arg11 : memref<128x128xf32, #tpu.memory_space<vmem>>) offsets(%dma_start3A_39 : memref<128xi32, #tpu.memory_space<vmem>>) semaphore(%arg13 : memref<!tpu.dma_semaphore, #tpu.memory_space<semaphore_mem>>)
        %scan3A_43 = arith.constant 0 : i32
        %scan3A_44 = arith.constant 19 : i32
        %scan3A_45 = arith.addi %scan3A_43, %scan3A_44 : i32
        %scan3A_46 = arith.constant 1 : i32
        scf.for %scan3A_69 = %scan3A_43 to %scan3A_45 step %scan3A_46  : i32 {
          %mul3A_70 = arith.constant 2 : i32
          %mul3A_71 = arith.muli %scan3A_69, %mul3A_70 : i32
          %add3A_72 = arith.constant 0 : i32
          %add3A_73 = arith.addi %add3A_72, %mul3A_71 : i32
          %dma_wait3A_74 = arith.constant 0 : i32
          %dma_wait3A_75 = tpu.memref_slice %arg9[%add3A_73, %dma_wait3A_74] : memref<40x128xi32, #tpu.memory_space<vmem>> -> memref<1x128xi32, #tpu.memory_space<vmem>>
          %dma_wait3A_76 = tpu.memref_squeeze %dma_wait3A_75 : memref<1x128xi32, #tpu.memory_space<vmem>> -> memref<128xi32, #tpu.memory_space<vmem>>
          %dma_wait3A_77 = arith.constant 0 : i32
          %dma_wait3A_78 = arith.constant 0 : i32
          %dma_wait3A_79 = tpu.memref_slice %arg3[%dma_wait3A_77, %dma_wait3A_78] : memref<10000x128xf32, #tpu.memory_space<hbm>> -> memref<10000x128xf32, #tpu.memory_space<hbm>>
          tpu.wait_indirect_dma semaphore(%arg13 : memref<!tpu.dma_semaphore, #tpu.memory_space<semaphore_mem>>) src(%dma_wait3A_79 : memref<10000x128xf32, #tpu.memory_space<hbm>>) dst(%arg11 : memref<128x128xf32, #tpu.memory_space<vmem>>)
          %add3A_80 = arith.constant 1 : i32
          %add3A_81 = arith.addi %add3A_73, %add3A_80 : i32
          %dma_start3A_82 = arith.constant 0 : i32
          %dma_start3A_83 = tpu.memref_slice %arg9[%add3A_81, %dma_start3A_82] : memref<40x128xi32, #tpu.memory_space<vmem>> -> memref<1x128xi32, #tpu.memory_space<vmem>>
          %dma_start3A_84 = tpu.memref_squeeze %dma_start3A_83 : memref<1x128xi32, #tpu.memory_space<vmem>> -> memref<128xi32, #tpu.memory_space<vmem>>
          %dma_start3A_85 = arith.constant 0 : i32
          %dma_start3A_86 = arith.constant 0 : i32
          %dma_start3A_87 = tpu.memref_slice %arg3[%dma_start3A_85, %dma_start3A_86] : memref<10000x128xf32, #tpu.memory_space<hbm>> -> memref<10000x128xf32, #tpu.memory_space<hbm>>
          tpu.enqueue_indirect_dma source(%dma_start3A_87 : memref<10000x128xf32, #tpu.memory_space<hbm>>) target(%arg12 : memref<128x128xf32, #tpu.memory_space<vmem>>) offsets(%dma_start3A_84 : memref<128xi32, #tpu.memory_space<vmem>>) semaphore(%arg14 : memref<!tpu.dma_semaphore, #tpu.memory_space<semaphore_mem>>)
          "tpu.region"() ({
            %run_scoped3A_106 = tpu.sem_alloc : memref<!tpu.dma_semaphore, #tpu.memory_space<semaphore_mem>>
            %dma_start3A_107 = arith.constant 0 : i32
            %dma_start3A_108 = tpu.memref_slice %arg10[%add3A_73, %dma_start3A_107] : memref<40x128xi32, #tpu.memory_space<vmem>> -> memref<1x128xi32, #tpu.memory_space<vmem>>
            %dma_start3A_109 = tpu.memref_squeeze %dma_start3A_108 : memref<1x128xi32, #tpu.memory_space<vmem>> -> memref<128xi32, #tpu.memory_space<vmem>>
            %dma_start3A_110 = arith.constant 0 : i32
            %dma_start3A_111 = arith.constant 0 : i32
            %dma_start3A_112 = tpu.memref_slice %arg17[%dma_start3A_110, %dma_start3A_111] : memref<10008x128xf32, #tpu.memory_space<vmem_shared>> -> memref<10008x128xf32, #tpu.memory_space<vmem_shared>>
            tpu.enqueue_indirect_dma source(%arg11 : memref<128x128xf32, #tpu.memory_space<vmem>>) target(%dma_start3A_112 : memref<10008x128xf32, #tpu.memory_space<vmem_shared>>) offsets(%dma_start3A_109 : memref<128xi32, #tpu.memory_space<vmem>>) semaphore(%run_scoped3A_106 : memref<!tpu.dma_semaphore, #tpu.memory_space<semaphore_mem>>) {add = true}
            %dma_wait3A_113 = arith.constant 0 : i32
            %dma_wait3A_114 = tpu.memref_slice %arg10[%add3A_73, %dma_wait3A_113] : memref<40x128xi32, #tpu.memory_space<vmem>> -> memref<1x128xi32, #tpu.memory_space<vmem>>
            %dma_wait3A_115 = tpu.memref_squeeze %dma_wait3A_114 : memref<1x128xi32, #tpu.memory_space<vmem>> -> memref<128xi32, #tpu.memory_space<vmem>>
            %dma_wait3A_116 = arith.constant 0 : i32
            %dma_wait3A_117 = arith.constant 0 : i32
            %dma_wait3A_118 = tpu.memref_slice %arg17[%dma_wait3A_116, %dma_wait3A_117] : memref<10008x128xf32, #tpu.memory_space<vmem_shared>> -> memref<10008x128xf32, #tpu.memory_space<vmem_shared>>
            tpu.wait_indirect_dma semaphore(%run_scoped3A_106 : memref<!tpu.dma_semaphore, #tpu.memory_space<semaphore_mem>>) src(%arg11 : memref<128x128xf32, #tpu.memory_space<vmem>>) dst(%dma_wait3A_118 : memref<10008x128xf32, #tpu.memory_space<vmem_shared>>)
            tpu.yield
          }) : () -> ()
          %add3A_88 = arith.constant 1 : i32
          %add3A_89 = arith.addi %add3A_73, %add3A_88 : i32
          %dma_wait3A_90 = arith.constant 0 : i32
          %dma_wait3A_91 = tpu.memref_slice %arg9[%add3A_89, %dma_wait3A_90] : memref<40x128xi32, #tpu.memory_space<vmem>> -> memref<1x128xi32, #tpu.memory_space<vmem>>
          %dma_wait3A_92 = tpu.memref_squeeze %dma_wait3A_91 : memref<1x128xi32, #tpu.memory_space<vmem>> -> memref<128xi32, #tpu.memory_space<vmem>>
          %dma_wait3A_93 = arith.constant 0 : i32
          %dma_wait3A_94 = arith.constant 0 : i32
          %dma_wait3A_95 = tpu.memref_slice %arg3[%dma_wait3A_93, %dma_wait3A_94] : memref<10000x128xf32, #tpu.memory_space<hbm>> -> memref<10000x128xf32, #tpu.memory_space<hbm>>
          tpu.wait_indirect_dma semaphore(%arg14 : memref<!tpu.dma_semaphore, #tpu.memory_space<semaphore_mem>>) src(%dma_wait3A_95 : memref<10000x128xf32, #tpu.memory_space<hbm>>) dst(%arg12 : memref<128x128xf32, #tpu.memory_space<vmem>>)
          %add3A_96 = arith.constant 2 : i32
          %add3A_97 = arith.addi %add3A_73, %add3A_96 : i32
          %dma_start3A_98 = arith.constant 0 : i32
          %dma_start3A_99 = tpu.memref_slice %arg9[%add3A_97, %dma_start3A_98] : memref<40x128xi32, #tpu.memory_space<vmem>> -> memref<1x128xi32, #tpu.memory_space<vmem>>
          %dma_start3A_100 = tpu.memref_squeeze %dma_start3A_99 : memref<1x128xi32, #tpu.memory_space<vmem>> -> memref<128xi32, #tpu.memory_space<vmem>>
          %dma_start3A_101 = arith.constant 0 : i32
          %dma_start3A_102 = arith.constant 0 : i32
          %dma_start3A_103 = tpu.memref_slice %arg3[%dma_start3A_101, %dma_start3A_102] : memref<10000x128xf32, #tpu.memory_space<hbm>> -> memref<10000x128xf32, #tpu.memory_space<hbm>>
          tpu.enqueue_indirect_dma source(%dma_start3A_103 : memref<10000x128xf32, #tpu.memory_space<hbm>>) target(%arg11 : memref<128x128xf32, #tpu.memory_space<vmem>>) offsets(%dma_start3A_100 : memref<128xi32, #tpu.memory_space<vmem>>) semaphore(%arg13 : memref<!tpu.dma_semaphore, #tpu.memory_space<semaphore_mem>>)
          %add3A_104 = arith.constant 1 : i32
          %add3A_105 = arith.addi %add3A_73, %add3A_104 : i32
          "tpu.region"() ({
            %run_scoped3A_106 = tpu.sem_alloc : memref<!tpu.dma_semaphore, #tpu.memory_space<semaphore_mem>>
            %dma_start3A_107 = arith.constant 0 : i32
            %dma_start3A_108 = tpu.memref_slice %arg10[%add3A_105, %dma_start3A_107] : memref<40x128xi32, #tpu.memory_space<vmem>> -> memref<1x128xi32, #tpu.memory_space<vmem>>
            %dma_start3A_109 = tpu.memref_squeeze %dma_start3A_108 : memref<1x128xi32, #tpu.memory_space<vmem>> -> memref<128xi32, #tpu.memory_space<vmem>>
            %dma_start3A_110 = arith.constant 0 : i32
            %dma_start3A_111 = arith.constant 0 : i32
            %dma_start3A_112 = tpu.memref_slice %arg17[%dma_start3A_110, %dma_start3A_111] : memref<10008x128xf32, #tpu.memory_space<vmem_shared>> -> memref<10008x128xf32, #tpu.memory_space<vmem_shared>>
            tpu.enqueue_indirect_dma source(%arg12 : memref<128x128xf32, #tpu.memory_space<vmem>>) target(%dma_start3A_112 : memref<10008x128xf32, #tpu.memory_space<vmem_shared>>) offsets(%dma_start3A_109 : memref<128xi32, #tpu.memory_space<vmem>>) semaphore(%run_scoped3A_106 : memref<!tpu.dma_semaphore, #tpu.memory_space<semaphore_mem>>) {add = true}
            %dma_wait3A_113 = arith.constant 0 : i32
            %dma_wait3A_114 = tpu.memref_slice %arg10[%add3A_105, %dma_wait3A_113] : memref<40x128xi32, #tpu.memory_space<vmem>> -> memref<1x128xi32, #tpu.memory_space<vmem>>
            %dma_wait3A_115 = tpu.memref_squeeze %dma_wait3A_114 : memref<1x128xi32, #tpu.memory_space<vmem>> -> memref<128xi32, #tpu.memory_space<vmem>>
            %dma_wait3A_116 = arith.constant 0 : i32
            %dma_wait3A_117 = arith.constant 0 : i32
            %dma_wait3A_118 = tpu.memref_slice %arg17[%dma_wait3A_116, %dma_wait3A_117] : memref<10008x128xf32, #tpu.memory_space<vmem_shared>> -> memref<10008x128xf32, #tpu.memory_space<vmem_shared>>
            tpu.wait_indirect_dma semaphore(%run_scoped3A_106 : memref<!tpu.dma_semaphore, #tpu.memory_space<semaphore_mem>>) src(%arg12 : memref<128x128xf32, #tpu.memory_space<vmem>>) dst(%dma_wait3A_118 : memref<10008x128xf32, #tpu.memory_space<vmem_shared>>)
            tpu.yield
          }) : () -> ()
        }
        %scan3A_47 = arith.constant 19 : i32
        %dma_wait3A = arith.constant 38 : i32
        %dma_wait3A_48 = arith.constant 0 : i32
        %dma_wait3A_49 = tpu.memref_slice %arg9[%dma_wait3A, %dma_wait3A_48] : memref<40x128xi32, #tpu.memory_space<vmem>> -> memref<1x128xi32, #tpu.memory_space<vmem>>
        %dma_wait3A_50 = tpu.memref_squeeze %dma_wait3A_49 : memref<1x128xi32, #tpu.memory_space<vmem>> -> memref<128xi32, #tpu.memory_space<vmem>>
        %dma_wait3A_51 = arith.constant 0 : i32
        %dma_wait3A_52 = arith.constant 0 : i32
        %dma_wait3A_53 = tpu.memref_slice %arg3[%dma_wait3A_51, %dma_wait3A_52] : memref<10000x128xf32, #tpu.memory_space<hbm>> -> memref<10000x128xf32, #tpu.memory_space<hbm>>
        tpu.wait_indirect_dma semaphore(%arg13 : memref<!tpu.dma_semaphore, #tpu.memory_space<semaphore_mem>>) src(%dma_wait3A_53 : memref<10000x128xf32, #tpu.memory_space<hbm>>) dst(%arg11 : memref<128x128xf32, #tpu.memory_space<vmem>>)
        %dma_start3A_54 = arith.constant 39 : i32
        %dma_start3A_55 = arith.constant 0 : i32
        %dma_start3A_56 = tpu.memref_slice %arg9[%dma_start3A_54, %dma_start3A_55] : memref<40x128xi32, #tpu.memory_space<vmem>> -> memref<1x128xi32, #tpu.memory_space<vmem>>
        %dma_start3A_57 = tpu.memref_squeeze %dma_start3A_56 : memref<1x128xi32, #tpu.memory_space<vmem>> -> memref<128xi32, #tpu.memory_space<vmem>>
        %dma_start3A_58 = arith.constant 0 : i32
        %dma_start3A_59 = arith.constant 0 : i32
        %dma_start3A_60 = tpu.memref_slice %arg3[%dma_start3A_58, %dma_start3A_59] : memref<10000x128xf32, #tpu.memory_space<hbm>> -> memref<10000x128xf32, #tpu.memory_space<hbm>>
        tpu.enqueue_indirect_dma source(%dma_start3A_60 : memref<10000x128xf32, #tpu.memory_space<hbm>>) target(%arg12 : memref<128x128xf32, #tpu.memory_space<vmem>>) offsets(%dma_start3A_57 : memref<128xi32, #tpu.memory_space<vmem>>) semaphore(%arg14 : memref<!tpu.dma_semaphore, #tpu.memory_space<semaphore_mem>>)
        %run_scoped3A = arith.constant 38 : i32
        "tpu.region"() ({
          %run_scoped3A_69 = tpu.sem_alloc : memref<!tpu.dma_semaphore, #tpu.memory_space<semaphore_mem>>
          %dma_start3A_70 = arith.constant 0 : i32
          %dma_start3A_71 = tpu.memref_slice %arg10[%run_scoped3A, %dma_start3A_70] : memref<40x128xi32, #tpu.memory_space<vmem>> -> memref<1x128xi32, #tpu.memory_space<vmem>>
          %dma_start3A_72 = tpu.memref_squeeze %dma_start3A_71 : memref<1x128xi32, #tpu.memory_space<vmem>> -> memref<128xi32, #tpu.memory_space<vmem>>
          %dma_start3A_73 = arith.constant 0 : i32
          %dma_start3A_74 = arith.constant 0 : i32
          %dma_start3A_75 = tpu.memref_slice %arg17[%dma_start3A_73, %dma_start3A_74] : memref<10008x128xf32, #tpu.memory_space<vmem_shared>> -> memref<10008x128xf32, #tpu.memory_space<vmem_shared>>
          tpu.enqueue_indirect_dma source(%arg11 : memref<128x128xf32, #tpu.memory_space<vmem>>) target(%dma_start3A_75 : memref<10008x128xf32, #tpu.memory_space<vmem_shared>>) offsets(%dma_start3A_72 : memref<128xi32, #tpu.memory_space<vmem>>) semaphore(%run_scoped3A_69 : memref<!tpu.dma_semaphore, #tpu.memory_space<semaphore_mem>>) {add = true}
          %dma_wait3A_76 = arith.constant 0 : i32
          %dma_wait3A_77 = tpu.memref_slice %arg10[%run_scoped3A, %dma_wait3A_76] : memref<40x128xi32, #tpu.memory_space<vmem>> -> memref<1x128xi32, #tpu.memory_space<vmem>>
          %dma_wait3A_78 = tpu.memref_squeeze %dma_wait3A_77 : memref<1x128xi32, #tpu.memory_space<vmem>> -> memref<128xi32, #tpu.memory_space<vmem>>
          %dma_wait3A_79 = arith.constant 0 : i32
          %dma_wait3A_80 = arith.constant 0 : i32
          %dma_wait3A_81 = tpu.memref_slice %arg17[%dma_wait3A_79, %dma_wait3A_80] : memref<10008x128xf32, #tpu.memory_space<vmem_shared>> -> memref<10008x128xf32, #tpu.memory_space<vmem_shared>>
          tpu.wait_indirect_dma semaphore(%run_scoped3A_69 : memref<!tpu.dma_semaphore, #tpu.memory_space<semaphore_mem>>) src(%arg11 : memref<128x128xf32, #tpu.memory_space<vmem>>) dst(%dma_wait3A_81 : memref<10008x128xf32, #tpu.memory_space<vmem_shared>>)
          tpu.yield
        }) : () -> ()
        %dma_wait3A_61 = arith.constant 39 : i32
        %dma_wait3A_62 = arith.constant 0 : i32
        %dma_wait3A_63 = tpu.memref_slice %arg9[%dma_wait3A_61, %dma_wait3A_62] : memref<40x128xi32, #tpu.memory_space<vmem>> -> memref<1x128xi32, #tpu.memory_space<vmem>>
        %dma_wait3A_64 = tpu.memref_squeeze %dma_wait3A_63 : memref<1x128xi32, #tpu.memory_space<vmem>> -> memref<128xi32, #tpu.memory_space<vmem>>
        %dma_wait3A_65 = arith.constant 0 : i32
        %dma_wait3A_66 = arith.constant 0 : i32
        %dma_wait3A_67 = tpu.memref_slice %arg3[%dma_wait3A_65, %dma_wait3A_66] : memref<10000x128xf32, #tpu.memory_space<hbm>> -> memref<10000x128xf32, #tpu.memory_space<hbm>>
        tpu.wait_indirect_dma semaphore(%arg14 : memref<!tpu.dma_semaphore, #tpu.memory_space<semaphore_mem>>) src(%dma_wait3A_67 : memref<10000x128xf32, #tpu.memory_space<hbm>>) dst(%arg12 : memref<128x128xf32, #tpu.memory_space<vmem>>)
        %run_scoped3A_68 = arith.constant 39 : i32
        "tpu.region"() ({
          %run_scoped3A_69 = tpu.sem_alloc : memref<!tpu.dma_semaphore, #tpu.memory_space<semaphore_mem>>
          %dma_start3A_70 = arith.constant 0 : i32
          %dma_start3A_71 = tpu.memref_slice %arg10[%run_scoped3A_68, %dma_start3A_70] : memref<40x128xi32, #tpu.memory_space<vmem>> -> memref<1x128xi32, #tpu.memory_space<vmem>>
          %dma_start3A_72 = tpu.memref_squeeze %dma_start3A_71 : memref<1x128xi32, #tpu.memory_space<vmem>> -> memref<128xi32, #tpu.memory_space<vmem>>
          %dma_start3A_73 = arith.constant 0 : i32
          %dma_start3A_74 = arith.constant 0 : i32
          %dma_start3A_75 = tpu.memref_slice %arg17[%dma_start3A_73, %dma_start3A_74] : memref<10008x128xf32, #tpu.memory_space<vmem_shared>> -> memref<10008x128xf32, #tpu.memory_space<vmem_shared>>
          tpu.enqueue_indirect_dma source(%arg12 : memref<128x128xf32, #tpu.memory_space<vmem>>) target(%dma_start3A_75 : memref<10008x128xf32, #tpu.memory_space<vmem_shared>>) offsets(%dma_start3A_72 : memref<128xi32, #tpu.memory_space<vmem>>) semaphore(%run_scoped3A_69 : memref<!tpu.dma_semaphore, #tpu.memory_space<semaphore_mem>>) {add = true}
          %dma_wait3A_76 = arith.constant 0 : i32
          %dma_wait3A_77 = tpu.memref_slice %arg10[%run_scoped3A_68, %dma_wait3A_76] : memref<40x128xi32, #tpu.memory_space<vmem>> -> memref<1x128xi32, #tpu.memory_space<vmem>>
          %dma_wait3A_78 = tpu.memref_squeeze %dma_wait3A_77 : memref<1x128xi32, #tpu.memory_space<vmem>> -> memref<128xi32, #tpu.memory_space<vmem>>
          %dma_wait3A_79 = arith.constant 0 : i32
          %dma_wait3A_80 = arith.constant 0 : i32
          %dma_wait3A_81 = tpu.memref_slice %arg17[%dma_wait3A_79, %dma_wait3A_80] : memref<10008x128xf32, #tpu.memory_space<vmem_shared>> -> memref<10008x128xf32, #tpu.memory_space<vmem_shared>>
          tpu.wait_indirect_dma semaphore(%run_scoped3A_69 : memref<!tpu.dma_semaphore, #tpu.memory_space<semaphore_mem>>) src(%arg12 : memref<128x128xf32, #tpu.memory_space<vmem>>) dst(%dma_wait3A_81 : memref<10008x128xf32, #tpu.memory_space<vmem_shared>>)
          tpu.yield
        }) : () -> ()
      }
      %scan3A_22 = arith.constant 4 : i32
    } else {
    }
    %barrier3A_8 = arith.constant 0 : index
    tpu.barrier barrier_id(%barrier3A_8)
    %eq3A_9 = arith.constant 0 : i32
    %eq3A_10 = arith.cmpi eq, %arg0, %eq3A_9 : i32
    %convert_element_type3A_11 = arith.extui %eq3A_10 : i1 to i32
    %cond3A_12 = arith.constant 0 : i32
    %cond3A_13 = arith.cmpi ne, %convert_element_type3A_11, %cond3A_12 : i32
    scf.if %cond3A_13 {
      %mul3A_19 = arith.constant 625 : i32
      %mul3A_20 = arith.muli %arg1, %mul3A_19 : i32
      "tpu.region"() ({
        %run_scoped3A = tpu.sem_alloc : memref<!tpu.dma_semaphore, #tpu.memory_space<semaphore_mem>>
        %dma_start3A = arith.constant 0 : i32
        %dma_start3A_21 = arith.constant 0 : i32
        %dma_start3A_22 = tpu.memref_slice %arg7[%arg1, %dma_start3A, %dma_start3A_21] : memref<16x625x128xf32, #tpu.memory_space<hbm>> -> memref<1x625x128xf32, #tpu.memory_space<hbm>>
        %dma_start3A_23 = tpu.memref_squeeze %dma_start3A_22 : memref<1x625x128xf32, #tpu.memory_space<hbm>> -> memref<625x128xf32, #tpu.memory_space<hbm>>
        %dma_start3A_24 = arith.constant 0 : i32
        %dma_start3A_25 = tpu.memref_slice %arg17[%mul3A_20, %dma_start3A_24] : memref<10008x128xf32, #tpu.memory_space<vmem_shared>> -> memref<625x128xf32, #tpu.memory_space<vmem_shared>>
        tpu.enqueue_dma source(%dma_start3A_25 : memref<625x128xf32, #tpu.memory_space<vmem_shared>>) target(%dma_start3A_23 : memref<625x128xf32, #tpu.memory_space<hbm>>) target_semaphore(%run_scoped3A : memref<!tpu.dma_semaphore, #tpu.memory_space<semaphore_mem>>)
        %dma_wait3A = arith.constant 0 : i32
        %dma_wait3A_26 = arith.constant 0 : i32
        %dma_wait3A_27 = tpu.memref_slice %arg7[%arg1, %dma_wait3A, %dma_wait3A_26] : memref<16x625x128xf32, #tpu.memory_space<hbm>> -> memref<1x625x128xf32, #tpu.memory_space<hbm>>
        %dma_wait3A_28 = tpu.memref_squeeze %dma_wait3A_27 : memref<1x625x128xf32, #tpu.memory_space<hbm>> -> memref<625x128xf32, #tpu.memory_space<hbm>>
        %dma_wait3A_29 = arith.constant 0 : i32
        %dma_wait3A_30 = tpu.memref_slice %arg17[%mul3A_20, %dma_wait3A_29] : memref<10008x128xf32, #tpu.memory_space<vmem_shared>> -> memref<625x128xf32, #tpu.memory_space<vmem_shared>>
        tpu.wait_dma2 semaphore(%run_scoped3A : memref<!tpu.dma_semaphore, #tpu.memory_space<semaphore_mem>>) src(%dma_wait3A_30 : memref<625x128xf32, #tpu.memory_space<vmem_shared>>) dst(%dma_wait3A_28 : memref<625x128xf32, #tpu.memory_space<hbm>>)
        tpu.yield
      }) : () -> ()
    } else {
    }
    %eq3A_14 = arith.constant 1 : i32
    %eq3A_15 = arith.cmpi eq, %arg0, %eq3A_14 : i32
    %convert_element_type3A_16 = arith.extui %eq3A_15 : i1 to i32
    %cond3A_17 = arith.constant 0 : i32
    %cond3A_18 = arith.cmpi ne, %convert_element_type3A_16, %cond3A_17 : i32
    scf.if %cond3A_18 {
      %mul3A_19 = arith.constant 625 : i32
      %mul3A_20 = arith.muli %arg1, %mul3A_19 : i32
      "tpu.region"() ({
        %run_scoped3A = tpu.sem_alloc : memref<!tpu.dma_semaphore, #tpu.memory_space<semaphore_mem>>
        %dma_start3A = arith.constant 0 : i32
        %dma_start3A_21 = arith.constant 0 : i32
        %dma_start3A_22 = tpu.memref_slice %arg8[%arg1, %dma_start3A, %dma_start3A_21] : memref<16x625x128xf32, #tpu.memory_space<hbm>> -> memref<1x625x128xf32, #tpu.memory_space<hbm>>
        %dma_start3A_23 = tpu.memref_squeeze %dma_start3A_22 : memref<1x625x128xf32, #tpu.memory_space<hbm>> -> memref<625x128xf32, #tpu.memory_space<hbm>>
        %dma_start3A_24 = arith.constant 0 : i32
        %dma_start3A_25 = tpu.memref_slice %arg17[%mul3A_20, %dma_start3A_24] : memref<10008x128xf32, #tpu.memory_space<vmem_shared>> -> memref<625x128xf32, #tpu.memory_space<vmem_shared>>
        tpu.enqueue_dma source(%dma_start3A_25 : memref<625x128xf32, #tpu.memory_space<vmem_shared>>) target(%dma_start3A_23 : memref<625x128xf32, #tpu.memory_space<hbm>>) target_semaphore(%run_scoped3A : memref<!tpu.dma_semaphore, #tpu.memory_space<semaphore_mem>>)
        %dma_wait3A = arith.constant 0 : i32
        %dma_wait3A_26 = arith.constant 0 : i32
        %dma_wait3A_27 = tpu.memref_slice %arg8[%arg1, %dma_wait3A, %dma_wait3A_26] : memref<16x625x128xf32, #tpu.memory_space<hbm>> -> memref<1x625x128xf32, #tpu.memory_space<hbm>>
        %dma_wait3A_28 = tpu.memref_squeeze %dma_wait3A_27 : memref<1x625x128xf32, #tpu.memory_space<hbm>> -> memref<625x128xf32, #tpu.memory_space<hbm>>
        %dma_wait3A_29 = arith.constant 0 : i32
        %dma_wait3A_30 = tpu.memref_slice %arg17[%mul3A_20, %dma_wait3A_29] : memref<10008x128xf32, #tpu.memory_space<vmem_shared>> -> memref<625x128xf32, #tpu.memory_space<vmem_shared>>
        tpu.wait_dma2 semaphore(%run_scoped3A : memref<!tpu.dma_semaphore, #tpu.memory_space<semaphore_mem>>) src(%dma_wait3A_30 : memref<625x128xf32, #tpu.memory_space<vmem_shared>>) dst(%dma_wait3A_28 : memref<625x128xf32, #tpu.memory_space<hbm>>)
        tpu.yield
      }) : () -> ()
    } else {
    }
    return
  }
}

module attributes {stable_mosaic.version = 14 : i64} {
  func.func @_enc_body(%arg0: i32, %arg1: memref<2000x2xf32, #tpu.memory_space<vmem>>, %arg2: memref<2000x128xf32, #tpu.memory_space<vmem>>, %arg3: memref<8x64xf32, #tpu.memory_space<vmem>>, %arg4: memref<64x512xf32, #tpu.memory_space<vmem>>, %arg5: memref<1x512xf32, #tpu.memory_space<vmem>>, %arg6: memref<1x512xf32, #tpu.memory_space<vmem>>, %arg7: memref<1x512xf32, #tpu.memory_space<vmem>>, %arg8: memref<512x256xf32, #tpu.memory_space<vmem>>, %arg9: memref<1x256xf32, #tpu.memory_space<vmem>>, %arg10: memref<256x64xf32, #tpu.memory_space<vmem>>, %arg11: memref<1x64xf32, #tpu.memory_space<vmem>>, %arg12: memref<64x64xf32, #tpu.memory_space<vmem>>, %arg13: memref<1x64xf32, #tpu.memory_space<vmem>>, %arg14: memref<128x256xf32, #tpu.memory_space<vmem>>, %arg15: memref<64x256xf32, #tpu.memory_space<vmem>>, %arg16: memref<2000x128xf32, #tpu.memory_space<vmem>>, %arg17: memref<2000x128xf32, #tpu.memory_space<vmem>>, %arg18: memref<2000x256xf32, #tpu.memory_space<vmem>>, %arg19: memref<2000x128xf32, #tpu.memory_space<vmem>>, %arg20: memref<2000x128xf32, #tpu.memory_space<vmem>>) attributes {dimension_semantics = [#tpu.dimension_semantics<arbitrary>], iteration_bounds = array<i64: 5>, scalar_prefetch = 0 : i64, scratch_operands = 0 : i64, tpu.core_type = #tpu.core_type<tc>, window_params = [{transform_indices = @transform_0, window_bounds = array<i64: 2000, 2>}, {transform_indices = @transform_1, window_bounds = array<i64: 2000, 128>}, {pipeline_mode = #tpu.pipeline_mode<synchronous>, transform_indices = @transform_2, window_bounds = array<i64: 8, 64>}, {pipeline_mode = #tpu.pipeline_mode<synchronous>, transform_indices = @transform_3, window_bounds = array<i64: 64, 512>}, {pipeline_mode = #tpu.pipeline_mode<synchronous>, transform_indices = @transform_4, window_bounds = array<i64: 1, 512>}, {pipeline_mode = #tpu.pipeline_mode<synchronous>, transform_indices = @transform_5, window_bounds = array<i64: 1, 512>}, {pipeline_mode = #tpu.pipeline_mode<synchronous>, transform_indices = @transform_6, window_bounds = array<i64: 1, 512>}, {pipeline_mode = #tpu.pipeline_mode<synchronous>, transform_indices = @transform_7, window_bounds = array<i64: 512, 256>}, {pipeline_mode = #tpu.pipeline_mode<synchronous>, transform_indices = @transform_8, window_bounds = array<i64: 1, 256>}, {pipeline_mode = #tpu.pipeline_mode<synchronous>, transform_indices = @transform_9, window_bounds = array<i64: 256, 64>}, {pipeline_mode = #tpu.pipeline_mode<synchronous>, transform_indices = @transform_10, window_bounds = array<i64: 1, 64>}, {pipeline_mode = #tpu.pipeline_mode<synchronous>, transform_indices = @transform_11, window_bounds = array<i64: 64, 64>}, {pipeline_mode = #tpu.pipeline_mode<synchronous>, transform_indices = @transform_12, window_bounds = array<i64: 1, 64>}, {pipeline_mode = #tpu.pipeline_mode<synchronous>, transform_indices = @transform_13, window_bounds = array<i64: 128, 256>}, {pipeline_mode = #tpu.pipeline_mode<synchronous>, transform_indices = @transform_14, window_bounds = array<i64: 64, 256>}, {transform_indices = @transform_15, window_bounds = array<i64: 2000, 128>}, {transform_indices = @transform_16, window_bounds = array<i64: 2000, 128>}, {transform_indices = @transform_17, window_bounds = array<i64: 2000, 256>}, {transform_indices = @transform_18, window_bounds = array<i64: 2000, 128>}, {transform_indices = @transform_19, window_bounds = array<i64: 2000, 128>}]} {
    %get3A = arith.constant 0 : index
    %get3A_0 = arith.constant 0 : index
    %get3A_1 = vector.load %arg1[%get3A, %get3A_0] : memref<2000x2xf32, #tpu.memory_space<vmem>>, vector<2000x1xf32>
    %get3A_2 = arith.constant 0 : index
    %get3A_3 = arith.constant 1 : index
    %get3A_4 = vector.load %arg1[%get3A_2, %get3A_3] : memref<2000x2xf32, #tpu.memory_space<vmem>>, vector<2000x1xf32>
    %get3A_5 = arith.constant 0 : index
    %get3A_6 = arith.constant 0 : index
    %get3A_7 = vector.load %arg3[%get3A_5, %get3A_6] : memref<8x64xf32, #tpu.memory_space<vmem>>, vector<1x64xf32>
    %get3A_8 = arith.constant 1 : index
    %get3A_9 = arith.constant 0 : index
    %get3A_10 = vector.load %arg3[%get3A_8, %get3A_9] : memref<8x64xf32, #tpu.memory_space<vmem>>, vector<1x64xf32>
    %get3A_11 = arith.constant 2 : index
    %get3A_12 = arith.constant 0 : index
    %get3A_13 = vector.load %arg3[%get3A_11, %get3A_12] : memref<8x64xf32, #tpu.memory_space<vmem>>, vector<1x64xf32>
    %mul3A = vector.broadcast %get3A_1 : vector<2000x1xf32> to vector<2000x64xf32>
    %mul3A_14 = vector.broadcast %get3A_7 : vector<1x64xf32> to vector<2000x64xf32>
    %mul3A_15 = arith.mulf %mul3A, %mul3A_14 : vector<2000x64xf32>
    %mul3A_16 = vector.broadcast %get3A_4 : vector<2000x1xf32> to vector<2000x64xf32>
    %mul3A_17 = vector.broadcast %get3A_10 : vector<1x64xf32> to vector<2000x64xf32>
    %mul3A_18 = arith.mulf %mul3A_16, %mul3A_17 : vector<2000x64xf32>
    %add3A = arith.addf %mul3A_15, %mul3A_18 : vector<2000x64xf32>
    %cos3A = math.cos %add3A : vector<2000x64xf32>
    %mul3A_19 = vector.broadcast %get3A_13 : vector<1x64xf32> to vector<2000x64xf32>
    %mul3A_20 = arith.mulf %mul3A_19, %cos3A : vector<2000x64xf32>
    %sub3A = arith.constant 1.000000e+00 : f32
    %sub3A_21 = vector.broadcast %sub3A : f32 to vector<1x64xf32>
    %sub3A_22 = arith.subf %sub3A_21, %get3A_13 : vector<1x64xf32>
    %sin3A = math.sin %add3A : vector<2000x64xf32>
    %mul3A_23 = vector.broadcast %sub3A_22 : vector<1x64xf32> to vector<2000x64xf32>
    %mul3A_24 = arith.mulf %mul3A_23, %sin3A : vector<2000x64xf32>
    %add3A_25 = arith.addf %mul3A_20, %mul3A_24 : vector<2000x64xf32>
    %get3A_26 = arith.constant 0 : index
    %get3A_27 = arith.constant 0 : index
    %get3A_28 = vector.load %arg4[%get3A_26, %get3A_27] : memref<64x512xf32, #tpu.memory_space<vmem>>, vector<64x512xf32>
    %dot_general3A = arith.constant dense<0.000000e+00> : vector<2000x512xf32>
    %dot_general3A_29 = tpu.matmul %add3A_25, %get3A_28, %dot_general3A {dimension_numbers = #tpu.dot_dimension_numbers<[1], [0], [0], [1], [0, 0, 1, 1], [], []>, transpose_lhs_hint = false} : vector<2000x64xf32>, vector<64x512xf32>, vector<2000x512xf32> -> vector<2000x512xf32>
    %get3A_30 = arith.constant 0 : index
    %get3A_31 = arith.constant 0 : index
    %get3A_32 = vector.load %arg5[%get3A_30, %get3A_31] : memref<1x512xf32, #tpu.memory_space<vmem>>, vector<1x512xf32>
    %add3A_33 = vector.broadcast %get3A_32 : vector<1x512xf32> to vector<2000x512xf32>
    %add3A_34 = arith.addf %dot_general3A_29, %add3A_33 : vector<2000x512xf32>
    %max3A = arith.constant 0.000000e+00 : f32
    %max3A_35 = vector.broadcast %max3A : f32 to vector<2000x512xf32>
    %max3A_36 = arith.maximumf %add3A_34, %max3A_35 : vector<2000x512xf32>
    %reduce_sum3A = arith.constant dense<0.000000e+00> : vector<2000xf32>
    %reduce_sum3A_37 = vector.multi_reduction <add>, %max3A_36, %reduce_sum3A [1] : vector<2000x512xf32> to vector<2000xf32>
    %broadcast_in_dim3A = vector.shape_cast %reduce_sum3A_37 : vector<2000xf32> to vector<2000x1xf32>
    %div3A = arith.constant 5.120000e+02 : f32
    %div3A_38 = vector.broadcast %div3A : f32 to vector<2000x1xf32>
    %div3A_39 = arith.divf %broadcast_in_dim3A, %div3A_38 : vector<2000x1xf32>
    %sub3A_40 = vector.broadcast %div3A_39 : vector<2000x1xf32> to vector<2000x512xf32>
    %sub3A_41 = arith.subf %max3A_36, %sub3A_40 : vector<2000x512xf32>
    %integer_pow3A = arith.mulf %sub3A_41, %sub3A_41 : vector<2000x512xf32>
    %reduce_sum3A_42 = arith.constant dense<0.000000e+00> : vector<2000xf32>
    %reduce_sum3A_43 = vector.multi_reduction <add>, %integer_pow3A, %reduce_sum3A_42 [1] : vector<2000x512xf32> to vector<2000xf32>
    %broadcast_in_dim3A_44 = vector.shape_cast %reduce_sum3A_43 : vector<2000xf32> to vector<2000x1xf32>
    %div3A_45 = arith.constant 5.120000e+02 : f32
    %div3A_46 = vector.broadcast %div3A_45 : f32 to vector<2000x1xf32>
    %div3A_47 = arith.divf %broadcast_in_dim3A_44, %div3A_46 : vector<2000x1xf32>
    %sub3A_48 = vector.broadcast %div3A_39 : vector<2000x1xf32> to vector<2000x512xf32>
    %sub3A_49 = arith.subf %max3A_36, %sub3A_48 : vector<2000x512xf32>
    %add3A_50 = arith.constant 9.99999974E-6 : f32
    %add3A_51 = vector.broadcast %add3A_50 : f32 to vector<2000x1xf32>
    %add3A_52 = arith.addf %div3A_47, %add3A_51 : vector<2000x1xf32>
    %rsqrt3A = math.rsqrt %add3A_52 : vector<2000x1xf32>
    %mul3A_53 = vector.broadcast %rsqrt3A : vector<2000x1xf32> to vector<2000x512xf32>
    %mul3A_54 = arith.mulf %sub3A_49, %mul3A_53 : vector<2000x512xf32>
    %get3A_55 = arith.constant 0 : index
    %get3A_56 = arith.constant 0 : index
    %get3A_57 = vector.load %arg6[%get3A_55, %get3A_56] : memref<1x512xf32, #tpu.memory_space<vmem>>, vector<1x512xf32>
    %mul3A_58 = vector.broadcast %get3A_57 : vector<1x512xf32> to vector<2000x512xf32>
    %mul3A_59 = arith.mulf %mul3A_54, %mul3A_58 : vector<2000x512xf32>
    %get3A_60 = arith.constant 0 : index
    %get3A_61 = arith.constant 0 : index
    %get3A_62 = vector.load %arg7[%get3A_60, %get3A_61] : memref<1x512xf32, #tpu.memory_space<vmem>>, vector<1x512xf32>
    %add3A_63 = vector.broadcast %get3A_62 : vector<1x512xf32> to vector<2000x512xf32>
    %add3A_64 = arith.addf %mul3A_59, %add3A_63 : vector<2000x512xf32>
    %get3A_65 = arith.constant 0 : index
    %get3A_66 = arith.constant 0 : index
    %get3A_67 = vector.load %arg8[%get3A_65, %get3A_66] : memref<512x256xf32, #tpu.memory_space<vmem>>, vector<512x256xf32>
    %dot_general3A_68 = arith.constant dense<0.000000e+00> : vector<2000x256xf32>
    %dot_general3A_69 = tpu.matmul %add3A_64, %get3A_67, %dot_general3A_68 {dimension_numbers = #tpu.dot_dimension_numbers<[1], [0], [0], [1], [0, 0, 1, 1], [], []>, transpose_lhs_hint = false} : vector<2000x512xf32>, vector<512x256xf32>, vector<2000x256xf32> -> vector<2000x256xf32>
    %get3A_70 = arith.constant 0 : index
    %get3A_71 = arith.constant 0 : index
    %get3A_72 = vector.load %arg9[%get3A_70, %get3A_71] : memref<1x256xf32, #tpu.memory_space<vmem>>, vector<1x256xf32>
    %add3A_73 = vector.broadcast %get3A_72 : vector<1x256xf32> to vector<2000x256xf32>
    %add3A_74 = arith.addf %dot_general3A_69, %add3A_73 : vector<2000x256xf32>
    %max3A_75 = arith.constant 0.000000e+00 : f32
    %max3A_76 = vector.broadcast %max3A_75 : f32 to vector<2000x256xf32>
    %max3A_77 = arith.maximumf %add3A_74, %max3A_76 : vector<2000x256xf32>
    %get3A_78 = arith.constant 0 : index
    %get3A_79 = arith.constant 0 : index
    %get3A_80 = vector.load %arg10[%get3A_78, %get3A_79] : memref<256x64xf32, #tpu.memory_space<vmem>>, vector<256x64xf32>
    %dot_general3A_81 = arith.constant dense<0.000000e+00> : vector<2000x64xf32>
    %dot_general3A_82 = tpu.matmul %max3A_77, %get3A_80, %dot_general3A_81 {dimension_numbers = #tpu.dot_dimension_numbers<[1], [0], [0], [1], [0, 0, 1, 1], [], []>, transpose_lhs_hint = false} : vector<2000x256xf32>, vector<256x64xf32>, vector<2000x64xf32> -> vector<2000x64xf32>
    %get3A_83 = arith.constant 0 : index
    %get3A_84 = arith.constant 0 : index
    %get3A_85 = vector.load %arg11[%get3A_83, %get3A_84] : memref<1x64xf32, #tpu.memory_space<vmem>>, vector<1x64xf32>
    %add3A_86 = vector.broadcast %get3A_85 : vector<1x64xf32> to vector<2000x64xf32>
    %add3A_87 = arith.addf %dot_general3A_82, %add3A_86 : vector<2000x64xf32>
    %tanh3A = math.tanh %add3A_87 : vector<2000x64xf32>
    %get3A_88 = arith.constant 0 : index
    %get3A_89 = arith.constant 0 : index
    %get3A_90 = vector.load %arg12[%get3A_88, %get3A_89] : memref<64x64xf32, #tpu.memory_space<vmem>>, vector<64x64xf32>
    %dot_general3A_91 = arith.constant dense<0.000000e+00> : vector<2000x64xf32>
    %dot_general3A_92 = tpu.matmul %tanh3A, %get3A_90, %dot_general3A_91 {dimension_numbers = #tpu.dot_dimension_numbers<[1], [0], [0], [1], [0, 0, 1, 1], [], []>, transpose_lhs_hint = false} : vector<2000x64xf32>, vector<64x64xf32>, vector<2000x64xf32> -> vector<2000x64xf32>
    %get3A_93 = arith.constant 0 : index
    %get3A_94 = arith.constant 0 : index
    %get3A_95 = vector.load %arg13[%get3A_93, %get3A_94] : memref<1x64xf32, #tpu.memory_space<vmem>>, vector<1x64xf32>
    %add3A_96 = vector.broadcast %get3A_95 : vector<1x64xf32> to vector<2000x64xf32>
    %add3A_97 = arith.addf %dot_general3A_92, %add3A_96 : vector<2000x64xf32>
    %tanh3A_98 = math.tanh %add3A_97 : vector<2000x64xf32>
    %get3A_99 = arith.constant 0 : index
    %get3A_100 = arith.constant 0 : index
    %get3A_101 = vector.load %arg2[%get3A_99, %get3A_100] : memref<2000x128xf32, #tpu.memory_space<vmem>>, vector<2000x128xf32>
    %get3A_102 = arith.constant 0 : index
    %get3A_103 = arith.constant 0 : index
    %get3A_104 = vector.load %arg14[%get3A_102, %get3A_103] : memref<128x256xf32, #tpu.memory_space<vmem>>, vector<128x256xf32>
    %dot_general3A_105 = arith.constant dense<0.000000e+00> : vector<2000x256xf32>
    %dot_general3A_106 = tpu.matmul %get3A_101, %get3A_104, %dot_general3A_105 {dimension_numbers = #tpu.dot_dimension_numbers<[1], [0], [0], [1], [0, 0, 1, 1], [], []>, transpose_lhs_hint = false} : vector<2000x128xf32>, vector<128x256xf32>, vector<2000x256xf32> -> vector<2000x256xf32>
    %get3A_107 = arith.constant 0 : index
    %get3A_108 = arith.constant 0 : index
    %get3A_109 = vector.load %arg15[%get3A_107, %get3A_108] : memref<64x256xf32, #tpu.memory_space<vmem>>, vector<64x256xf32>
    %dot_general3A_110 = arith.constant dense<0.000000e+00> : vector<2000x256xf32>
    %dot_general3A_111 = tpu.matmul %tanh3A_98, %get3A_109, %dot_general3A_110 {dimension_numbers = #tpu.dot_dimension_numbers<[1], [0], [0], [1], [0, 0, 1, 1], [], []>, transpose_lhs_hint = false} : vector<2000x64xf32>, vector<64x256xf32>, vector<2000x256xf32> -> vector<2000x256xf32>
    %add3A_112 = arith.addf %dot_general3A_106, %dot_general3A_111 : vector<2000x256xf32>
    %get3A_113 = arith.constant 0 : index
    %get3A_114 = arith.constant 0 : index
    %get3A_115 = vector.load %arg16[%get3A_113, %get3A_114] : memref<2000x128xf32, #tpu.memory_space<vmem>>, vector<2000x1xf32>
    %get3A_116 = arith.constant 0 : index
    %get3A_117 = arith.constant 0 : index
    %get3A_118 = vector.load %arg17[%get3A_116, %get3A_117] : memref<2000x128xf32, #tpu.memory_space<vmem>>, vector<2000x1xf32>
    %add3A_119 = arith.addf %get3A_115, %get3A_118 : vector<2000x1xf32>
    %add3A_120 = arith.constant 1.000000e+00 : f32
    %add3A_121 = vector.broadcast %add3A_120 : f32 to vector<2000x1xf32>
    %add3A_122 = arith.addf %add3A_119, %add3A_121 : vector<2000x1xf32>
    %jit3A = arith.constant 1.000000e+00 : f32
    %max3A_123 = vector.broadcast %jit3A : f32 to vector<2000x1xf32>
    %max3A_124 = arith.maximumf %max3A_123, %add3A_122 : vector<2000x1xf32>
    %rsqrt3A_125 = math.rsqrt %max3A_124 : vector<2000x1xf32>
    %swap3A = arith.constant 0 : index
    %swap3A_126 = arith.constant 0 : index
    %swap3A_127 = vector.load %arg18[%swap3A, %swap3A_126] : memref<2000x256xf32, #tpu.memory_space<vmem>>, vector<2000x256xf32>
    tpu.vector_store %arg18[%swap3A, %swap3A_126], %add3A_112 {strides = array<i32>} : memref<2000x256xf32, #tpu.memory_space<vmem>>, vector<2000x256xf32>,
    %mul3A_128 = vector.broadcast %rsqrt3A_125 : vector<2000x1xf32> to vector<2000x256xf32>
    %mul3A_129 = arith.mulf %add3A_112, %mul3A_128 : vector<2000x256xf32>
    %slice3A = vector.extract_strided_slice %mul3A_129 {offsets = [0, 0], sizes = [2000, 128], strides = [1, 1]} : vector<2000x256xf32> to vector<2000x128xf32>
    %swap3A_130 = arith.constant 0 : index
    %swap3A_131 = arith.constant 0 : index
    %swap3A_132 = vector.load %arg19[%swap3A_130, %swap3A_131] : memref<2000x128xf32, #tpu.memory_space<vmem>>, vector<2000x128xf32>
    tpu.vector_store %arg19[%swap3A_130, %swap3A_131], %slice3A {strides = array<i32>} : memref<2000x128xf32, #tpu.memory_space<vmem>>, vector<2000x128xf32>,
    %slice3A_133 = vector.extract_strided_slice %mul3A_129 {offsets = [0, 128], sizes = [2000, 128], strides = [1, 1]} : vector<2000x256xf32> to vector<2000x128xf32>
    %swap3A_134 = arith.constant 0 : index
    %swap3A_135 = arith.constant 0 : index
    %swap3A_136 = vector.load %arg20[%swap3A_134, %swap3A_135] : memref<2000x128xf32, #tpu.memory_space<vmem>>, vector<2000x128xf32>
    tpu.vector_store %arg20[%swap3A_134, %swap3A_135], %slice3A_133 {strides = array<i32>} : memref<2000x128xf32, #tpu.memory_space<vmem>>, vector<2000x128xf32>,
    return
  }
  func.func @transform_0(%arg0: i32) -> (i32, i32) {
    %c0_i32 = arith.constant 0 : i32
    %c0_i32_0 = arith.constant 0 : i32
    return %arg0, %c0_i32 : i32, i32
  }
  func.func @transform_1(%arg0: i32) -> (i32, i32) {
    %c0_i32 = arith.constant 0 : i32
    %c0_i32_0 = arith.constant 0 : i32
    return %arg0, %c0_i32 : i32, i32
  }
  func.func @transform_2(%arg0: i32) -> (i32, i32) {
    %c0_i32 = arith.constant 0 : i32
    %c0_i32_0 = arith.constant 0 : i32
    %c0_i32_1 = arith.constant 0 : i32
    return %c0_i32, %c0_i32_0 : i32, i32
  }
  func.func @transform_3(%arg0: i32) -> (i32, i32) {
    %c0_i32 = arith.constant 0 : i32
    %c0_i32_0 = arith.constant 0 : i32
    %c0_i32_1 = arith.constant 0 : i32
    return %c0_i32, %c0_i32_0 : i32, i32
  }
  func.func @transform_4(%arg0: i32) -> (i32, i32) {
    %c0_i32 = arith.constant 0 : i32
    %c0_i32_0 = arith.constant 0 : i32
    %c0_i32_1 = arith.constant 0 : i32
    return %c0_i32, %c0_i32_0 : i32, i32
  }
  func.func @transform_5(%arg0: i32) -> (i32, i32) {
    %c0_i32 = arith.constant 0 : i32
    %c0_i32_0 = arith.constant 0 : i32
    %c0_i32_1 = arith.constant 0 : i32
    return %c0_i32, %c0_i32_0 : i32, i32
  }
  func.func @transform_6(%arg0: i32) -> (i32, i32) {
    %c0_i32 = arith.constant 0 : i32
    %c0_i32_0 = arith.constant 0 : i32
    %c0_i32_1 = arith.constant 0 : i32
    return %c0_i32, %c0_i32_0 : i32, i32
  }
  func.func @transform_7(%arg0: i32) -> (i32, i32) {
    %c0_i32 = arith.constant 0 : i32
    %c0_i32_0 = arith.constant 0 : i32
    %c0_i32_1 = arith.constant 0 : i32
    return %c0_i32, %c0_i32_0 : i32, i32
  }
  func.func @transform_8(%arg0: i32) -> (i32, i32) {
    %c0_i32 = arith.constant 0 : i32
    %c0_i32_0 = arith.constant 0 : i32
    %c0_i32_1 = arith.constant 0 : i32
    return %c0_i32, %c0_i32_0 : i32, i32
  }
  func.func @transform_9(%arg0: i32) -> (i32, i32) {
    %c0_i32 = arith.constant 0 : i32
    %c0_i32_0 = arith.constant 0 : i32
    %c0_i32_1 = arith.constant 0 : i32
    return %c0_i32, %c0_i32_0 : i32, i32
  }
  func.func @transform_10(%arg0: i32) -> (i32, i32) {
    %c0_i32 = arith.constant 0 : i32
    %c0_i32_0 = arith.constant 0 : i32
    %c0_i32_1 = arith.constant 0 : i32
    return %c0_i32, %c0_i32_0 : i32, i32
  }
  func.func @transform_11(%arg0: i32) -> (i32, i32) {
    %c0_i32 = arith.constant 0 : i32
    %c0_i32_0 = arith.constant 0 : i32
    %c0_i32_1 = arith.constant 0 : i32
    return %c0_i32, %c0_i32_0 : i32, i32
  }
  func.func @transform_12(%arg0: i32) -> (i32, i32) {
    %c0_i32 = arith.constant 0 : i32
    %c0_i32_0 = arith.constant 0 : i32
    %c0_i32_1 = arith.constant 0 : i32
    return %c0_i32, %c0_i32_0 : i32, i32
  }
  func.func @transform_13(%arg0: i32) -> (i32, i32) {
    %c0_i32 = arith.constant 0 : i32
    %c0_i32_0 = arith.constant 0 : i32
    %c0_i32_1 = arith.constant 0 : i32
    return %c0_i32, %c0_i32_0 : i32, i32
  }
  func.func @transform_14(%arg0: i32) -> (i32, i32) {
    %c0_i32 = arith.constant 0 : i32
    %c0_i32_0 = arith.constant 0 : i32
    %c0_i32_1 = arith.constant 0 : i32
    return %c0_i32, %c0_i32_0 : i32, i32
  }
  func.func @transform_15(%arg0: i32) -> (i32, i32) {
    %c0_i32 = arith.constant 0 : i32
    %c0_i32_0 = arith.constant 0 : i32
    return %arg0, %c0_i32 : i32, i32
  }
  func.func @transform_16(%arg0: i32) -> (i32, i32) {
    %c0_i32 = arith.constant 0 : i32
    %c0_i32_0 = arith.constant 0 : i32
    return %arg0, %c0_i32 : i32, i32
  }
  func.func @transform_17(%arg0: i32) -> (i32, i32) {
    %c0_i32 = arith.constant 0 : i32
    %c0_i32_0 = arith.constant 0 : i32
    return %arg0, %c0_i32 : i32, i32
  }
  func.func @transform_18(%arg0: i32) -> (i32, i32) {
    %c0_i32 = arith.constant 0 : i32
    %c0_i32_0 = arith.constant 0 : i32
    return %arg0, %c0_i32 : i32, i32
  }
  func.func @transform_19(%arg0: i32) -> (i32, i32) {
    %c0_i32 = arith.constant 0 : i32
    %c0_i32_0 = arith.constant 0 : i32
    return %arg0, %c0_i32 : i32, i32
  }
}

module attributes {stable_mosaic.version = 14 : i64} {
  func.func @_mid_body(%arg0: i32, %arg1: memref<2000x128xf32, #tpu.memory_space<vmem>>, %arg2: memref<2000x128xf32, #tpu.memory_space<vmem>>, %arg3: memref<2000x256xf32, #tpu.memory_space<vmem>>, %arg4: memref<2000x128xf32, #tpu.memory_space<vmem>>, %arg5: memref<2000x128xf32, #tpu.memory_space<vmem>>, %arg6: memref<1x256xf32, #tpu.memory_space<vmem>>, %arg7: memref<128x256xf32, #tpu.memory_space<vmem>>, %arg8: memref<128x256xf32, #tpu.memory_space<vmem>>, %arg9: memref<2000x256xf32, #tpu.memory_space<vmem>>, %arg10: memref<2000x128xf32, #tpu.memory_space<vmem>>, %arg11: memref<2000x128xf32, #tpu.memory_space<vmem>>) attributes {dimension_semantics = [#tpu.dimension_semantics<arbitrary>], iteration_bounds = array<i64: 5>, scalar_prefetch = 0 : i64, scratch_operands = 0 : i64, tpu.core_type = #tpu.core_type<tc>, window_params = [{transform_indices = @transform_0, window_bounds = array<i64: 2000, 128>}, {transform_indices = @transform_1, window_bounds = array<i64: 2000, 128>}, {transform_indices = @transform_2, window_bounds = array<i64: 2000, 256>}, {transform_indices = @transform_3, window_bounds = array<i64: 2000, 128>}, {transform_indices = @transform_4, window_bounds = array<i64: 2000, 128>}, {pipeline_mode = #tpu.pipeline_mode<synchronous>, transform_indices = @transform_5, window_bounds = array<i64: 1, 256>}, {pipeline_mode = #tpu.pipeline_mode<synchronous>, transform_indices = @transform_6, window_bounds = array<i64: 128, 256>}, {pipeline_mode = #tpu.pipeline_mode<synchronous>, transform_indices = @transform_7, window_bounds = array<i64: 128, 256>}, {transform_indices = @transform_8, window_bounds = array<i64: 2000, 256>}, {transform_indices = @transform_9, window_bounds = array<i64: 2000, 128>}, {transform_indices = @transform_10, window_bounds = array<i64: 2000, 128>}]} {
    %get3A = arith.constant 0 : index
    %get3A_0 = arith.constant 0 : index
    %get3A_1 = vector.load %arg4[%get3A, %get3A_0] : memref<2000x128xf32, #tpu.memory_space<vmem>>, vector<2000x1xf32>
    %get3A_2 = arith.constant 0 : index
    %get3A_3 = arith.constant 0 : index
    %get3A_4 = vector.load %arg5[%get3A_2, %get3A_3] : memref<2000x128xf32, #tpu.memory_space<vmem>>, vector<2000x1xf32>
    %add3A = arith.addf %get3A_1, %get3A_4 : vector<2000x1xf32>
    %add3A_5 = arith.constant 1.000000e+00 : f32
    %add3A_6 = vector.broadcast %add3A_5 : f32 to vector<2000x1xf32>
    %add3A_7 = arith.addf %add3A, %add3A_6 : vector<2000x1xf32>
    %jit3A = arith.constant 1.000000e+00 : f32
    %max3A = vector.broadcast %jit3A : f32 to vector<2000x1xf32>
    %max3A_8 = arith.maximumf %max3A, %add3A_7 : vector<2000x1xf32>
    %rsqrt3A = math.rsqrt %max3A_8 : vector<2000x1xf32>
    %mul3A = arith.mulf %rsqrt3A, %rsqrt3A : vector<2000x1xf32>
    %get3A_9 = arith.constant 0 : index
    %get3A_10 = arith.constant 0 : index
    %get3A_11 = vector.load %arg1[%get3A_9, %get3A_10] : memref<2000x128xf32, #tpu.memory_space<vmem>>, vector<2000x128xf32>
    %mul3A_12 = vector.broadcast %rsqrt3A : vector<2000x1xf32> to vector<2000x128xf32>
    %mul3A_13 = arith.mulf %mul3A_12, %get3A_11 : vector<2000x128xf32>
    %get3A_14 = arith.constant 0 : index
    %get3A_15 = arith.constant 0 : index
    %get3A_16 = vector.load %arg3[%get3A_14, %get3A_15] : memref<2000x256xf32, #tpu.memory_space<vmem>>, vector<2000x128xf32>
    %mul3A_17 = vector.broadcast %mul3A : vector<2000x1xf32> to vector<2000x128xf32>
    %mul3A_18 = arith.mulf %mul3A_17, %get3A_16 : vector<2000x128xf32>
    %add3A_19 = arith.addf %mul3A_13, %mul3A_18 : vector<2000x128xf32>
    %get3A_20 = arith.constant 0 : index
    %get3A_21 = arith.constant 0 : index
    %get3A_22 = vector.load %arg6[%get3A_20, %get3A_21] : memref<1x256xf32, #tpu.memory_space<vmem>>, vector<1x128xf32>
    %add3A_23 = vector.broadcast %get3A_22 : vector<1x128xf32> to vector<2000x128xf32>
    %add3A_24 = arith.addf %add3A_19, %add3A_23 : vector<2000x128xf32>
    %max3A_25 = arith.constant 0.000000e+00 : f32
    %max3A_26 = vector.broadcast %max3A_25 : f32 to vector<2000x128xf32>
    %max3A_27 = arith.maximumf %add3A_24, %max3A_26 : vector<2000x128xf32>
    %get3A_28 = arith.constant 0 : index
    %get3A_29 = arith.constant 0 : index
    %get3A_30 = vector.load %arg2[%get3A_28, %get3A_29] : memref<2000x128xf32, #tpu.memory_space<vmem>>, vector<2000x128xf32>
    %mul3A_31 = vector.broadcast %rsqrt3A : vector<2000x1xf32> to vector<2000x128xf32>
    %mul3A_32 = arith.mulf %mul3A_31, %get3A_30 : vector<2000x128xf32>
    %get3A_33 = arith.constant 0 : index
    %get3A_34 = arith.constant 128 : index
    %get3A_35 = vector.load %arg3[%get3A_33, %get3A_34] : memref<2000x256xf32, #tpu.memory_space<vmem>>, vector<2000x128xf32>
    %mul3A_36 = vector.broadcast %mul3A : vector<2000x1xf32> to vector<2000x128xf32>
    %mul3A_37 = arith.mulf %mul3A_36, %get3A_35 : vector<2000x128xf32>
    %add3A_38 = arith.addf %mul3A_32, %mul3A_37 : vector<2000x128xf32>
    %get3A_39 = arith.constant 0 : index
    %get3A_40 = arith.constant 128 : index
    %get3A_41 = vector.load %arg6[%get3A_39, %get3A_40] : memref<1x256xf32, #tpu.memory_space<vmem>>, vector<1x128xf32>
    %add3A_42 = vector.broadcast %get3A_41 : vector<1x128xf32> to vector<2000x128xf32>
    %add3A_43 = arith.addf %add3A_38, %add3A_42 : vector<2000x128xf32>
    %max3A_44 = arith.constant 0.000000e+00 : f32
    %max3A_45 = vector.broadcast %max3A_44 : f32 to vector<2000x128xf32>
    %max3A_46 = arith.maximumf %add3A_43, %max3A_45 : vector<2000x128xf32>
    %get3A_47 = arith.constant 0 : index
    %get3A_48 = arith.constant 0 : index
    %get3A_49 = vector.load %arg7[%get3A_47, %get3A_48] : memref<128x256xf32, #tpu.memory_space<vmem>>, vector<128x256xf32>
    %dot_general3A = arith.constant dense<0.000000e+00> : vector<2000x256xf32>
    %dot_general3A_50 = tpu.matmul %max3A_27, %get3A_49, %dot_general3A {dimension_numbers = #tpu.dot_dimension_numbers<[1], [0], [0], [1], [0, 0, 1, 1], [], []>, transpose_lhs_hint = false} : vector<2000x128xf32>, vector<128x256xf32>, vector<2000x256xf32> -> vector<2000x256xf32>
    %get3A_51 = arith.constant 0 : index
    %get3A_52 = arith.constant 0 : index
    %get3A_53 = vector.load %arg8[%get3A_51, %get3A_52] : memref<128x256xf32, #tpu.memory_space<vmem>>, vector<128x256xf32>
    %dot_general3A_54 = arith.constant dense<0.000000e+00> : vector<2000x256xf32>
    %dot_general3A_55 = tpu.matmul %max3A_46, %get3A_53, %dot_general3A_54 {dimension_numbers = #tpu.dot_dimension_numbers<[1], [0], [0], [1], [0, 0, 1, 1], [], []>, transpose_lhs_hint = false} : vector<2000x128xf32>, vector<128x256xf32>, vector<2000x256xf32> -> vector<2000x256xf32>
    %add3A_56 = arith.addf %dot_general3A_50, %dot_general3A_55 : vector<2000x256xf32>
    %swap3A = arith.constant 0 : index
    %swap3A_57 = arith.constant 0 : index
    %swap3A_58 = vector.load %arg9[%swap3A, %swap3A_57] : memref<2000x256xf32, #tpu.memory_space<vmem>>, vector<2000x256xf32>
    tpu.vector_store %arg9[%swap3A, %swap3A_57], %add3A_56 {strides = array<i32>} : memref<2000x256xf32, #tpu.memory_space<vmem>>, vector<2000x256xf32>,
    %mul3A_59 = vector.broadcast %rsqrt3A : vector<2000x1xf32> to vector<2000x256xf32>
    %mul3A_60 = arith.mulf %add3A_56, %mul3A_59 : vector<2000x256xf32>
    %slice3A = vector.extract_strided_slice %mul3A_60 {offsets = [0, 0], sizes = [2000, 128], strides = [1, 1]} : vector<2000x256xf32> to vector<2000x128xf32>
    %swap3A_61 = arith.constant 0 : index
    %swap3A_62 = arith.constant 0 : index
    %swap3A_63 = vector.load %arg10[%swap3A_61, %swap3A_62] : memref<2000x128xf32, #tpu.memory_space<vmem>>, vector<2000x128xf32>
    tpu.vector_store %arg10[%swap3A_61, %swap3A_62], %slice3A {strides = array<i32>} : memref<2000x128xf32, #tpu.memory_space<vmem>>, vector<2000x128xf32>,
    %slice3A_64 = vector.extract_strided_slice %mul3A_60 {offsets = [0, 128], sizes = [2000, 128], strides = [1, 1]} : vector<2000x256xf32> to vector<2000x128xf32>
    %swap3A_65 = arith.constant 0 : index
    %swap3A_66 = arith.constant 0 : index
    %swap3A_67 = vector.load %arg11[%swap3A_65, %swap3A_66] : memref<2000x128xf32, #tpu.memory_space<vmem>>, vector<2000x128xf32>
    tpu.vector_store %arg11[%swap3A_65, %swap3A_66], %slice3A_64 {strides = array<i32>} : memref<2000x128xf32, #tpu.memory_space<vmem>>, vector<2000x128xf32>,
    return
  }
  func.func @transform_0(%arg0: i32) -> (i32, i32) {
    %c0_i32 = arith.constant 0 : i32
    %c0_i32_0 = arith.constant 0 : i32
    return %arg0, %c0_i32 : i32, i32
  }
  func.func @transform_1(%arg0: i32) -> (i32, i32) {
    %c0_i32 = arith.constant 0 : i32
    %c0_i32_0 = arith.constant 0 : i32
    return %arg0, %c0_i32 : i32, i32
  }
  func.func @transform_2(%arg0: i32) -> (i32, i32) {
    %c0_i32 = arith.constant 0 : i32
    %c0_i32_0 = arith.constant 0 : i32
    return %arg0, %c0_i32 : i32, i32
  }
  func.func @transform_3(%arg0: i32) -> (i32, i32) {
    %c0_i32 = arith.constant 0 : i32
    %c0_i32_0 = arith.constant 0 : i32
    return %arg0, %c0_i32 : i32, i32
  }
  func.func @transform_4(%arg0: i32) -> (i32, i32) {
    %c0_i32 = arith.constant 0 : i32
    %c0_i32_0 = arith.constant 0 : i32
    return %arg0, %c0_i32 : i32, i32
  }
  func.func @transform_5(%arg0: i32) -> (i32, i32) {
    %c0_i32 = arith.constant 0 : i32
    %c0_i32_0 = arith.constant 0 : i32
    %c0_i32_1 = arith.constant 0 : i32
    return %c0_i32, %c0_i32_0 : i32, i32
  }
  func.func @transform_6(%arg0: i32) -> (i32, i32) {
    %c0_i32 = arith.constant 0 : i32
    %c0_i32_0 = arith.constant 0 : i32
    %c0_i32_1 = arith.constant 0 : i32
    return %c0_i32, %c0_i32_0 : i32, i32
  }
  func.func @transform_7(%arg0: i32) -> (i32, i32) {
    %c0_i32 = arith.constant 0 : i32
    %c0_i32_0 = arith.constant 0 : i32
    %c0_i32_1 = arith.constant 0 : i32
    return %c0_i32, %c0_i32_0 : i32, i32
  }
  func.func @transform_8(%arg0: i32) -> (i32, i32) {
    %c0_i32 = arith.constant 0 : i32
    %c0_i32_0 = arith.constant 0 : i32
    return %arg0, %c0_i32 : i32, i32
  }
  func.func @transform_9(%arg0: i32) -> (i32, i32) {
    %c0_i32 = arith.constant 0 : i32
    %c0_i32_0 = arith.constant 0 : i32
    return %arg0, %c0_i32 : i32, i32
  }
  func.func @transform_10(%arg0: i32) -> (i32, i32) {
    %c0_i32 = arith.constant 0 : i32
    %c0_i32_0 = arith.constant 0 : i32
    return %arg0, %c0_i32 : i32, i32
  }
}

module attributes {stable_mosaic.version = 14 : i64} {
  func.func @_fin_body(%arg0: i32, %arg1: memref<2000x128xf32, #tpu.memory_space<vmem>>, %arg2: memref<2000x128xf32, #tpu.memory_space<vmem>>, %arg3: memref<2000x256xf32, #tpu.memory_space<vmem>>, %arg4: memref<2000x128xf32, #tpu.memory_space<vmem>>, %arg5: memref<2000x128xf32, #tpu.memory_space<vmem>>, %arg6: memref<1x256xf32, #tpu.memory_space<vmem>>, %arg7: memref<128x1xf32, #tpu.memory_space<vmem>>, %arg8: memref<128x1xf32, #tpu.memory_space<vmem>>, %arg9: memref<1x1xf32, #tpu.memory_space<vmem>>, %arg10: memref<2000x1xf32, #tpu.memory_space<vmem>>) attributes {dimension_semantics = [#tpu.dimension_semantics<arbitrary>], iteration_bounds = array<i64: 5>, scalar_prefetch = 0 : i64, scratch_operands = 0 : i64, tpu.core_type = #tpu.core_type<tc>, window_params = [{transform_indices = @transform_0, window_bounds = array<i64: 2000, 128>}, {transform_indices = @transform_1, window_bounds = array<i64: 2000, 128>}, {transform_indices = @transform_2, window_bounds = array<i64: 2000, 256>}, {transform_indices = @transform_3, window_bounds = array<i64: 2000, 128>}, {transform_indices = @transform_4, window_bounds = array<i64: 2000, 128>}, {pipeline_mode = #tpu.pipeline_mode<synchronous>, transform_indices = @transform_5, window_bounds = array<i64: 1, 256>}, {pipeline_mode = #tpu.pipeline_mode<synchronous>, transform_indices = @transform_6, window_bounds = array<i64: 128, 1>}, {pipeline_mode = #tpu.pipeline_mode<synchronous>, transform_indices = @transform_7, window_bounds = array<i64: 128, 1>}, {pipeline_mode = #tpu.pipeline_mode<synchronous>, transform_indices = @transform_8, window_bounds = array<i64: 1, 1>}, {transform_indices = @transform_9, window_bounds = array<i64: 2000, 1>}]} {
    %get3A = arith.constant 0 : index
    %get3A_0 = arith.constant 0 : index
    %get3A_1 = vector.load %arg4[%get3A, %get3A_0] : memref<2000x128xf32, #tpu.memory_space<vmem>>, vector<2000x1xf32>
    %get3A_2 = arith.constant 0 : index
    %get3A_3 = arith.constant 0 : index
    %get3A_4 = vector.load %arg5[%get3A_2, %get3A_3] : memref<2000x128xf32, #tpu.memory_space<vmem>>, vector<2000x1xf32>
    %add3A = arith.addf %get3A_1, %get3A_4 : vector<2000x1xf32>
    %add3A_5 = arith.constant 1.000000e+00 : f32
    %add3A_6 = vector.broadcast %add3A_5 : f32 to vector<2000x1xf32>
    %add3A_7 = arith.addf %add3A, %add3A_6 : vector<2000x1xf32>
    %jit3A = arith.constant 1.000000e+00 : f32
    %max3A = vector.broadcast %jit3A : f32 to vector<2000x1xf32>
    %max3A_8 = arith.maximumf %max3A, %add3A_7 : vector<2000x1xf32>
    %rsqrt3A = math.rsqrt %max3A_8 : vector<2000x1xf32>
    %mul3A = arith.mulf %rsqrt3A, %rsqrt3A : vector<2000x1xf32>
    %get3A_9 = arith.constant 0 : index
    %get3A_10 = arith.constant 0 : index
    %get3A_11 = vector.load %arg1[%get3A_9, %get3A_10] : memref<2000x128xf32, #tpu.memory_space<vmem>>, vector<2000x128xf32>
    %mul3A_12 = vector.broadcast %rsqrt3A : vector<2000x1xf32> to vector<2000x128xf32>
    %mul3A_13 = arith.mulf %mul3A_12, %get3A_11 : vector<2000x128xf32>
    %get3A_14 = arith.constant 0 : index
    %get3A_15 = arith.constant 0 : index
    %get3A_16 = vector.load %arg3[%get3A_14, %get3A_15] : memref<2000x256xf32, #tpu.memory_space<vmem>>, vector<2000x128xf32>
    %mul3A_17 = vector.broadcast %mul3A : vector<2000x1xf32> to vector<2000x128xf32>
    %mul3A_18 = arith.mulf %mul3A_17, %get3A_16 : vector<2000x128xf32>
    %add3A_19 = arith.addf %mul3A_13, %mul3A_18 : vector<2000x128xf32>
    %get3A_20 = arith.constant 0 : index
    %get3A_21 = arith.constant 0 : index
    %get3A_22 = vector.load %arg6[%get3A_20, %get3A_21] : memref<1x256xf32, #tpu.memory_space<vmem>>, vector<1x128xf32>
    %add3A_23 = vector.broadcast %get3A_22 : vector<1x128xf32> to vector<2000x128xf32>
    %add3A_24 = arith.addf %add3A_19, %add3A_23 : vector<2000x128xf32>
    %max3A_25 = arith.constant 0.000000e+00 : f32
    %max3A_26 = vector.broadcast %max3A_25 : f32 to vector<2000x128xf32>
    %max3A_27 = arith.maximumf %add3A_24, %max3A_26 : vector<2000x128xf32>
    %get3A_28 = arith.constant 0 : index
    %get3A_29 = arith.constant 0 : index
    %get3A_30 = vector.load %arg2[%get3A_28, %get3A_29] : memref<2000x128xf32, #tpu.memory_space<vmem>>, vector<2000x128xf32>
    %mul3A_31 = vector.broadcast %rsqrt3A : vector<2000x1xf32> to vector<2000x128xf32>
    %mul3A_32 = arith.mulf %mul3A_31, %get3A_30 : vector<2000x128xf32>
    %get3A_33 = arith.constant 0 : index
    %get3A_34 = arith.constant 128 : index
    %get3A_35 = vector.load %arg3[%get3A_33, %get3A_34] : memref<2000x256xf32, #tpu.memory_space<vmem>>, vector<2000x128xf32>
    %mul3A_36 = vector.broadcast %mul3A : vector<2000x1xf32> to vector<2000x128xf32>
    %mul3A_37 = arith.mulf %mul3A_36, %get3A_35 : vector<2000x128xf32>
    %add3A_38 = arith.addf %mul3A_32, %mul3A_37 : vector<2000x128xf32>
    %get3A_39 = arith.constant 0 : index
    %get3A_40 = arith.constant 128 : index
    %get3A_41 = vector.load %arg6[%get3A_39, %get3A_40] : memref<1x256xf32, #tpu.memory_space<vmem>>, vector<1x128xf32>
    %add3A_42 = vector.broadcast %get3A_41 : vector<1x128xf32> to vector<2000x128xf32>
    %add3A_43 = arith.addf %add3A_38, %add3A_42 : vector<2000x128xf32>
    %max3A_44 = arith.constant 0.000000e+00 : f32
    %max3A_45 = vector.broadcast %max3A_44 : f32 to vector<2000x128xf32>
    %max3A_46 = arith.maximumf %add3A_43, %max3A_45 : vector<2000x128xf32>
    %get3A_47 = arith.constant 0 : index
    %get3A_48 = arith.constant 0 : index
    %get3A_49 = vector.load %arg7[%get3A_47, %get3A_48] : memref<128x1xf32, #tpu.memory_space<vmem>>, vector<128x1xf32>
    %dot_general3A = arith.constant dense<0.000000e+00> : vector<2000x1xf32>
    %dot_general3A_50 = tpu.matmul %max3A_27, %get3A_49, %dot_general3A {dimension_numbers = #tpu.dot_dimension_numbers<[1], [0], [0], [1], [0, 0, 1, 1], [], []>, transpose_lhs_hint = false} : vector<2000x128xf32>, vector<128x1xf32>, vector<2000x1xf32> -> vector<2000x1xf32>
    %get3A_51 = arith.constant 0 : index
    %get3A_52 = arith.constant 0 : index
    %get3A_53 = vector.load %arg8[%get3A_51, %get3A_52] : memref<128x1xf32, #tpu.memory_space<vmem>>, vector<128x1xf32>
    %dot_general3A_54 = arith.constant dense<0.000000e+00> : vector<2000x1xf32>
    %dot_general3A_55 = tpu.matmul %max3A_46, %get3A_53, %dot_general3A_54 {dimension_numbers = #tpu.dot_dimension_numbers<[1], [0], [0], [1], [0, 0, 1, 1], [], []>, transpose_lhs_hint = false} : vector<2000x128xf32>, vector<128x1xf32>, vector<2000x1xf32> -> vector<2000x1xf32>
    %add3A_56 = arith.addf %dot_general3A_50, %dot_general3A_55 : vector<2000x1xf32>
    %get3A_57 = arith.constant 0 : index
    %get3A_58 = arith.constant 0 : index
    %get3A_59 = vector.load %arg9[%get3A_57, %get3A_58] : memref<1x1xf32, #tpu.memory_space<vmem>>, vector<1x1xf32>
    %add3A_60 = vector.broadcast %get3A_59 : vector<1x1xf32> to vector<2000x1xf32>
    %add3A_61 = arith.addf %add3A_56, %add3A_60 : vector<2000x1xf32>
    %swap3A = arith.constant 0 : index
    %swap3A_62 = arith.constant 0 : index
    %swap3A_63 = vector.load %arg10[%swap3A, %swap3A_62] : memref<2000x1xf32, #tpu.memory_space<vmem>>, vector<2000x1xf32>
    tpu.vector_store %arg10[%swap3A, %swap3A_62], %add3A_61 {strides = array<i32>} : memref<2000x1xf32, #tpu.memory_space<vmem>>, vector<2000x1xf32>,
    return
  }
  func.func @transform_0(%arg0: i32) -> (i32, i32) {
    %c0_i32 = arith.constant 0 : i32
    %c0_i32_0 = arith.constant 0 : i32
    return %arg0, %c0_i32 : i32, i32
  }
  func.func @transform_1(%arg0: i32) -> (i32, i32) {
    %c0_i32 = arith.constant 0 : i32
    %c0_i32_0 = arith.constant 0 : i32
    return %arg0, %c0_i32 : i32, i32
  }
  func.func @transform_2(%arg0: i32) -> (i32, i32) {
    %c0_i32 = arith.constant 0 : i32
    %c0_i32_0 = arith.constant 0 : i32
    return %arg0, %c0_i32 : i32, i32
  }
  func.func @transform_3(%arg0: i32) -> (i32, i32) {
    %c0_i32 = arith.constant 0 : i32
    %c0_i32_0 = arith.constant 0 : i32
    return %arg0, %c0_i32 : i32, i32
  }
  func.func @transform_4(%arg0: i32) -> (i32, i32) {
    %c0_i32 = arith.constant 0 : i32
    %c0_i32_0 = arith.constant 0 : i32
    return %arg0, %c0_i32 : i32, i32
  }
  func.func @transform_5(%arg0: i32) -> (i32, i32) {
    %c0_i32 = arith.constant 0 : i32
    %c0_i32_0 = arith.constant 0 : i32
    %c0_i32_1 = arith.constant 0 : i32
    return %c0_i32, %c0_i32_0 : i32, i32
  }
  func.func @transform_6(%arg0: i32) -> (i32, i32) {
    %c0_i32 = arith.constant 0 : i32
    %c0_i32_0 = arith.constant 0 : i32
    %c0_i32_1 = arith.constant 0 : i32
    return %c0_i32, %c0_i32_0 : i32, i32
  }
  func.func @transform_7(%arg0: i32) -> (i32, i32) {
    %c0_i32 = arith.constant 0 : i32
    %c0_i32_0 = arith.constant 0 : i32
    %c0_i32_1 = arith.constant 0 : i32
    return %c0_i32, %c0_i32_0 : i32, i32
  }
  func.func @transform_8(%arg0: i32) -> (i32, i32) {
    %c0_i32 = arith.constant 0 : i32
    %c0_i32_0 = arith.constant 0 : i32
    %c0_i32_1 = arith.constant 0 : i32
    return %c0_i32, %c0_i32_0 : i32, i32
  }
  func.func @transform_9(%arg0: i32) -> (i32, i32) {
    %c0_i32 = arith.constant 0 : i32
    %c0_i32_0 = arith.constant 0 : i32
    return %arg0, %c0_i32 : i32, i32
  }
}

</mosaic_0001>

<sc_bundles>
// kernel: kernel.11.cloned.1.call-start
scs
__scs_entry_jumppad:
0x0: {  	(pc) =	sbr.rel $0x88, $3  }
0x1: {  	(tag) =	ssettag $0x0;
	lr =	simm.s32 $0x1  }
0x2: {  	[smem:$0x3F8E] =	sst lr;
	_ =	strace $0xD0000000  }
0x3: {  	_ = 	snop  }
0x4: {  	_ = 	snop  }
0x5: {  	_ = 	snop  }
0x6: {  	_ = 	snop  }
0x7: {  	_ = 	snop  }
__scs_overlays_trampoline_lowered:
0x8: {  	[smem:$0x3F9D] =	sst s0  }
0x9: {  	[smem:$0x3F9E] =	sst s1  }
0xa: {  	[smem:$0x3F9F] =	sst s2  }
0xb: {  	[smem:$0x3FA0] =	sst s3  }
0xc: {  	[smem:$0x3FA1] =	sst s4  }
0xd: {  	[smem:$0x3FA2] =	sst s5  }
0xe: {  	[smem:$0x3FA3] =	sst s6  }
0xf: {  	[smem:$0x3FA4] =	sst s7  }
0x10: {  	[smem:$0x3FA5] =	sst s8  }
0x11: {  	[smem:$0x3FA6] =	sst s9;
	s0 =	simm.s32 @!p0 $0x0  }
0x12: {  	s1 =	sld [smem:$0x3F8C];
	s0 =	simm.s32 @p0 $0x1  }
0x13: {  	[smem:$0x3FA7] =	sst s0;
	s0 =	simm.s32 @!p1 $0x0  }
0x14: {  	s2 =	sld [smem:$0x3F8B];
	s0 =	simm.s32 @p1 $0x1  }
0x15: {  	[smem:$0x3FA8] =	sst s0;
	s0 =	simm.s32 @!p2 $0x0  }
0x16: {  	s3 =	sld [smem:$0x3FDB];
	s0 =	simm.s32 @p2 $0x1  }
0x17: {  	s4 =	simm.s32 $0x1BF5;
	[smem:$0x3FAA] =	sst s0  }
0x18: {  	s0 =	sld [smem:$0x3F8D];
	_ =	swait.ge [sflag:s4], $0x0  }
0x19: {  	s7 =	sld [smem:$0x3F8E]  }
0x1a: {  	s8 =	sadd.s32 $0xFFFFE003, lr  }
0x1b: {  	s9 =	sadd.s32 $0xFFFFFEF7, lr;
	s5 =	simm.s32 $0xFFFFFFFF;
	p2 =	slt.u32 s8, $0xFFFFF086  }
0x1c: {  	p1 =	slt.u32 s9, $0xF7A;
	s5 =	simm.s32 @!p2 $0x0  }
0x1d: {  	s5 =	simm.s32 @p1 $0x1;
	p0 =	seq.s32 s7, s2  }
0x1e: {  	s7 =	smul.u32 @!p0 $0xF7A, s2;
	p2 =	seq.s32 @!p0 s5, $0x0  }
0x1f: {  	s9 =	smul.u32 $0xF7A, s1;
	s8 =	simm.s32 @!p0 $0x1BF5;
	p2 =	por !p2, p0  }
0x20: {  	[sflag:s8] =	ssyncset.s32 @!p0 $0xFFFFF086;
	s6 =	sadd.s32 @!p0 s3, s7;
	s7 =	simm.s32 @!p0 $0x108  }
0x21: {  	s3 =	sadd.s32 s3, s9;
	s6 =	sadd.s32 @!p0 $0x88, s6;
	s7 =	simm.s32 @p2 $0x1082  }
0x22: {  	[simem:s7], [sflag:s8] =	dma.local @!p0 [hbm:s6], $0xF7A  }
0x23: {  	s9 =	sor.u32 $0xD0000000, s2;
	s6 =	simm.s32 $0x108;
	_ =	swait.ge @!p0 [sflag:s8], $0x0  }
0x24: {  	s3 =	sadd.s32 $0x88, s3;
	s6 =	simm.s32 @!p1 $0x1082;
	[sflag:s4] =	ssyncset.s32 $0xFFFFF086  }
0x25: {  	[simem:s6], [sflag:s4] =	dma.local [hbm:s3], $0xF7A  }
0x26: {  	[smem:$0x3F8E] =	sst s1;
	(tag) =	ssettag s2;
	_ =	strace s9  }
0x27: {  	s1 =	sld [smem:$0x3F9E]  }
0x28: {  	s2 =	sld [smem:$0x3F9F]  }
0x29: {  	s4 =	sld [smem:$0x3FA1]  }
0x2a: {  	p0 =	seq.s32 s5, $0x0;
	s5 =	sld [smem:$0x3FA2]  }
0x2b: {  	s6 =	sld [smem:$0x3FA3]  }
0x2c: {  	s7 =	sld [smem:$0x3FA4]  }
0x2d: {  	s3 =	simm.s32 $0x108;
	s8 =	sld [smem:$0x3FA5]  }
0x2e: {  	s3 =	simm.s32 @!p0 $0x1082;
	s9 =	sld [smem:$0x3FA6]  }
0x2f: {  	lr =	sadd.s32 s0, s3;
	s0 =	sld [smem:$0x3F9D]  }
0x30: {  	s3 =	sld [smem:$0x3FA0]  }
0x31: {  	[smem:$0x3FA9] =	sst s10  }
0x32: {  	s10 =	sld [smem:$0x3FA7];
	_ =	sdelay $0x3  }
0x33: {  	p0 =	seq.s32 s10, $0x1;
	s10 =	sld [smem:$0x3FA9];
	_ =	sdelay $0x3  }
0x34: {  	[smem:$0x3FA9] =	sst s10  }
0x35: {  	s10 =	sld [smem:$0x3FA8];
	_ =	sdelay $0x3  }
0x36: {  	p1 =	seq.s32 s10, $0x1;
	s10 =	sld [smem:$0x3FA9];
	_ =	sdelay $0x3  }
0x37: {  	[smem:$0x3FA9] =	sst s10  }
0x38: {  	s10 =	sld [smem:$0x3FAA]  }
0x39: {  	_ = 	snop;
	(pc) =	sbr.ind lr, $3  }
0x3a: {  	_ = 	snop  }
0x3b: {  	_ = 	snop  }
0x3c: {  	p2 =	seq.s32 s10, $0x1;
	s10 =	sld [smem:$0x3FA9]  }
0x3d: {  	_ =	shalt  }
0x3e: {  	_ =	shalt  }
0x3f: {  	_ =	shalt  }
0x40: {  	_ =	shalt  }
0x41: {  	_ =	shalt  }
0x42: {  	_ =	shalt  }
0x43: {  	_ =	shalt  }
0x44: {  	_ =	shalt  }
0x45: {  	_ =	shalt  }
0x46: {  	_ =	shalt  }
0x47: {  	_ =	shalt  }
0x48: {  	_ =	shalt  }
0x49: {  	_ =	shalt  }
0x4a: {  	_ =	shalt  }
0x4b: {  	_ =	shalt  }
0x4c: {  	_ =	shalt  }
0x4d: {  	_ =	shalt  }
0x4e: {  	_ =	shalt  }
0x4f: {  	_ =	shalt  }
0x50: {  	_ =	shalt  }
0x51: {  	_ =	shalt  }
0x52: {  	_ =	shalt  }
0x53: {  	_ =	shalt  }
0x54: {  	_ =	shalt  }
0x55: {  	_ =	shalt  }
0x56: {  	_ =	shalt  }
0x57: {  	_ =	shalt  }
0x58: {  	_ =	shalt  }
0x59: {  	_ =	shalt  }
0x5a: {  	_ =	shalt  }
0x5b: {  	_ =	shalt  }
0x5c: {  	_ =	shalt  }
0x5d: {  	_ =	shalt  }
0x5e: {  	_ =	shalt  }
0x5f: {  	_ =	shalt  }
0x60: {  	_ =	shalt  }
0x61: {  	_ =	shalt  }
0x62: {  	_ =	shalt  }
0x63: {  	_ =	shalt  }
0x64: {  	_ =	shalt  }
0x65: {  	_ =	shalt  }
0x66: {  	_ =	shalt  }
0x67: {  	_ =	shalt  }
0x68: {  	_ =	shalt  }
0x69: {  	_ =	shalt  }
0x6a: {  	_ =	shalt  }
0x6b: {  	_ =	shalt  }
0x6c: {  	_ =	shalt  }
0x6d: {  	_ =	shalt  }
0x6e: {  	_ =	shalt  }
0x6f: {  	_ =	shalt  }
0x70: {  	_ =	shalt  }
0x71: {  	_ =	shalt  }
0x72: {  	_ =	shalt  }
0x73: {  	_ =	shalt  }
0x74: {  	_ =	shalt  }
0x75: {  	_ =	shalt  }
0x76: {  	_ =	shalt  }
0x77: {  	_ =	shalt  }
0x78: {  	_ =	shalt  }
0x79: {  	_ =	shalt  }
0x7a: {  	_ =	shalt  }
0x7b: {  	_ =	shalt  }
0x7c: {  	_ =	shalt  }
0x7d: {  	_ =	shalt  }
0x7e: {  	_ =	shalt  }
0x7f: {  	_ =	shalt  }
0x80: {  	_ =	shalt  }
0x81: {  	_ =	shalt  }
0x82: {  	_ =	shalt  }
0x83: {  	_ =	shalt  }
0x84: {  	_ =	shalt  }
0x85: {  	_ =	shalt  }
0x86: {  	_ =	shalt  }
0x87: {  	_ =	shalt  }
.Lfunc_end0:
.L_simem_size_0:
called_computation.1_lowered:
.L_overlay_start_0:
0x88: {  	s2 =	sld [smem:$0x3FD9]  }
0x89: {  	s3 =	sld [smem:$0x3FFE];
	_ =	sdelay $0x1  }
0x8a: {  	s1 =	srdreg.scid  }
0x8b: {  	s0 =	sand.u32 $0x1, s1  }
0x8c: {  	s16 =	sshll.u32 s0, $0xA;
	s2 =	sadd.s32 s3, s2  }
0x8d: {  	s2 =	sadd.s32 s2, s16  }
0x8e: {  	[smem:$0x3FB5] =	sst s2  }
0x8f: {  	_ = 	snop  }
0x90: {  	(tm) =	ssettm $0x1  }
0x91: {  	s17 =	sld [smem:$0x3FFB];
	_ =	sdelay $0x3  }
0x92: {  	_ =	strace s17  }
0x93: {  	s2 =	sld [smem:$0x3FFC];
	_ =	sdelay $0x3  }
0x94: {  	_ =	strace s2  }
0x95: {  	s2 =	sld [smem:$0x3FFD];
	_ =	sdelay $0x3  }
0x96: {  	_ =	strace s2  }
0x97: {  	_ =	strace $0x8FFFFFFF  }
0x98: {  	s18 =	sld [smem:$0x3FDB];
	_ =	sdelay $0x1  }
0x99: {  	s19 =	simm.s32 $_scs_section_size  }
0x9a: {  	s4 =	simm.s32 $_size__tile_overlayer_lowered;
	s5 =	simm.s32 $_tile_overlayer_lowered  }
0x9b: {  	s22 =	simm.s32 $0x1BFF;
	s21 =	sshll.u32 s5, $0x1;
	s2 =	sadd.s32 s19, s18  }
0x9c: {  	s6 =	simm.s32 $0x0;
	s20 =	sshll.u32 s4, $0x1;
	s4 =	sadd.s32 s21, s2  }
0x9d: {  	[timem:s6], [sflag:s22] =	dma.local [hbm:s4], s20  }
0x9e: {  	_ =	swait.ge [sflag:s22], s20  }
0x9f: {  	s3 =	ssub.s32 $0x0, s20;
	[sflag:s22] =	ssyncset.done $0x0  }
0xa0: {  	[sflag:s22] =	ssyncadd.s32 s3;
	_ =	sdelay $0x1  }
0xa1: {  	s23 =	simm.s32 $0x1B8B  }
0xa2: {  	_ =	swait.ge [sflag:s23], $0x1  }
0xa3: {  	[sflag:s23] =	ssyncset.done $0x0  }
0xa4: {  	s25 =	simm.s32 $0x1B8E;
	s24 =	sld [smem:$0x3FFE];
	[sflag:s23] =	ssyncadd.s32 $0xFFFFFFFF  }
0xa5: {  	s26 =	simm.s32 $execute0_lowered;
	[smem:$0x3FD2] =	sst s25  }
0xa6: {  	s4 =	sshll.u32 s26, $0x1;
	_ =	strace $0x80000049;
	[dreg:$0x1] =	wrdreg $0xFFFFFFFF  }
0xa7: {  	s28 =	simm.s32 $_size_execute0_lowered;
	s2 =	sadd.s32 s2, s4;
	[dreg:$0x0] =	wrdreg $0x0  }
0xa8: {  	s4 =	sshll.u32 s28, $0x1;
	[dreg:$0x2] =	wrdreg s2  }
0xa9: {  	[dreg:$0x3] =	wrdreg s4  }
0xaa: {  	[dreg:$0x4] =	wrdreg $0xC0  }
0xab: {  	_ =	task [dreg:s6], $0x5FFFF  }
0xac: {  	[dreg:$0x1] =	wrdreg $0xFFFFFFFF  }
0xad: {  	[dreg:$0x0] =	wrdreg $0x60  }
0xae: {  	[dreg:$0x2] =	wrdreg s24  }
0xaf: {  	[dreg:$0x3] =	wrdreg $0xA8000  }
0xb0: {  	[dreg:$0x4] =	wrdreg $0x9  }
0xb1: {  	_ =	task.clear_ibuf [dreg:s6], $0x5FFFF;
	_ =	strace $0x90000049  }
0xb2: {  	s29 =	simm.s32 $0x9;
	_ =	strace $0x8000004B  }
0xb3: {  	_ =	swait.ge [sflag:s29], $0x1  }
0xb4: {  	[sflag:s29] =	ssyncadd.s32 $0xFFFFFFFF  }
0xb5: {  	_ =	strace $0x9000004B  }
0xb6: {  	_ =	sfence  }
0xb7: {  	s30 =	sld [smem:$0x0];
	_ =	sdelay $0x2  }
0xb8: {  	s31 =	sshll.u32 s1, $0xD;
	s1 =	sshrl.u32 s1, $0x2  }
0xb9: {  	s3 =	sand.u32 $0x4000, s31;
	s1 =	sadd.s32 s1, s30  }
0xba: {  	s0 =	sor.u32 s3, s0;
	s1 =	sshll.u32 s1, $0x11  }
0xbb: {  	s0 =	sor.u32 s1, s0  }
0xbc: {  	s0 =	sadd.s32 $0x8F2B, s0  }
0xbd: {  	[sflag:s0] =	ssyncadd.remote.s32 $0x1  }
0xbe: {  	_ =	sfence.sel $0xFFFF  }
0xbf: {  	[dreg:$0x0] =	wrdreg $0xFFFFFFFF;
	(pc) =	sbr.abs _section_cstart, $3  }
0xc0: {  	[dreg:$0x1] =	wrdreg $0xFFFFFFFF  }
0xc1: {  	_ =	task.clear_ibuf [dreg:s6], $0x2FFFF;
	_ =	strace $0x9FFFFFFF  }
0xc2: {  	(tm) =	ssettm $0x7FFFFFFF  }
0xc3: {  	_ =	shalt  }
tec
execute0_lowered:
.L_overlay_start_1:
0x0: {  	(tag) =	ssettag $0x1  }
0x1: {  	s10 =	rddreg [dreg:$0x0]  }
0x2: {  	s1 =	rddreg [dreg:$0x1]  }
0x3: {  	s0 =	rddreg [dreg:$0x2];
	s2 =	simm.s32 $0x0  }
0x4: {  	s7 =	srdreg.scid;
	s3 =	stileid.u32;
	s17 =	simm.s32 $0x1400  }
0x5: {  	s18 =	simm.s32 $0x80;
	s19 =	simm.s32 $0x2800;
	s20 =	simm.s32 $0x1  }
0x6: {  	s21 =	simm.s32 $0x6800;
	s22 =	simm.s32 $0x2;
	s23 =	simm.s32 $0x1380  }
0x7: {  	s24 =	simm.s32 $0x2700;
	s25 =	simm.s32 $0x2780;
	[smem:$0x7FF] =	sst s2  }
0x8: {  	s4 =	sadd.s32 $0x43C00, s10;
	s5 =	sadd.s32 $0xE1600, s10;
	s6 =	sadd.s32 $0x6200, s10  }
0x9: {  	s15 =	sand.u32 $0x1, s7;
	s7 =	sadd.s32 $0x10200, s10;
	s12 =	smul.u32 $0x4E200, s3  }
0xa: {  	s8 =	sadd.s32 $0x1A200, s10;
	s9 =	sadd.s32 $0x108800, s10;
	s10 =	sadd.s32 $0x130000, s10  }
.Ltmp0:
0xb: {  	s31 =	sshll.u32 s3, $0x6;
	s11 =	ssub.s32 $0x2, s15;
	(pc) =	sbr.rel .LBB2_1-.Ltmp0, $4  }
0xc: {  	_ =	strace $0x8000004A;
	p0 =	sne.s32 s15, $0x0;
	s13 =	sshrl.u32 s11, $0x1  }
0xd: {  	s30 =	sshrl.u32 s12, $0x2;
	s14 =	ssub.s32 s11, s13;
	s11 =	smul.u32 $0xA0, s3  }
0xe: {  	s12 =	sor.u32 $0x1C03, s31;
	s16 =	sadd.s32 s30, s1;
	s13 =	smul.u32 $0x2780, s3  }
0xf: {  	s14 =	smax.u32 s14, $0x1;
	s15 =	sshrl.u32 s16, $0x3;
	s16 =	simm.s32 $0x3  }
.LBB2_10:
0x10: {  	s2 =	sadd.s32 $0x1, s2  }
0x11: {  	p1 =	sne.s32 s2, s14  }
.Ltmp1:
0x12: {  	s26 =	sadd.s32 s26, s13;
	[bflag:$0x0] =	sbarrier.arrive $0xFFFF;
	(pc) =	sbr.rel @!p1 .LBB2_11-.Ltmp1, $4  }
0x13: {  	[hbm:s26], [sflag:s12] =	dma.local [spmem:s15], $0x2710  }
0x14: {  	_ =	swait.ge [sflag:s16], $0x2710  }
0x15: {  	[sflag:s16] =	ssyncset.done $0x0  }
0x16: {  	[sflag:s16] =	ssyncadd.s32 $0xFFFFD8F0  }
.LBB2_1:
0x17: {  	[spmem:s15], [sflag:s12] =	dma.local [hbm:s8], $0x2710  }
.Ltmp2:
0x18: {  	_ =	swait.ge [sflag:s16], $0x2710;
	(pc) =	sbr.rel @p0 .LBB2_6-.Ltmp2, $4  }
0x19: {  	[sflag:s16] =	ssyncset.done $0x0  }
0x1a: {  	[sflag:s16] =	ssyncadd.s32 $0xFFFFD8F0  }
0x1b: {  	[bflag:$0x0] =	sbarrier.arrive $0xFFFF  }
0x1c: {  	s26 =	simm.s32 $0x0;
	s28 =	simm.s32 $0x0  }
.LBB2_2:
0x1d: {  	s28 =	smul.u32 $0x28, s26;
	_ =	sdelay $0x1  }
0x1e: {  	s28 =	sadd.s32 s11, s28  }
0x1f: {  	s28 =	sshll.u32 s28, $0x4  }
0x20: {  	s30 =	simm.s32 $0x0;
	s29 =	sadd.s32 s6, s28  }
0x21: {  	[tilespmem:s30], [sflag:$0x3] =	stream.linear.gather [hbm4b:s29+s30], $0x1400, $0x38;
	[tilespmem:$0x1E0C0] =	vst v63  }
0x22: {  	_ =	swait.ge [sflag:s16], $0x1400  }
0x23: {  	[sflag:s16] =	ssyncset.done $0x0  }
0x24: {  	s28 =	sadd.s32 s7, s28;
	[sflag:s16] =	ssyncadd.s32 $0xFFFFEC00  }
0x25: {  	[tilespmem:s17], [sflag:$0x3] =	stream.linear.gather [hbm4b:s28+s30], $0x1400, $0x38;
	[tilespmem:$0x1E0C0] =	vst v63  }
0x26: {  	_ =	swait.ge [sflag:s16], $0x1400  }
0x27: {  	[sflag:s16] =	ssyncset.done $0x0  }
0x28: {  	[sflag:s16] =	ssyncadd.s32 $0xFFFFEC00  }
0x29: {  	[tilespmem:s19], [sflag:$0x1] =	stream.indirect.gather [hbm4b:s4+s18], $0x80, s30, s18, $0xb8;
	[tilespmem:$0x1E0C0] =	vst v63  }
0x2a: {  	_ =	swait.ge [sflag:s20], $0x4000  }
0x2b: {  	[sflag:s20] =	ssyncset.done $0x0  }
0x2c: {  	s28 =	simm.s32 $0x80;
	[sflag:s20] =	ssyncadd.s32 $0xFFFFC000  }
0x2d: {  	[tilespmem:s21], [sflag:$0x2] =	stream.indirect.gather [hbm4b:s4+s18], $0x80, s28, s18, $0xb8;
	[tilespmem:$0x1E0C0] =	vst v63  }
0x2e: {  	s28 =	simm.s32 $0x1400  }
0x2f: {  	[spmem:s1] =	stream.indirect.scatter.add.f32 [tilespmem:s19], [sflag:$0x3], $0x80, s28, s18, $0xb8;
	[tilespmem:$0x1E0C0] =	vst v63  }
0x30: {  	_ =	swait.ge [sflag:s16], $0x4000  }
0x31: {  	[sflag:s16] =	ssyncset.done $0x0  }
0x32: {  	[sflag:s16] =	ssyncadd.s32 $0xFFFFC000  }
0x33: {  	_ =	swait.ge [sflag:s22], $0x4000  }
0x34: {  	[sflag:s22] =	ssyncset.done $0x0  }
0x35: {  	s28 =	simm.s32 $0x100;
	[sflag:s22] =	ssyncadd.s32 $0xFFFFC000  }
0x36: {  	[tilespmem:s19], [sflag:$0x1] =	stream.indirect.gather [hbm4b:s4+s18], $0x80, s28, s18, $0xb8;
	[tilespmem:$0x1E0C0] =	vst v63  }
0x37: {  	s28 =	simm.s32 $0x1480  }
0x38: {  	[spmem:s1] =	stream.indirect.scatter.add.f32 [tilespmem:s21], [sflag:$0x3], $0x80, s28, s18, $0xb8;
	[tilespmem:$0x1E0C0] =	vst v63  }
0x39: {  	_ =	swait.ge [sflag:s16], $0x4000  }
0x3a: {  	s28 =	simm.s32 $0x400;
	[sflag:s16] =	ssyncset.done $0x0  }
.LBB2_3:
0x3b: {  	p1 =	sne.s32 s28, $0x4800  }
0x3c: {  	[sflag:s16] =	ssyncadd.s32 $0xFFFFC000;
	s29 =	smov.u32 s28;
	s28 =	sadd.s32 $0x400, s28  }
0x3d: {  	_ = 	snop  }
0x3e: {  	_ =	swait.ge [sflag:s20], $0x4000  }
0x3f: {  	s29 =	sshra.s32 s29, $0x2;
	[sflag:s20] =	ssyncset.done $0x0  }
0x40: {  	s30 =	sadd.s32 $0x80, s29;
	[sflag:s20] =	ssyncadd.s32 $0xFFFFC000  }
0x41: {  	[tilespmem:s21], [sflag:$0x2] =	stream.indirect.gather [hbm4b:s4+s18], $0x80, s30, s18, $0xb8;
	[tilespmem:$0x1E0C0] =	vst v63  }
0x42: {  	s30 =	sadd.s32 $0x1400, s29  }
0x43: {  	[spmem:s1] =	stream.indirect.scatter.add.f32 [tilespmem:s19], [sflag:$0x3], $0x80, s30, s18, $0xb8;
	[tilespmem:$0x1E0C0] =	vst v63  }
0x44: {  	_ =	swait.ge [sflag:s16], $0x4000  }
0x45: {  	[sflag:s16] =	ssyncset.done $0x0  }
0x46: {  	[sflag:s16] =	ssyncadd.s32 $0xFFFFC000  }
0x47: {  	_ =	swait.ge [sflag:s22], $0x4000  }
0x48: {  	[sflag:s22] =	ssyncset.done $0x0  }
0x49: {  	s30 =	sadd.s32 $0x100, s29;
	[sflag:s22] =	ssyncadd.s32 $0xFFFFC000  }
0x4a: {  	[tilespmem:s19], [sflag:$0x1] =	stream.indirect.gather [hbm4b:s4+s18], $0x80, s30, s18, $0xb8;
	[tilespmem:$0x1E0C0] =	vst v63  }
.Ltmp3:
0x4b: {  	_ = 	snop;
	(pc) =	sbr.rel @p1 .LBB2_3-.Ltmp3, $4  }
0x4c: {  	s29 =	sadd.s32 $0x1480, s29  }
0x4d: {  	[spmem:s1] =	stream.indirect.scatter.add.f32 [tilespmem:s21], [sflag:$0x3], $0x80, s29, s18, $0xb8;
	[tilespmem:$0x1E0C0] =	vst v63  }
0x4e: {  	_ =	swait.ge [sflag:s16], $0x4000  }
0x4f: {  	[sflag:s16] =	ssyncset.done $0x0  }
0x50: {  	[sflag:s16] =	ssyncadd.s32 $0xFFFFC000  }
0x51: {  	_ =	swait.ge [sflag:s20], $0x4000  }
0x52: {  	[sflag:s20] =	ssyncset.done $0x0  }
0x53: {  	[sflag:s20] =	ssyncadd.s32 $0xFFFFC000  }
0x54: {  	[tilespmem:s21], [sflag:$0x2] =	stream.indirect.gather [hbm4b:s4+s18], $0x80, s23, s18, $0xb8;
	[tilespmem:$0x1E0C0] =	vst v63  }
0x55: {  	_ = 	snop  }
0x56: {  	[spmem:s1] =	stream.indirect.scatter.add.f32 [tilespmem:s19], [sflag:$0x3], $0x80, s24, s18, $0xb8;
	[tilespmem:$0x1E0C0] =	vst v63  }
0x57: {  	_ =	swait.ge [sflag:s16], $0x4000  }
0x58: {  	[sflag:s16] =	ssyncset.done $0x0  }
0x59: {  	[sflag:s16] =	ssyncadd.s32 $0xFFFFC000  }
0x5a: {  	s26 =	sadd.s32 $0x1, s26;
	_ =	swait.ge [sflag:s22], $0x4000  }
0x5b: {  	p1 =	seq.s32 s26, $0x4;
	[sflag:s22] =	ssyncset.done $0x0  }
.Ltmp4:
0x5c: {  	[sflag:s22] =	ssyncadd.s32 $0xFFFFC000;
	(pc) =	sbr.rel @!p1 .LBB2_2-.Ltmp4, $4  }
0x5d: {  	[spmem:s1] =	stream.indirect.scatter.add.f32 [tilespmem:s21], [sflag:$0x3], $0x80, s25, s18, $0xb8;
	[tilespmem:$0x1E0C0] =	vst v63  }
0x5e: {  	_ =	swait.ge [sflag:s16], $0x4000  }
0x5f: {  	[sflag:s16] =	ssyncset.done $0x0  }
0x60: {  	[sflag:s16] =	ssyncadd.s32 $0xFFFFC000  }
.Ltmp5:
0x61: {  	(pc) =	sbr.rel .LBB2_10-.Ltmp5, $2  }
0x62: {  	_ =	sdelay $0x2  }
0x63: {  	s26 =	smov.u32 s9  }
.LBB2_6:
0x64: {  	s26 =	smul.u32 $0x28, s28;
	_ =	sdelay $0x1  }
0x65: {  	s26 =	sadd.s32 s11, s26  }
0x66: {  	s26 =	sshll.u32 s26, $0x4  }
0x67: {  	s30 =	simm.s32 $0x0;
	s29 =	sadd.s32 s6, s26  }
0x68: {  	[tilespmem:s30], [sflag:$0x3] =	stream.linear.gather [hbm4b:s29+s30], $0x1400, $0x38;
	[tilespmem:$0x1E0C0] =	vst v63  }
0x69: {  	_ =	swait.ge [sflag:s16], $0x1400  }
0x6a: {  	[sflag:s16] =	ssyncset.done $0x0  }
0x6b: {  	s26 =	sadd.s32 s7, s26;
	[sflag:s16] =	ssyncadd.s32 $0xFFFFEC00  }
0x6c: {  	[tilespmem:s17], [sflag:$0x3] =	stream.linear.gather [hbm4b:s26+s30], $0x1400, $0x38;
	[tilespmem:$0x1E0C0] =	vst v63  }
0x6d: {  	_ =	swait.ge [sflag:s16], $0x1400  }
0x6e: {  	[sflag:s16] =	ssyncset.done $0x0  }
0x6f: {  	[sflag:s16] =	ssyncadd.s32 $0xFFFFEC00  }
0x70: {  	[tilespmem:s19], [sflag:$0x1] =	stream.indirect.gather [hbm4b:s5+s18], $0x80, s30, s18, $0xb8;
	[tilespmem:$0x1E0C0] =	vst v63  }
0x71: {  	_ =	swait.ge [sflag:s20], $0x4000  }
0x72: {  	[sflag:s20] =	ssyncset.done $0x0  }
0x73: {  	s31 =	simm.s32 $0x80;
	[sflag:s20] =	ssyncadd.s32 $0xFFFFC000  }
0x74: {  	[tilespmem:s21], [sflag:$0x2] =	stream.indirect.gather [hbm4b:s5+s18], $0x80, s31, s18, $0xb8;
	[tilespmem:$0x1E0C0] =	vst v63  }
0x75: {  	s29 =	simm.s32 $0x1400  }
0x76: {  	[spmem:s1] =	stream.indirect.scatter.add.f32 [tilespmem:s19], [sflag:$0x3], $0x80, s29, s18, $0xb8;
	[tilespmem:$0x1E0C0] =	vst v63  }
0x77: {  	_ =	swait.ge [sflag:s16], $0x4000  }
0x78: {  	[sflag:s16] =	ssyncset.done $0x0  }
0x79: {  	[sflag:s16] =	ssyncadd.s32 $0xFFFFC000  }
0x7a: {  	_ =	swait.ge [sflag:s22], $0x4000  }
0x7b: {  	[sflag:s22] =	ssyncset.done $0x0  }
0x7c: {  	s30 =	simm.s32 $0x100;
	[sflag:s22] =	ssyncadd.s32 $0xFFFFC000  }
0x7d: {  	[tilespmem:s19], [sflag:$0x1] =	stream.indirect.gather [hbm4b:s5+s18], $0x80, s30, s18, $0xb8;
	[tilespmem:$0x1E0C0] =	vst v63  }
0x7e: {  	s31 =	simm.s32 $0x1480  }
0x7f: {  	[spmem:s1] =	stream.indirect.scatter.add.f32 [tilespmem:s21], [sflag:$0x3], $0x80, s31, s18, $0xb8;
	[tilespmem:$0x1E0C0] =	vst v63  }
0x80: {  	_ =	swait.ge [sflag:s16], $0x4000  }
0x81: {  	s26 =	simm.s32 $0x400;
	[sflag:s16] =	ssyncset.done $0x0  }
.LBB2_7:
0x82: {  	p1 =	sne.s32 s26, $0x4800  }
0x83: {  	[sflag:s16] =	ssyncadd.s32 $0xFFFFC000;
	s29 =	smov.u32 s26;
	s26 =	sadd.s32 $0x400, s26  }
0x84: {  	_ = 	snop  }
0x85: {  	_ =	swait.ge [sflag:s20], $0x4000  }
0x86: {  	s29 =	sshra.s32 s29, $0x2;
	[sflag:s20] =	ssyncset.done $0x0  }
0x87: {  	s30 =	sadd.s32 $0x80, s29;
	[sflag:s20] =	ssyncadd.s32 $0xFFFFC000  }
0x88: {  	[tilespmem:s21], [sflag:$0x2] =	stream.indirect.gather [hbm4b:s5+s18], $0x80, s30, s18, $0xb8;
	[tilespmem:$0x1E0C0] =	vst v63  }
0x89: {  	s30 =	sadd.s32 $0x1400, s29  }
0x8a: {  	[spmem:s1] =	stream.indirect.scatter.add.f32 [tilespmem:s19], [sflag:$0x3], $0x80, s30, s18, $0xb8;
	[tilespmem:$0x1E0C0] =	vst v63  }
0x8b: {  	_ =	swait.ge [sflag:s16], $0x4000  }
0x8c: {  	[sflag:s16] =	ssyncset.done $0x0  }
0x8d: {  	[sflag:s16] =	ssyncadd.s32 $0xFFFFC000  }
0x8e: {  	_ =	swait.ge [sflag:s22], $0x4000  }
0x8f: {  	[sflag:s22] =	ssyncset.done $0x0  }
0x90: {  	s30 =	sadd.s32 $0x100, s29;
	[sflag:s22] =	ssyncadd.s32 $0xFFFFC000  }
0x91: {  	[tilespmem:s19], [sflag:$0x1] =	stream.indirect.gather [hbm4b:s5+s18], $0x80, s30, s18, $0xb8;
	[tilespmem:$0x1E0C0] =	vst v63  }
.Ltmp6:
0x92: {  	_ = 	snop;
	(pc) =	sbr.rel @p1 .LBB2_7-.Ltmp6, $4  }
0x93: {  	s29 =	sadd.s32 $0x1480, s29  }
0x94: {  	[spmem:s1] =	stream.indirect.scatter.add.f32 [tilespmem:s21], [sflag:$0x3], $0x80, s29, s18, $0xb8;
	[tilespmem:$0x1E0C0] =	vst v63  }
0x95: {  	_ =	swait.ge [sflag:s16], $0x4000  }
0x96: {  	[sflag:s16] =	ssyncset.done $0x0  }
0x97: {  	[sflag:s16] =	ssyncadd.s32 $0xFFFFC000  }
0x98: {  	_ =	swait.ge [sflag:s20], $0x4000  }
0x99: {  	[sflag:s20] =	ssyncset.done $0x0  }
0x9a: {  	[sflag:s20] =	ssyncadd.s32 $0xFFFFC000  }
0x9b: {  	[tilespmem:s21], [sflag:$0x2] =	stream.indirect.gather [hbm4b:s5+s18], $0x80, s23, s18, $0xb8;
	[tilespmem:$0x1E0C0] =	vst v63  }
0x9c: {  	_ = 	snop  }
0x9d: {  	[spmem:s1] =	stream.indirect.scatter.add.f32 [tilespmem:s19], [sflag:$0x3], $0x80, s24, s18, $0xb8;
	[tilespmem:$0x1E0C0] =	vst v63  }
0x9e: {  	_ =	swait.ge [sflag:s16], $0x4000  }
0x9f: {  	[sflag:s16] =	ssyncset.done $0x0  }
0xa0: {  	[sflag:s16] =	ssyncadd.s32 $0xFFFFC000  }
0xa1: {  	s28 =	sadd.s32 $0x1, s28;
	_ =	swait.ge [sflag:s22], $0x4000  }
0xa2: {  	p1 =	sne.s32 s28, $0x4;
	[sflag:s22] =	ssyncset.done $0x0  }
.Ltmp7:
0xa3: {  	[sflag:s22] =	ssyncadd.s32 $0xFFFFC000;
	(pc) =	sbr.rel @p1 .LBB2_6-.Ltmp7, $4  }
0xa4: {  	[spmem:s1] =	stream.indirect.scatter.add.f32 [tilespmem:s21], [sflag:$0x3], $0x80, s25, s18, $0xb8;
	[tilespmem:$0x1E0C0] =	vst v63  }
0xa5: {  	_ =	swait.ge [sflag:s16], $0x4000  }
0xa6: {  	[sflag:s16] =	ssyncset.done $0x0  }
0xa7: {  	[sflag:s16] =	ssyncadd.s32 $0xFFFFC000  }
.Ltmp8:
0xa8: {  	(pc) =	sbr.rel .LBB2_10-.Ltmp8, $2  }
0xa9: {  	_ =	sdelay $0x2  }
0xaa: {  	s26 =	smov.u32 s10  }
.LBB2_11:
0xab: {  	_ =	sfence.sel $0x180000  }
0xac: {  	[bflag:$0x0] =	sbarrier.arrive $0xFFFF  }
0xad: {  	p0 =	sne.s32 s3, $0x0;
	_ =	strace $0x9000004A  }
0xae: {  	s0 =	sadd.s32 @!p0 $0x100000, s0;
	[bflag:$0x2] =	sbarrier.arrive $0xFFFF  }
0xaf: {  	[sflag:s0] =	ssyncadd.tile.s32 @!p0 $0x1;
	_ =	shalt  }
.Lfunc_end2:
_tile_overlayer_lowered:
.L_overlay_start_2:
0xb0: {  	(tag) =	ssettag $0x2  }
0xb1: {  	s0 =	rddreg [dreg:$0x0];
	s2 =	stileid.u32  }
0xb2: {  	s1 =	rddreg [dreg:$0x1];
	p0 =	sne.s32 s2, $0x0  }
0xb3: {  	s3 =	rddreg [dreg:$0x2];
	[bflag:$0x3] =	sbarrier.arrive $0xFFFF;
	s2 =	simm.s32 @!p0 $0x1C03  }
0xb4: {  	[timem:s3], [sflag:s2] =	dma.local @!p0 [hbm:s0], s1  }
0xb5: {  	s0 =	simm.s32 @!p0 $0x3  }
0xb6: {  	_ =	swait.ge @!p0 [sflag:s0], s1  }
0xb7: {  	s1 =	ssub.s32 @!p0 $0x0, s1;
	[sflag:s0] =	ssyncset.done @!p0 $0x0  }
0xb8: {  	[sflag:s0] =	ssyncadd.s32 @!p0 s1  }
0xb9: {  	[bflag:$0x3] =	sbarrier.arrive $0xFFFF  }
0xba: {  	_ =	shalt  }

// kernel: kernel.14.cloned.1.call-start
scs
__scs_entry_jumppad:
0x0: {  	(pc) =	sbr.rel $0x88, $3  }
0x1: {  	(tag) =	ssettag $0x0;
	lr =	simm.s32 $0x1  }
0x2: {  	[smem:$0x3F8E] =	sst lr;
	_ =	strace $0xD0000000  }
0x3: {  	_ = 	snop  }
0x4: {  	_ = 	snop  }
0x5: {  	_ = 	snop  }
0x6: {  	_ = 	snop  }
0x7: {  	_ = 	snop  }
__scs_overlays_trampoline_lowered:
0x8: {  	[smem:$0x3F9D] =	sst s0  }
0x9: {  	[smem:$0x3F9E] =	sst s1  }
0xa: {  	[smem:$0x3F9F] =	sst s2  }
0xb: {  	[smem:$0x3FA0] =	sst s3  }
0xc: {  	[smem:$0x3FA1] =	sst s4  }
0xd: {  	[smem:$0x3FA2] =	sst s5  }
0xe: {  	[smem:$0x3FA3] =	sst s6  }
0xf: {  	[smem:$0x3FA4] =	sst s7  }
0x10: {  	[smem:$0x3FA5] =	sst s8  }
0x11: {  	[smem:$0x3FA6] =	sst s9;
	s0 =	simm.s32 @!p0 $0x0  }
0x12: {  	s1 =	sld [smem:$0x3F8C];
	s0 =	simm.s32 @p0 $0x1  }
0x13: {  	[smem:$0x3FA7] =	sst s0;
	s0 =	simm.s32 @!p1 $0x0  }
0x14: {  	s2 =	sld [smem:$0x3F8B];
	s0 =	simm.s32 @p1 $0x1  }
0x15: {  	[smem:$0x3FA8] =	sst s0;
	s0 =	simm.s32 @!p2 $0x0  }
0x16: {  	s3 =	sld [smem:$0x3FDB];
	s0 =	simm.s32 @p2 $0x1  }
0x17: {  	s4 =	simm.s32 $0x1BF5;
	[smem:$0x3FAA] =	sst s0  }
0x18: {  	s0 =	sld [smem:$0x3F8D];
	_ =	swait.ge [sflag:s4], $0x0  }
0x19: {  	s7 =	sld [smem:$0x3F8E]  }
0x1a: {  	s8 =	sadd.s32 $0xFFFFE003, lr  }
0x1b: {  	s9 =	sadd.s32 $0xFFFFFEF7, lr;
	s5 =	simm.s32 $0xFFFFFFFF;
	p2 =	slt.u32 s8, $0xFFFFF086  }
0x1c: {  	p1 =	slt.u32 s9, $0xF7A;
	s5 =	simm.s32 @!p2 $0x0  }
0x1d: {  	s5 =	simm.s32 @p1 $0x1;
	p0 =	seq.s32 s7, s2  }
0x1e: {  	s7 =	smul.u32 @!p0 $0xF7A, s2;
	p2 =	seq.s32 @!p0 s5, $0x0  }
0x1f: {  	s9 =	smul.u32 $0xF7A, s1;
	s8 =	simm.s32 @!p0 $0x1BF5;
	p2 =	por !p2, p0  }
0x20: {  	[sflag:s8] =	ssyncset.s32 @!p0 $0xFFFFF086;
	s6 =	sadd.s32 @!p0 s3, s7;
	s7 =	simm.s32 @!p0 $0x108  }
0x21: {  	s3 =	sadd.s32 s3, s9;
	s6 =	sadd.s32 @!p0 $0x88, s6;
	s7 =	simm.s32 @p2 $0x1082  }
0x22: {  	[simem:s7], [sflag:s8] =	dma.local @!p0 [hbm:s6], $0xF7A  }
0x23: {  	s9 =	sor.u32 $0xD0000000, s2;
	s6 =	simm.s32 $0x108;
	_ =	swait.ge @!p0 [sflag:s8], $0x0  }
0x24: {  	s3 =	sadd.s32 $0x88, s3;
	s6 =	simm.s32 @!p1 $0x1082;
	[sflag:s4] =	ssyncset.s32 $0xFFFFF086  }
0x25: {  	[simem:s6], [sflag:s4] =	dma.local [hbm:s3], $0xF7A  }
0x26: {  	[smem:$0x3F8E] =	sst s1;
	(tag) =	ssettag s2;
	_ =	strace s9  }
0x27: {  	s1 =	sld [smem:$0x3F9E]  }
0x28: {  	s2 =	sld [smem:$0x3F9F]  }
0x29: {  	s4 =	sld [smem:$0x3FA1]  }
0x2a: {  	p0 =	seq.s32 s5, $0x0;
	s5 =	sld [smem:$0x3FA2]  }
0x2b: {  	s6 =	sld [smem:$0x3FA3]  }
0x2c: {  	s7 =	sld [smem:$0x3FA4]  }
0x2d: {  	s3 =	simm.s32 $0x108;
	s8 =	sld [smem:$0x3FA5]  }
0x2e: {  	s3 =	simm.s32 @!p0 $0x1082;
	s9 =	sld [smem:$0x3FA6]  }
0x2f: {  	lr =	sadd.s32 s0, s3;
	s0 =	sld [smem:$0x3F9D]  }
0x30: {  	s3 =	sld [smem:$0x3FA0]  }
0x31: {  	[smem:$0x3FA9] =	sst s10  }
0x32: {  	s10 =	sld [smem:$0x3FA7];
	_ =	sdelay $0x3  }
0x33: {  	p0 =	seq.s32 s10, $0x1;
	s10 =	sld [smem:$0x3FA9];
	_ =	sdelay $0x3  }
0x34: {  	[smem:$0x3FA9] =	sst s10  }
0x35: {  	s10 =	sld [smem:$0x3FA8];
	_ =	sdelay $0x3  }
0x36: {  	p1 =	seq.s32 s10, $0x1;
	s10 =	sld [smem:$0x3FA9];
	_ =	sdelay $0x3  }
0x37: {  	[smem:$0x3FA9] =	sst s10  }
0x38: {  	s10 =	sld [smem:$0x3FAA]  }
0x39: {  	_ = 	snop;
	(pc) =	sbr.ind lr, $3  }
0x3a: {  	_ = 	snop  }
0x3b: {  	_ = 	snop  }
0x3c: {  	p2 =	seq.s32 s10, $0x1;
	s10 =	sld [smem:$0x3FA9]  }
0x3d: {  	_ =	shalt  }
0x3e: {  	_ =	shalt  }
0x3f: {  	_ =	shalt  }
0x40: {  	_ =	shalt  }
0x41: {  	_ =	shalt  }
0x42: {  	_ =	shalt  }
0x43: {  	_ =	shalt  }
0x44: {  	_ =	shalt  }
0x45: {  	_ =	shalt  }
0x46: {  	_ =	shalt  }
0x47: {  	_ =	shalt  }
0x48: {  	_ =	shalt  }
0x49: {  	_ =	shalt  }
0x4a: {  	_ =	shalt  }
0x4b: {  	_ =	shalt  }
0x4c: {  	_ =	shalt  }
0x4d: {  	_ =	shalt  }
0x4e: {  	_ =	shalt  }
0x4f: {  	_ =	shalt  }
0x50: {  	_ =	shalt  }
0x51: {  	_ =	shalt  }
0x52: {  	_ =	shalt  }
0x53: {  	_ =	shalt  }
0x54: {  	_ =	shalt  }
0x55: {  	_ =	shalt  }
0x56: {  	_ =	shalt  }
0x57: {  	_ =	shalt  }
0x58: {  	_ =	shalt  }
0x59: {  	_ =	shalt  }
0x5a: {  	_ =	shalt  }
0x5b: {  	_ =	shalt  }
0x5c: {  	_ =	shalt  }
0x5d: {  	_ =	shalt  }
0x5e: {  	_ =	shalt  }
0x5f: {  	_ =	shalt  }
0x60: {  	_ =	shalt  }
0x61: {  	_ =	shalt  }
0x62: {  	_ =	shalt  }
0x63: {  	_ =	shalt  }
0x64: {  	_ =	shalt  }
0x65: {  	_ =	shalt  }
0x66: {  	_ =	shalt  }
0x67: {  	_ =	shalt  }
0x68: {  	_ =	shalt  }
0x69: {  	_ =	shalt  }
0x6a: {  	_ =	shalt  }
0x6b: {  	_ =	shalt  }
0x6c: {  	_ =	shalt  }
0x6d: {  	_ =	shalt  }
0x6e: {  	_ =	shalt  }
0x6f: {  	_ =	shalt  }
0x70: {  	_ =	shalt  }
0x71: {  	_ =	shalt  }
0x72: {  	_ =	shalt  }
0x73: {  	_ =	shalt  }
0x74: {  	_ =	shalt  }
0x75: {  	_ =	shalt  }
0x76: {  	_ =	shalt  }
0x77: {  	_ =	shalt  }
0x78: {  	_ =	shalt  }
0x79: {  	_ =	shalt  }
0x7a: {  	_ =	shalt  }
0x7b: {  	_ =	shalt  }
0x7c: {  	_ =	shalt  }
0x7d: {  	_ =	shalt  }
0x7e: {  	_ =	shalt  }
0x7f: {  	_ =	shalt  }
0x80: {  	_ =	shalt  }
0x81: {  	_ =	shalt  }
0x82: {  	_ =	shalt  }
0x83: {  	_ =	shalt  }
0x84: {  	_ =	shalt  }
0x85: {  	_ =	shalt  }
0x86: {  	_ =	shalt  }
0x87: {  	_ =	shalt  }
.Lfunc_end0:
.L_simem_size_0:
called_computation.2_lowered:
.L_overlay_start_0:
0x88: {  	s2 =	sld [smem:$0x3FD9]  }
0x89: {  	s3 =	sld [smem:$0x3FFE];
	_ =	sdelay $0x1  }
0x8a: {  	s1 =	srdreg.scid  }
0x8b: {  	s0 =	sand.u32 $0x1, s1  }
0x8c: {  	s16 =	sshll.u32 s0, $0xA;
	s2 =	sadd.s32 s3, s2  }
0x8d: {  	s2 =	sadd.s32 s2, s16  }
0x8e: {  	[smem:$0x3FB5] =	sst s2  }
0x8f: {  	_ = 	snop  }
0x90: {  	(tm) =	ssettm $0x1  }
0x91: {  	s17 =	sld [smem:$0x3FFB];
	_ =	sdelay $0x3  }
0x92: {  	_ =	strace s17  }
0x93: {  	s2 =	sld [smem:$0x3FFC];
	_ =	sdelay $0x3  }
0x94: {  	_ =	strace s2  }
0x95: {  	s2 =	sld [smem:$0x3FFD];
	_ =	sdelay $0x3  }
0x96: {  	_ =	strace s2  }
0x97: {  	_ =	strace $0x8FFFFFFF  }
0x98: {  	s18 =	sld [smem:$0x3FDB];
	_ =	sdelay $0x1  }
0x99: {  	s19 =	simm.s32 $_scs_section_size  }
0x9a: {  	s4 =	simm.s32 $_size__tile_overlayer_lowered;
	s5 =	simm.s32 $_tile_overlayer_lowered  }
0x9b: {  	s22 =	simm.s32 $0x1BFF;
	s21 =	sshll.u32 s5, $0x1;
	s2 =	sadd.s32 s19, s18  }
0x9c: {  	s6 =	simm.s32 $0x0;
	s20 =	sshll.u32 s4, $0x1;
	s4 =	sadd.s32 s21, s2  }
0x9d: {  	[timem:s6], [sflag:s22] =	dma.local [hbm:s4], s20  }
0x9e: {  	_ =	swait.ge [sflag:s22], s20  }
0x9f: {  	s3 =	ssub.s32 $0x0, s20;
	[sflag:s22] =	ssyncset.done $0x0  }
0xa0: {  	[sflag:s22] =	ssyncadd.s32 s3;
	_ =	sdelay $0x1  }
0xa1: {  	s23 =	simm.s32 $0x1B8B  }
0xa2: {  	_ =	swait.ge [sflag:s23], $0x1  }
0xa3: {  	[sflag:s23] =	ssyncset.done $0x0  }
0xa4: {  	s25 =	simm.s32 $0x1B8E;
	s24 =	sld [smem:$0x3FFE];
	[sflag:s23] =	ssyncadd.s32 $0xFFFFFFFF  }
0xa5: {  	s26 =	simm.s32 $execute0_lowered;
	[smem:$0x3FD2] =	sst s25  }
0xa6: {  	s4 =	sshll.u32 s26, $0x1;
	_ =	strace $0x8000004C;
	[dreg:$0x1] =	wrdreg $0xFFFFFFFF  }
0xa7: {  	s28 =	simm.s32 $_size_execute0_lowered;
	s2 =	sadd.s32 s2, s4;
	[dreg:$0x0] =	wrdreg $0x0  }
0xa8: {  	s4 =	sshll.u32 s28, $0x1;
	[dreg:$0x2] =	wrdreg s2  }
0xa9: {  	[dreg:$0x3] =	wrdreg s4  }
0xaa: {  	[dreg:$0x4] =	wrdreg $0xC0  }
0xab: {  	_ =	task [dreg:s6], $0x5FFFF  }
0xac: {  	[dreg:$0x1] =	wrdreg $0xFFFFFFFF  }
0xad: {  	[dreg:$0x0] =	wrdreg $0x60  }
0xae: {  	[dreg:$0x2] =	wrdreg s24  }
0xaf: {  	[dreg:$0x3] =	wrdreg $0xA8000  }
0xb0: {  	[dreg:$0x4] =	wrdreg $0x9  }
0xb1: {  	_ =	task.clear_ibuf [dreg:s6], $0x5FFFF;
	_ =	strace $0x9000004C  }
0xb2: {  	s29 =	simm.s32 $0x9;
	_ =	strace $0x8000004E  }
0xb3: {  	_ =	swait.ge [sflag:s29], $0x1  }
0xb4: {  	[sflag:s29] =	ssyncadd.s32 $0xFFFFFFFF  }
0xb5: {  	_ =	strace $0x9000004E  }
0xb6: {  	_ =	sfence  }
0xb7: {  	s30 =	sld [smem:$0x0];
	_ =	sdelay $0x2  }
0xb8: {  	s31 =	sshll.u32 s1, $0xD;
	s1 =	sshrl.u32 s1, $0x2  }
0xb9: {  	s3 =	sand.u32 $0x4000, s31;
	s1 =	sadd.s32 s1, s30  }
0xba: {  	s0 =	sor.u32 s3, s0;
	s1 =	sshll.u32 s1, $0x11  }
0xbb: {  	s0 =	sor.u32 s1, s0  }
0xbc: {  	s0 =	sadd.s32 $0x8F2B, s0  }
0xbd: {  	[sflag:s0] =	ssyncadd.remote.s32 $0x1  }
0xbe: {  	_ =	sfence.sel $0xFFFF  }
0xbf: {  	[dreg:$0x0] =	wrdreg $0xFFFFFFFF;
	(pc) =	sbr.abs _section_cstart, $3  }
0xc0: {  	[dreg:$0x1] =	wrdreg $0xFFFFFFFF  }
0xc1: {  	_ =	task.clear_ibuf [dreg:s6], $0x2FFFF;
	_ =	strace $0x9FFFFFFF  }
0xc2: {  	(tm) =	ssettm $0x7FFFFFFF  }
0xc3: {  	_ =	shalt  }
tec
execute0_lowered:
.L_overlay_start_1:
0x0: {  	(tag) =	ssettag $0x1  }
0x1: {  	s10 =	rddreg [dreg:$0x0]  }
0x2: {  	s1 =	rddreg [dreg:$0x1]  }
0x3: {  	s0 =	rddreg [dreg:$0x2];
	s2 =	simm.s32 $0x0  }
0x4: {  	s7 =	srdreg.scid;
	s3 =	stileid.u32;
	s17 =	simm.s32 $0x1400  }
0x5: {  	s18 =	simm.s32 $0x80;
	s19 =	simm.s32 $0x2800;
	s20 =	simm.s32 $0x1  }
0x6: {  	s21 =	simm.s32 $0x6800;
	s22 =	simm.s32 $0x2;
	s23 =	simm.s32 $0x1380  }
0x7: {  	s24 =	simm.s32 $0x2700;
	s25 =	simm.s32 $0x2780;
	[smem:$0x7FF] =	sst s2  }
0x8: {  	s4 =	sadd.s32 $0x43C00, s10;
	s5 =	sadd.s32 $0x93400, s10;
	s6 =	sadd.s32 $0x6200, s10  }
0x9: {  	s15 =	sand.u32 $0x1, s7;
	s7 =	sadd.s32 $0x10200, s10;
	s12 =	smul.u32 $0x4E200, s3  }
0xa: {  	s8 =	sadd.s32 $0x1A200, s10;
	s9 =	sadd.s32 $0x12F800, s10;
	s10 =	sadd.s32 $0x157000, s10  }
.Ltmp0:
0xb: {  	s31 =	sshll.u32 s3, $0x6;
	s11 =	ssub.s32 $0x2, s15;
	(pc) =	sbr.rel .LBB2_1-.Ltmp0, $4  }
0xc: {  	_ =	strace $0x8000004D;
	p0 =	sne.s32 s15, $0x0;
	s13 =	sshrl.u32 s11, $0x1  }
0xd: {  	s30 =	sshrl.u32 s12, $0x2;
	s14 =	ssub.s32 s11, s13;
	s11 =	smul.u32 $0xA0, s3  }
0xe: {  	s12 =	sor.u32 $0x1C03, s31;
	s16 =	sadd.s32 s30, s1;
	s13 =	smul.u32 $0x2780, s3  }
0xf: {  	s14 =	smax.u32 s14, $0x1;
	s15 =	sshrl.u32 s16, $0x3;
	s16 =	simm.s32 $0x3  }
.LBB2_10:
0x10: {  	s2 =	sadd.s32 $0x1, s2  }
0x11: {  	p1 =	sne.s32 s2, s14  }
.Ltmp1:
0x12: {  	s26 =	sadd.s32 s26, s13;
	[bflag:$0x0] =	sbarrier.arrive $0xFFFF;
	(pc) =	sbr.rel @!p1 .LBB2_11-.Ltmp1, $4  }
0x13: {  	[hbm:s26], [sflag:s12] =	dma.local [spmem:s15], $0x2710  }
0x14: {  	_ =	swait.ge [sflag:s16], $0x2710  }
0x15: {  	[sflag:s16] =	ssyncset.done $0x0  }
0x16: {  	[sflag:s16] =	ssyncadd.s32 $0xFFFFD8F0  }
.LBB2_1:
0x17: {  	[spmem:s15], [sflag:s12] =	dma.local [hbm:s8], $0x2710  }
.Ltmp2:
0x18: {  	_ =	swait.ge [sflag:s16], $0x2710;
	(pc) =	sbr.rel @p0 .LBB2_6-.Ltmp2, $4  }
0x19: {  	[sflag:s16] =	ssyncset.done $0x0  }
0x1a: {  	[sflag:s16] =	ssyncadd.s32 $0xFFFFD8F0  }
0x1b: {  	[bflag:$0x0] =	sbarrier.arrive $0xFFFF  }
0x1c: {  	s26 =	simm.s32 $0x0;
	s28 =	simm.s32 $0x0  }
.LBB2_2:
0x1d: {  	s28 =	smul.u32 $0x28, s26;
	_ =	sdelay $0x1  }
0x1e: {  	s28 =	sadd.s32 s11, s28  }
0x1f: {  	s28 =	sshll.u32 s28, $0x4  }
0x20: {  	s30 =	simm.s32 $0x0;
	s29 =	sadd.s32 s6, s28  }
0x21: {  	[tilespmem:s30], [sflag:$0x3] =	stream.linear.gather [hbm4b:s29+s30], $0x1400, $0x38;
	[tilespmem:$0x1E0C0] =	vst v63  }
0x22: {  	_ =	swait.ge [sflag:s16], $0x1400  }
0x23: {  	[sflag:s16] =	ssyncset.done $0x0  }
0x24: {  	s28 =	sadd.s32 s7, s28;
	[sflag:s16] =	ssyncadd.s32 $0xFFFFEC00  }
0x25: {  	[tilespmem:s17], [sflag:$0x3] =	stream.linear.gather [hbm4b:s28+s30], $0x1400, $0x38;
	[tilespmem:$0x1E0C0] =	vst v63  }
0x26: {  	_ =	swait.ge [sflag:s16], $0x1400  }
0x27: {  	[sflag:s16] =	ssyncset.done $0x0  }
0x28: {  	[sflag:s16] =	ssyncadd.s32 $0xFFFFEC00  }
0x29: {  	[tilespmem:s19], [sflag:$0x1] =	stream.indirect.gather [hbm4b:s4+s18], $0x80, s30, s18, $0xb8;
	[tilespmem:$0x1E0C0] =	vst v63  }
0x2a: {  	_ =	swait.ge [sflag:s20], $0x4000  }
0x2b: {  	[sflag:s20] =	ssyncset.done $0x0  }
0x2c: {  	s28 =	simm.s32 $0x80;
	[sflag:s20] =	ssyncadd.s32 $0xFFFFC000  }
0x2d: {  	[tilespmem:s21], [sflag:$0x2] =	stream.indirect.gather [hbm4b:s4+s18], $0x80, s28, s18, $0xb8;
	[tilespmem:$0x1E0C0] =	vst v63  }
0x2e: {  	s28 =	simm.s32 $0x1400  }
0x2f: {  	[spmem:s1] =	stream.indirect.scatter.add.f32 [tilespmem:s19], [sflag:$0x3], $0x80, s28, s18, $0xb8;
	[tilespmem:$0x1E0C0] =	vst v63  }
0x30: {  	_ =	swait.ge [sflag:s16], $0x4000  }
0x31: {  	[sflag:s16] =	ssyncset.done $0x0  }
0x32: {  	[sflag:s16] =	ssyncadd.s32 $0xFFFFC000  }
0x33: {  	_ =	swait.ge [sflag:s22], $0x4000  }
0x34: {  	[sflag:s22] =	ssyncset.done $0x0  }
0x35: {  	s28 =	simm.s32 $0x100;
	[sflag:s22] =	ssyncadd.s32 $0xFFFFC000  }
0x36: {  	[tilespmem:s19], [sflag:$0x1] =	stream.indirect.gather [hbm4b:s4+s18], $0x80, s28, s18, $0xb8;
	[tilespmem:$0x1E0C0] =	vst v63  }
0x37: {  	s28 =	simm.s32 $0x1480  }
0x38: {  	[spmem:s1] =	stream.indirect.scatter.add.f32 [tilespmem:s21], [sflag:$0x3], $0x80, s28, s18, $0xb8;
	[tilespmem:$0x1E0C0] =	vst v63  }
0x39: {  	_ =	swait.ge [sflag:s16], $0x4000  }
0x3a: {  	s28 =	simm.s32 $0x400;
	[sflag:s16] =	ssyncset.done $0x0  }
.LBB2_3:
0x3b: {  	p1 =	sne.s32 s28, $0x4800  }
0x3c: {  	[sflag:s16] =	ssyncadd.s32 $0xFFFFC000;
	s29 =	smov.u32 s28;
	s28 =	sadd.s32 $0x400, s28  }
0x3d: {  	_ = 	snop  }
0x3e: {  	_ =	swait.ge [sflag:s20], $0x4000  }
0x3f: {  	s29 =	sshra.s32 s29, $0x2;
	[sflag:s20] =	ssyncset.done $0x0  }
0x40: {  	s30 =	sadd.s32 $0x80, s29;
	[sflag:s20] =	ssyncadd.s32 $0xFFFFC000  }
0x41: {  	[tilespmem:s21], [sflag:$0x2] =	stream.indirect.gather [hbm4b:s4+s18], $0x80, s30, s18, $0xb8;
	[tilespmem:$0x1E0C0] =	vst v63  }
0x42: {  	s30 =	sadd.s32 $0x1400, s29  }
0x43: {  	[spmem:s1] =	stream.indirect.scatter.add.f32 [tilespmem:s19], [sflag:$0x3], $0x80, s30, s18, $0xb8;
	[tilespmem:$0x1E0C0] =	vst v63  }
0x44: {  	_ =	swait.ge [sflag:s16], $0x4000  }
0x45: {  	[sflag:s16] =	ssyncset.done $0x0  }
0x46: {  	[sflag:s16] =	ssyncadd.s32 $0xFFFFC000  }
0x47: {  	_ =	swait.ge [sflag:s22], $0x4000  }
0x48: {  	[sflag:s22] =	ssyncset.done $0x0  }
0x49: {  	s30 =	sadd.s32 $0x100, s29;
	[sflag:s22] =	ssyncadd.s32 $0xFFFFC000  }
0x4a: {  	[tilespmem:s19], [sflag:$0x1] =	stream.indirect.gather [hbm4b:s4+s18], $0x80, s30, s18, $0xb8;
	[tilespmem:$0x1E0C0] =	vst v63  }
.Ltmp3:
0x4b: {  	_ = 	snop;
	(pc) =	sbr.rel @p1 .LBB2_3-.Ltmp3, $4  }
0x4c: {  	s29 =	sadd.s32 $0x1480, s29  }
0x4d: {  	[spmem:s1] =	stream.indirect.scatter.add.f32 [tilespmem:s21], [sflag:$0x3], $0x80, s29, s18, $0xb8;
	[tilespmem:$0x1E0C0] =	vst v63  }
0x4e: {  	_ =	swait.ge [sflag:s16], $0x4000  }
0x4f: {  	[sflag:s16] =	ssyncset.done $0x0  }
0x50: {  	[sflag:s16] =	ssyncadd.s32 $0xFFFFC000  }
0x51: {  	_ =	swait.ge [sflag:s20], $0x4000  }
0x52: {  	[sflag:s20] =	ssyncset.done $0x0  }
0x53: {  	[sflag:s20] =	ssyncadd.s32 $0xFFFFC000  }
0x54: {  	[tilespmem:s21], [sflag:$0x2] =	stream.indirect.gather [hbm4b:s4+s18], $0x80, s23, s18, $0xb8;
	[tilespmem:$0x1E0C0] =	vst v63  }
0x55: {  	_ = 	snop  }
0x56: {  	[spmem:s1] =	stream.indirect.scatter.add.f32 [tilespmem:s19], [sflag:$0x3], $0x80, s24, s18, $0xb8;
	[tilespmem:$0x1E0C0] =	vst v63  }
0x57: {  	_ =	swait.ge [sflag:s16], $0x4000  }
0x58: {  	[sflag:s16] =	ssyncset.done $0x0  }
0x59: {  	[sflag:s16] =	ssyncadd.s32 $0xFFFFC000  }
0x5a: {  	s26 =	sadd.s32 $0x1, s26;
	_ =	swait.ge [sflag:s22], $0x4000  }
0x5b: {  	p1 =	seq.s32 s26, $0x4;
	[sflag:s22] =	ssyncset.done $0x0  }
.Ltmp4:
0x5c: {  	[sflag:s22] =	ssyncadd.s32 $0xFFFFC000;
	(pc) =	sbr.rel @!p1 .LBB2_2-.Ltmp4, $4  }
0x5d: {  	[spmem:s1] =	stream.indirect.scatter.add.f32 [tilespmem:s21], [sflag:$0x3], $0x80, s25, s18, $0xb8;
	[tilespmem:$0x1E0C0] =	vst v63  }
0x5e: {  	_ =	swait.ge [sflag:s16], $0x4000  }
0x5f: {  	[sflag:s16] =	ssyncset.done $0x0  }
0x60: {  	[sflag:s16] =	ssyncadd.s32 $0xFFFFC000  }
.Ltmp5:
0x61: {  	(pc) =	sbr.rel .LBB2_10-.Ltmp5, $2  }
0x62: {  	_ =	sdelay $0x2  }
0x63: {  	s26 =	smov.u32 s9  }
.LBB2_6:
0x64: {  	s26 =	smul.u32 $0x28, s28;
	_ =	sdelay $0x1  }
0x65: {  	s26 =	sadd.s32 s11, s26  }
0x66: {  	s26 =	sshll.u32 s26, $0x4  }
0x67: {  	s30 =	simm.s32 $0x0;
	s29 =	sadd.s32 s6, s26  }
0x68: {  	[tilespmem:s30], [sflag:$0x3] =	stream.linear.gather [hbm4b:s29+s30], $0x1400, $0x38;
	[tilespmem:$0x1E0C0] =	vst v63  }
0x69: {  	_ =	swait.ge [sflag:s16], $0x1400  }
0x6a: {  	[sflag:s16] =	ssyncset.done $0x0  }
0x6b: {  	s26 =	sadd.s32 s7, s26;
	[sflag:s16] =	ssyncadd.s32 $0xFFFFEC00  }
0x6c: {  	[tilespmem:s17], [sflag:$0x3] =	stream.linear.gather [hbm4b:s26+s30], $0x1400, $0x38;
	[tilespmem:$0x1E0C0] =	vst v63  }
0x6d: {  	_ =	swait.ge [sflag:s16], $0x1400  }
0x6e: {  	[sflag:s16] =	ssyncset.done $0x0  }
0x6f: {  	[sflag:s16] =	ssyncadd.s32 $0xFFFFEC00  }
0x70: {  	[tilespmem:s19], [sflag:$0x1] =	stream.indirect.gather [hbm4b:s5+s18], $0x80, s30, s18, $0xb8;
	[tilespmem:$0x1E0C0] =	vst v63  }
0x71: {  	_ =	swait.ge [sflag:s20], $0x4000  }
0x72: {  	[sflag:s20] =	ssyncset.done $0x0  }
0x73: {  	s31 =	simm.s32 $0x80;
	[sflag:s20] =	ssyncadd.s32 $0xFFFFC000  }
0x74: {  	[tilespmem:s21], [sflag:$0x2] =	stream.indirect.gather [hbm4b:s5+s18], $0x80, s31, s18, $0xb8;
	[tilespmem:$0x1E0C0] =	vst v63  }
0x75: {  	s29 =	simm.s32 $0x1400  }
0x76: {  	[spmem:s1] =	stream.indirect.scatter.add.f32 [tilespmem:s19], [sflag:$0x3], $0x80, s29, s18, $0xb8;
	[tilespmem:$0x1E0C0] =	vst v63  }
0x77: {  	_ =	swait.ge [sflag:s16], $0x4000  }
0x78: {  	[sflag:s16] =	ssyncset.done $0x0  }
0x79: {  	[sflag:s16] =	ssyncadd.s32 $0xFFFFC000  }
0x7a: {  	_ =	swait.ge [sflag:s22], $0x4000  }
0x7b: {  	[sflag:s22] =	ssyncset.done $0x0  }
0x7c: {  	s30 =	simm.s32 $0x100;
	[sflag:s22] =	ssyncadd.s32 $0xFFFFC000  }
0x7d: {  	[tilespmem:s19], [sflag:$0x1] =	stream.indirect.gather [hbm4b:s5+s18], $0x80, s30, s18, $0xb8;
	[tilespmem:$0x1E0C0] =	vst v63  }
0x7e: {  	s31 =	simm.s32 $0x1480  }
0x7f: {  	[spmem:s1] =	stream.indirect.scatter.add.f32 [tilespmem:s21], [sflag:$0x3], $0x80, s31, s18, $0xb8;
	[tilespmem:$0x1E0C0] =	vst v63  }
0x80: {  	_ =	swait.ge [sflag:s16], $0x4000  }
0x81: {  	s26 =	simm.s32 $0x400;
	[sflag:s16] =	ssyncset.done $0x0  }
.LBB2_7:
0x82: {  	p1 =	sne.s32 s26, $0x4800  }
0x83: {  	[sflag:s16] =	ssyncadd.s32 $0xFFFFC000;
	s29 =	smov.u32 s26;
	s26 =	sadd.s32 $0x400, s26  }
0x84: {  	_ = 	snop  }
0x85: {  	_ =	swait.ge [sflag:s20], $0x4000  }
0x86: {  	s29 =	sshra.s32 s29, $0x2;
	[sflag:s20] =	ssyncset.done $0x0  }
0x87: {  	s30 =	sadd.s32 $0x80, s29;
	[sflag:s20] =	ssyncadd.s32 $0xFFFFC000  }
0x88: {  	[tilespmem:s21], [sflag:$0x2] =	stream.indirect.gather [hbm4b:s5+s18], $0x80, s30, s18, $0xb8;
	[tilespmem:$0x1E0C0] =	vst v63  }
0x89: {  	s30 =	sadd.s32 $0x1400, s29  }
0x8a: {  	[spmem:s1] =	stream.indirect.scatter.add.f32 [tilespmem:s19], [sflag:$0x3], $0x80, s30, s18, $0xb8;
	[tilespmem:$0x1E0C0] =	vst v63  }
0x8b: {  	_ =	swait.ge [sflag:s16], $0x4000  }
0x8c: {  	[sflag:s16] =	ssyncset.done $0x0  }
0x8d: {  	[sflag:s16] =	ssyncadd.s32 $0xFFFFC000  }
0x8e: {  	_ =	swait.ge [sflag:s22], $0x4000  }
0x8f: {  	[sflag:s22] =	ssyncset.done $0x0  }
0x90: {  	s30 =	sadd.s32 $0x100, s29;
	[sflag:s22] =	ssyncadd.s32 $0xFFFFC000  }
0x91: {  	[tilespmem:s19], [sflag:$0x1] =	stream.indirect.gather [hbm4b:s5+s18], $0x80, s30, s18, $0xb8;
	[tilespmem:$0x1E0C0] =	vst v63  }
.Ltmp6:
0x92: {  	_ = 	snop;
	(pc) =	sbr.rel @p1 .LBB2_7-.Ltmp6, $4  }
0x93: {  	s29 =	sadd.s32 $0x1480, s29  }
0x94: {  	[spmem:s1] =	stream.indirect.scatter.add.f32 [tilespmem:s21], [sflag:$0x3], $0x80, s29, s18, $0xb8;
	[tilespmem:$0x1E0C0] =	vst v63  }
0x95: {  	_ =	swait.ge [sflag:s16], $0x4000  }
0x96: {  	[sflag:s16] =	ssyncset.done $0x0  }
0x97: {  	[sflag:s16] =	ssyncadd.s32 $0xFFFFC000  }
0x98: {  	_ =	swait.ge [sflag:s20], $0x4000  }
0x99: {  	[sflag:s20] =	ssyncset.done $0x0  }
0x9a: {  	[sflag:s20] =	ssyncadd.s32 $0xFFFFC000  }
0x9b: {  	[tilespmem:s21], [sflag:$0x2] =	stream.indirect.gather [hbm4b:s5+s18], $0x80, s23, s18, $0xb8;
	[tilespmem:$0x1E0C0] =	vst v63  }
0x9c: {  	_ = 	snop  }
0x9d: {  	[spmem:s1] =	stream.indirect.scatter.add.f32 [tilespmem:s19], [sflag:$0x3], $0x80, s24, s18, $0xb8;
	[tilespmem:$0x1E0C0] =	vst v63  }
0x9e: {  	_ =	swait.ge [sflag:s16], $0x4000  }
0x9f: {  	[sflag:s16] =	ssyncset.done $0x0  }
0xa0: {  	[sflag:s16] =	ssyncadd.s32 $0xFFFFC000  }
0xa1: {  	s28 =	sadd.s32 $0x1, s28;
	_ =	swait.ge [sflag:s22], $0x4000  }
0xa2: {  	p1 =	sne.s32 s28, $0x4;
	[sflag:s22] =	ssyncset.done $0x0  }
.Ltmp7:
0xa3: {  	[sflag:s22] =	ssyncadd.s32 $0xFFFFC000;
	(pc) =	sbr.rel @p1 .LBB2_6-.Ltmp7, $4  }
0xa4: {  	[spmem:s1] =	stream.indirect.scatter.add.f32 [tilespmem:s21], [sflag:$0x3], $0x80, s25, s18, $0xb8;
	[tilespmem:$0x1E0C0] =	vst v63  }
0xa5: {  	_ =	swait.ge [sflag:s16], $0x4000  }
0xa6: {  	[sflag:s16] =	ssyncset.done $0x0  }
0xa7: {  	[sflag:s16] =	ssyncadd.s32 $0xFFFFC000  }
.Ltmp8:
0xa8: {  	(pc) =	sbr.rel .LBB2_10-.Ltmp8, $2  }
0xa9: {  	_ =	sdelay $0x2  }
0xaa: {  	s26 =	smov.u32 s10  }
.LBB2_11:
0xab: {  	_ =	sfence.sel $0x180000  }
0xac: {  	[bflag:$0x0] =	sbarrier.arrive $0xFFFF  }
0xad: {  	p0 =	sne.s32 s3, $0x0;
	_ =	strace $0x9000004D  }
0xae: {  	s0 =	sadd.s32 @!p0 $0x100000, s0;
	[bflag:$0x2] =	sbarrier.arrive $0xFFFF  }
0xaf: {  	[sflag:s0] =	ssyncadd.tile.s32 @!p0 $0x1;
	_ =	shalt  }
.Lfunc_end2:
_tile_overlayer_lowered:
.L_overlay_start_2:
0xb0: {  	(tag) =	ssettag $0x2  }
0xb1: {  	s0 =	rddreg [dreg:$0x0];
	s2 =	stileid.u32  }
0xb2: {  	s1 =	rddreg [dreg:$0x1];
	p0 =	sne.s32 s2, $0x0  }
0xb3: {  	s3 =	rddreg [dreg:$0x2];
	[bflag:$0x3] =	sbarrier.arrive $0xFFFF;
	s2 =	simm.s32 @!p0 $0x1C03  }
0xb4: {  	[timem:s3], [sflag:s2] =	dma.local @!p0 [hbm:s0], s1  }
0xb5: {  	s0 =	simm.s32 @!p0 $0x3  }
0xb6: {  	_ =	swait.ge @!p0 [sflag:s0], s1  }
0xb7: {  	s1 =	ssub.s32 @!p0 $0x0, s1;
	[sflag:s0] =	ssyncset.done @!p0 $0x0  }
0xb8: {  	[sflag:s0] =	ssyncadd.s32 @!p0 s1  }
0xb9: {  	[bflag:$0x3] =	sbarrier.arrive $0xFFFF  }
0xba: {  	_ =	shalt  }

// kernel: kernel.8.cloned.1.call-start
scs
__scs_entry_jumppad:
0x0: {  	(pc) =	sbr.rel $0x88, $3  }
0x1: {  	(tag) =	ssettag $0x0;
	lr =	simm.s32 $0x1  }
0x2: {  	[smem:$0x3F8E] =	sst lr;
	_ =	strace $0xD0000000  }
0x3: {  	_ = 	snop  }
0x4: {  	_ = 	snop  }
0x5: {  	_ = 	snop  }
0x6: {  	_ = 	snop  }
0x7: {  	_ = 	snop  }
__scs_overlays_trampoline_lowered:
0x8: {  	[smem:$0x3F9D] =	sst s0  }
0x9: {  	[smem:$0x3F9E] =	sst s1  }
0xa: {  	[smem:$0x3F9F] =	sst s2  }
0xb: {  	[smem:$0x3FA0] =	sst s3  }
0xc: {  	[smem:$0x3FA1] =	sst s4  }
0xd: {  	[smem:$0x3FA2] =	sst s5  }
0xe: {  	[smem:$0x3FA3] =	sst s6  }
0xf: {  	[smem:$0x3FA4] =	sst s7  }
0x10: {  	[smem:$0x3FA5] =	sst s8  }
0x11: {  	[smem:$0x3FA6] =	sst s9;
	s0 =	simm.s32 @!p0 $0x0  }
0x12: {  	s1 =	sld [smem:$0x3F8C];
	s0 =	simm.s32 @p0 $0x1  }
0x13: {  	[smem:$0x3FA7] =	sst s0;
	s0 =	simm.s32 @!p1 $0x0  }
0x14: {  	s2 =	sld [smem:$0x3F8B];
	s0 =	simm.s32 @p1 $0x1  }
0x15: {  	[smem:$0x3FA8] =	sst s0;
	s0 =	simm.s32 @!p2 $0x0  }
0x16: {  	s3 =	sld [smem:$0x3FDB];
	s0 =	simm.s32 @p2 $0x1  }
0x17: {  	s4 =	simm.s32 $0x1BF5;
	[smem:$0x3FAA] =	sst s0  }
0x18: {  	s0 =	sld [smem:$0x3F8D];
	_ =	swait.ge [sflag:s4], $0x0  }
0x19: {  	s7 =	sld [smem:$0x3F8E]  }
0x1a: {  	s8 =	sadd.s32 $0xFFFFE003, lr  }
0x1b: {  	s9 =	sadd.s32 $0xFFFFFEF7, lr;
	s5 =	simm.s32 $0xFFFFFFFF;
	p2 =	slt.u32 s8, $0xFFFFF086  }
0x1c: {  	p1 =	slt.u32 s9, $0xF7A;
	s5 =	simm.s32 @!p2 $0x0  }
0x1d: {  	s5 =	simm.s32 @p1 $0x1;
	p0 =	seq.s32 s7, s2  }
0x1e: {  	s7 =	smul.u32 @!p0 $0xF7A, s2;
	p2 =	seq.s32 @!p0 s5, $0x0  }
0x1f: {  	s9 =	smul.u32 $0xF7A, s1;
	s8 =	simm.s32 @!p0 $0x1BF5;
	p2 =	por !p2, p0  }
0x20: {  	[sflag:s8] =	ssyncset.s32 @!p0 $0xFFFFF086;
	s6 =	sadd.s32 @!p0 s3, s7;
	s7 =	simm.s32 @!p0 $0x108  }
0x21: {  	s3 =	sadd.s32 s3, s9;
	s6 =	sadd.s32 @!p0 $0x88, s6;
	s7 =	simm.s32 @p2 $0x1082  }
0x22: {  	[simem:s7], [sflag:s8] =	dma.local @!p0 [hbm:s6], $0xF7A  }
0x23: {  	s9 =	sor.u32 $0xD0000000, s2;
	s6 =	simm.s32 $0x108;
	_ =	swait.ge @!p0 [sflag:s8], $0x0  }
0x24: {  	s3 =	sadd.s32 $0x88, s3;
	s6 =	simm.s32 @!p1 $0x1082;
	[sflag:s4] =	ssyncset.s32 $0xFFFFF086  }
0x25: {  	[simem:s6], [sflag:s4] =	dma.local [hbm:s3], $0xF7A  }
0x26: {  	[smem:$0x3F8E] =	sst s1;
	(tag) =	ssettag s2;
	_ =	strace s9  }
0x27: {  	s1 =	sld [smem:$0x3F9E]  }
0x28: {  	s2 =	sld [smem:$0x3F9F]  }
0x29: {  	s4 =	sld [smem:$0x3FA1]  }
0x2a: {  	p0 =	seq.s32 s5, $0x0;
	s5 =	sld [smem:$0x3FA2]  }
0x2b: {  	s6 =	sld [smem:$0x3FA3]  }
0x2c: {  	s7 =	sld [smem:$0x3FA4]  }
0x2d: {  	s3 =	simm.s32 $0x108;
	s8 =	sld [smem:$0x3FA5]  }
0x2e: {  	s3 =	simm.s32 @!p0 $0x1082;
	s9 =	sld [smem:$0x3FA6]  }
0x2f: {  	lr =	sadd.s32 s0, s3;
	s0 =	sld [smem:$0x3F9D]  }
0x30: {  	s3 =	sld [smem:$0x3FA0]  }
0x31: {  	[smem:$0x3FA9] =	sst s10  }
0x32: {  	s10 =	sld [smem:$0x3FA7];
	_ =	sdelay $0x3  }
0x33: {  	p0 =	seq.s32 s10, $0x1;
	s10 =	sld [smem:$0x3FA9];
	_ =	sdelay $0x3  }
0x34: {  	[smem:$0x3FA9] =	sst s10  }
0x35: {  	s10 =	sld [smem:$0x3FA8];
	_ =	sdelay $0x3  }
0x36: {  	p1 =	seq.s32 s10, $0x1;
	s10 =	sld [smem:$0x3FA9];
	_ =	sdelay $0x3  }
0x37: {  	[smem:$0x3FA9] =	sst s10  }
0x38: {  	s10 =	sld [smem:$0x3FAA]  }
0x39: {  	_ = 	snop;
	(pc) =	sbr.ind lr, $3  }
0x3a: {  	_ = 	snop  }
0x3b: {  	_ = 	snop  }
0x3c: {  	p2 =	seq.s32 s10, $0x1;
	s10 =	sld [smem:$0x3FA9]  }
0x3d: {  	_ =	shalt  }
0x3e: {  	_ =	shalt  }
0x3f: {  	_ =	shalt  }
0x40: {  	_ =	shalt  }
0x41: {  	_ =	shalt  }
0x42: {  	_ =	shalt  }
0x43: {  	_ =	shalt  }
0x44: {  	_ =	shalt  }
0x45: {  	_ =	shalt  }
0x46: {  	_ =	shalt  }
0x47: {  	_ =	shalt  }
0x48: {  	_ =	shalt  }
0x49: {  	_ =	shalt  }
0x4a: {  	_ =	shalt  }
0x4b: {  	_ =	shalt  }
0x4c: {  	_ =	shalt  }
0x4d: {  	_ =	shalt  }
0x4e: {  	_ =	shalt  }
0x4f: {  	_ =	shalt  }
0x50: {  	_ =	shalt  }
0x51: {  	_ =	shalt  }
0x52: {  	_ =	shalt  }
0x53: {  	_ =	shalt  }
0x54: {  	_ =	shalt  }
0x55: {  	_ =	shalt  }
0x56: {  	_ =	shalt  }
0x57: {  	_ =	shalt  }
0x58: {  	_ =	shalt  }
0x59: {  	_ =	shalt  }
0x5a: {  	_ =	shalt  }
0x5b: {  	_ =	shalt  }
0x5c: {  	_ =	shalt  }
0x5d: {  	_ =	shalt  }
0x5e: {  	_ =	shalt  }
0x5f: {  	_ =	shalt  }
0x60: {  	_ =	shalt  }
0x61: {  	_ =	shalt  }
0x62: {  	_ =	shalt  }
0x63: {  	_ =	shalt  }
0x64: {  	_ =	shalt  }
0x65: {  	_ =	shalt  }
0x66: {  	_ =	shalt  }
0x67: {  	_ =	shalt  }
0x68: {  	_ =	shalt  }
0x69: {  	_ =	shalt  }
0x6a: {  	_ =	shalt  }
0x6b: {  	_ =	shalt  }
0x6c: {  	_ =	shalt  }
0x6d: {  	_ =	shalt  }
0x6e: {  	_ =	shalt  }
0x6f: {  	_ =	shalt  }
0x70: {  	_ =	shalt  }
0x71: {  	_ =	shalt  }
0x72: {  	_ =	shalt  }
0x73: {  	_ =	shalt  }
0x74: {  	_ =	shalt  }
0x75: {  	_ =	shalt  }
0x76: {  	_ =	shalt  }
0x77: {  	_ =	shalt  }
0x78: {  	_ =	shalt  }
0x79: {  	_ =	shalt  }
0x7a: {  	_ =	shalt  }
0x7b: {  	_ =	shalt  }
0x7c: {  	_ =	shalt  }
0x7d: {  	_ =	shalt  }
0x7e: {  	_ =	shalt  }
0x7f: {  	_ =	shalt  }
0x80: {  	_ =	shalt  }
0x81: {  	_ =	shalt  }
0x82: {  	_ =	shalt  }
0x83: {  	_ =	shalt  }
0x84: {  	_ =	shalt  }
0x85: {  	_ =	shalt  }
0x86: {  	_ =	shalt  }
0x87: {  	_ =	shalt  }
.Lfunc_end0:
.L_simem_size_0:
called_computation_lowered:
.L_overlay_start_0:
0x88: {  	s2 =	sld [smem:$0x3FD9]  }
0x89: {  	s3 =	sld [smem:$0x3FFE];
	_ =	sdelay $0x1  }
0x8a: {  	s1 =	srdreg.scid  }
0x8b: {  	s0 =	sand.u32 $0x1, s1  }
0x8c: {  	s16 =	sshll.u32 s0, $0xA;
	s2 =	sadd.s32 s3, s2  }
0x8d: {  	s2 =	sadd.s32 s2, s16  }
0x8e: {  	[smem:$0x3FB5] =	sst s2  }
0x8f: {  	_ = 	snop  }
0x90: {  	(tm) =	ssettm $0x1  }
0x91: {  	s17 =	sld [smem:$0x3FFB];
	_ =	sdelay $0x3  }
0x92: {  	_ =	strace s17  }
0x93: {  	s2 =	sld [smem:$0x3FFC];
	_ =	sdelay $0x3  }
0x94: {  	_ =	strace s2  }
0x95: {  	s2 =	sld [smem:$0x3FFD];
	_ =	sdelay $0x3  }
0x96: {  	_ =	strace s2  }
0x97: {  	_ =	strace $0x8FFFFFFF  }
0x98: {  	s18 =	sld [smem:$0x3FDB];
	_ =	sdelay $0x1  }
0x99: {  	s19 =	simm.s32 $_scs_section_size  }
0x9a: {  	s4 =	simm.s32 $_size__tile_overlayer_lowered;
	s5 =	simm.s32 $_tile_overlayer_lowered  }
0x9b: {  	s22 =	simm.s32 $0x1BFF;
	s21 =	sshll.u32 s5, $0x1;
	s2 =	sadd.s32 s19, s18  }
0x9c: {  	s6 =	simm.s32 $0x0;
	s20 =	sshll.u32 s4, $0x1;
	s4 =	sadd.s32 s21, s2  }
0x9d: {  	[timem:s6], [sflag:s22] =	dma.local [hbm:s4], s20  }
0x9e: {  	_ =	swait.ge [sflag:s22], s20  }
0x9f: {  	s3 =	ssub.s32 $0x0, s20;
	[sflag:s22] =	ssyncset.done $0x0  }
0xa0: {  	[sflag:s22] =	ssyncadd.s32 s3;
	_ =	sdelay $0x1  }
0xa1: {  	s23 =	simm.s32 $0x1B8B  }
0xa2: {  	_ =	swait.ge [sflag:s23], $0x1  }
0xa3: {  	[sflag:s23] =	ssyncset.done $0x0  }
0xa4: {  	s25 =	simm.s32 $0x1B8E;
	s24 =	sld [smem:$0x3FFE];
	[sflag:s23] =	ssyncadd.s32 $0xFFFFFFFF  }
0xa5: {  	s26 =	simm.s32 $execute0_lowered;
	[smem:$0x3FD2] =	sst s25  }
0xa6: {  	s4 =	sshll.u32 s26, $0x1;
	_ =	strace $0x80000046;
	[dreg:$0x1] =	wrdreg $0xFFFFFFFF  }
0xa7: {  	s28 =	simm.s32 $_size_execute0_lowered;
	s2 =	sadd.s32 s2, s4;
	[dreg:$0x0] =	wrdreg $0x0  }
0xa8: {  	s4 =	sshll.u32 s28, $0x1;
	[dreg:$0x2] =	wrdreg s2  }
0xa9: {  	[dreg:$0x3] =	wrdreg s4  }
0xaa: {  	[dreg:$0x4] =	wrdreg $0xC0  }
0xab: {  	_ =	task [dreg:s6], $0x5FFFF  }
0xac: {  	[dreg:$0x1] =	wrdreg $0xFFFFFFFF  }
0xad: {  	[dreg:$0x0] =	wrdreg $0x60  }
0xae: {  	[dreg:$0x2] =	wrdreg s24  }
0xaf: {  	[dreg:$0x3] =	wrdreg $0x68000  }
0xb0: {  	[dreg:$0x4] =	wrdreg $0x9  }
0xb1: {  	_ =	task.clear_ibuf [dreg:s6], $0x5FFFF;
	_ =	strace $0x90000046  }
0xb2: {  	s29 =	simm.s32 $0x9;
	_ =	strace $0x80000048  }
0xb3: {  	_ =	swait.ge [sflag:s29], $0x1  }
0xb4: {  	[sflag:s29] =	ssyncadd.s32 $0xFFFFFFFF  }
0xb5: {  	_ =	strace $0x90000048  }
0xb6: {  	_ =	sfence  }
0xb7: {  	s30 =	sld [smem:$0x0];
	_ =	sdelay $0x2  }
0xb8: {  	s31 =	sshll.u32 s1, $0xD;
	s1 =	sshrl.u32 s1, $0x2  }
0xb9: {  	s3 =	sand.u32 $0x4000, s31;
	s1 =	sadd.s32 s1, s30  }
0xba: {  	s0 =	sor.u32 s3, s0;
	s1 =	sshll.u32 s1, $0x11  }
0xbb: {  	s0 =	sor.u32 s1, s0  }
0xbc: {  	s0 =	sadd.s32 $0x8F2B, s0  }
0xbd: {  	[sflag:s0] =	ssyncadd.remote.s32 $0x1  }
0xbe: {  	_ =	sfence.sel $0xFFFF  }
0xbf: {  	[dreg:$0x0] =	wrdreg $0xFFFFFFFF;
	(pc) =	sbr.abs _section_cstart, $3  }
0xc0: {  	[dreg:$0x1] =	wrdreg $0xFFFFFFFF  }
0xc1: {  	_ =	task.clear_ibuf [dreg:s6], $0x2FFFF;
	_ =	strace $0x9FFFFFFF  }
0xc2: {  	(tm) =	ssettm $0x7FFFFFFF  }
0xc3: {  	_ =	shalt  }
tec
execute0_lowered:
.L_overlay_start_1:
0x0: {  	(tag) =	ssettag $0x1  }
0x1: {  	s9 =	rddreg [dreg:$0x0]  }
0x2: {  	s0 =	srdreg.scid;
	s2 =	rddreg [dreg:$0x1]  }
0x3: {  	s3 =	simm.s32 $0x0;
	s12 =	simm.s32 $0x44A00;
	s13 =	simm.s32 $0x80  }
0x4: {  	s14 =	simm.s32 $0x0;
	s6 =	sand.u32 $0x1, s0;
	s0 =	stileid.u32  }
0x5: {  	[smem:$0x7FF] =	sst s3;
	s1 =	sshll.u32 s6, $0x4;
	s5 =	smul.u32 $0x4E200, s0  }
0x6: {  	s8 =	ssub.s32 $0x2, s6;
	s30 =	sshll.u32 s0, $0x6;
	p0 =	seq.s32 s6, $0x1  }
0x7: {  	s31 =	smul.u32 $0x2780, s0;
	s4 =	sor.u32 s0, s1;
	s1 =	rddreg [dreg:$0x2]  }
0x8: {  	_ =	strace $0x80000047;
	s10 =	sshrl.u32 s8, $0x1;
	s6 =	sor.u32 $0x1C01, s30  }
0x9: {  	s12 =	simm.s32 @!p0 $0x1D200;
	s4 =	smul.u32 $0x500, s4;
	s11 =	sshrl.u32 s5, $0x2  }
0xa: {  	s5 =	sadd.s32 $0x1A200, s9;
	s8 =	ssub.s32 s8, s10;
	s29 =	sadd.s32 s11, s2  }
0xb: {  	s8 =	smax.u32 s8, $0x1;
	s11 =	simm.s32 $0x1;
	s7 =	sadd.s32 s4, s9  }
0xc: {  	s4 =	sadd.s32 $0x1CA00, s9;
	s9 =	sadd.s32 s12, s9;
	s10 =	sshrl.u32 s29, $0x3  }
0xd: {  	s12 =	simm.s32 $0x2800;
	s7 =	sadd.s32 $0x10200, s7;
	s9 =	sadd.s32 s9, s31  }
.LBB2_1:
0xe: {  	[spmem:s10], [sflag:s6] =	dma.local [hbm:s5], $0x2710  }
0xf: {  	_ =	swait.ge [sflag:s11], $0x2710  }
0x10: {  	[sflag:s11] =	ssyncset.done $0x0  }
0x11: {  	[sflag:s11] =	ssyncadd.s32 $0xFFFFD8F0  }
0x12: {  	[tilespmem:s12], [sflag:$0x1] =	stream.linear.gather [hbm4b:s4+s3], $0x4000, $0x38;
	[tilespmem:$0x1A0C0] =	vst v63  }
0x13: {  	_ =	swait.ge [sflag:s11], $0x4000  }
0x14: {  	[sflag:s11] =	ssyncset.done $0x0  }
0x15: {  	[sflag:s11] =	ssyncadd.s32 $0xFFFFC000  }
0x16: {  	[tilespmem:s3], [sflag:$0x1] =	stream.linear.gather [hbm4b:s7+s3], $0x2800, $0x38;
	[tilespmem:$0x1A0C0] =	vst v63  }
0x17: {  	_ =	swait.ge [sflag:s11], $0x2800  }
0x18: {  	[sflag:s11] =	ssyncset.done $0x0  }
0x19: {  	[sflag:s11] =	ssyncadd.s32 $0xFFFFD800  }
0x1a: {  	s15 =	simm.s32 $0x0;
	[bflag:$0x0] =	sbarrier.arrive $0xFFFF  }
0x1b: {  	[spmem:s2] =	stream.indirect.scatter.add.f32 [tilespmem:s12], [sflag:$0x1], $0x80, s15, s13, $0xb8;
	[tilespmem:$0x1A0C0] =	vst v63  }
0x1c: {  	_ =	swait.ge [sflag:s11], $0x4000  }
0x1d: {  	s15 =	simm.s32 $0x200;
	[sflag:s11] =	ssyncset.done $0x0  }
.LBB2_2:
0x1e: {  	s16 =	sshra.s32 s15, $0x2;
	[sflag:s11] =	ssyncadd.s32 $0xFFFFC000;
	p0 =	sne.s32 s15, $0x9E00  }
0x1f: {  	[spmem:s2] =	stream.indirect.scatter.add.f32 [tilespmem:s12], [sflag:$0x1], $0x80, s16, s13, $0xb8;
	[tilespmem:$0x1A0C0] =	vst v63  }
.Ltmp0:
0x20: {  	_ = 	snop;
	(pc) =	sbr.rel @p0 .LBB2_2-.Ltmp0, $4  }
0x21: {  	_ = 	snop  }
0x22: {  	s15 =	sadd.s32 $0x200, s15  }
0x23: {  	_ =	swait.ge [sflag:s11], $0x4000  }
0x24: {  	[sflag:s11] =	ssyncset.done $0x0  }
0x25: {  	s14 =	sadd.s32 $0x1, s14  }
0x26: {  	[sflag:s11] =	ssyncadd.s32 $0xFFFFC000;
	p0 =	sne.s32 s14, s8  }
.Ltmp1:
0x27: {  	[bflag:$0x0] =	sbarrier.arrive $0xFFFF;
	(pc) =	sbr.rel @p0 .LBB2_1-.Ltmp1, $4  }
0x28: {  	[hbm:s9], [sflag:s6] =	dma.local [spmem:s10], $0x2710  }
0x29: {  	_ =	swait.ge [sflag:s11], $0x2710  }
0x2a: {  	[sflag:s11] =	ssyncset.done $0x0  }
0x2b: {  	[sflag:s11] =	ssyncadd.s32 $0xFFFFD8F0  }
0x2c: {  	_ =	sfence.sel $0x180000  }
0x2d: {  	[bflag:$0x0] =	sbarrier.arrive $0xFFFF  }
0x2e: {  	p0 =	sne.s32 s0, $0x0;
	_ =	strace $0x90000047  }
0x2f: {  	s0 =	sadd.s32 @!p0 $0x100000, s1;
	[bflag:$0x2] =	sbarrier.arrive $0xFFFF  }
0x30: {  	[sflag:s0] =	ssyncadd.tile.s32 @!p0 $0x1;
	_ =	shalt  }
.Lfunc_end2:
_tile_overlayer_lowered:
.L_overlay_start_2:
0x31: {  	(tag) =	ssettag $0x2  }
0x32: {  	s0 =	rddreg [dreg:$0x0];
	s2 =	stileid.u32  }
0x33: {  	s1 =	rddreg [dreg:$0x1];
	p0 =	sne.s32 s2, $0x0  }
0x34: {  	s3 =	rddreg [dreg:$0x2];
	[bflag:$0x3] =	sbarrier.arrive $0xFFFF;
	s2 =	simm.s32 @!p0 $0x1C01  }
0x35: {  	[timem:s3], [sflag:s2] =	dma.local @!p0 [hbm:s0], s1  }
0x36: {  	s0 =	simm.s32 @!p0 $0x1  }
0x37: {  	_ =	swait.ge @!p0 [sflag:s0], s1  }
0x38: {  	s1 =	ssub.s32 @!p0 $0x0, s1;
	[sflag:s0] =	ssyncset.done @!p0 $0x0  }
0x39: {  	[sflag:s0] =	ssyncadd.s32 @!p0 s1  }
0x3a: {  	[bflag:$0x3] =	sbarrier.arrive $0xFFFF  }
0x3b: {  	_ =	shalt  }

</sc_bundles>
